<compile_context>
chip_gen: v7x
topology: tpu7x:2x2x1
jax: 0.10.2.dev20260603
libtpu: 0.0.44.dev20260713+nightly
codegen_flags: <defaults>
</compile_context>

<pallas_src>
import functools

import jax
import jax.numpy as jnp
from jax import lax
from jax.experimental import pallas as pl
from jax.experimental.pallas import tpu as pltpu
from jax.experimental.pallas import tpu_sc as plsc

B = 16384
L = 200
D = 16
VOCAB = 1000000
NC, NS = 2, 16
NW = NC * NS
NSEG = B * L // 128
SEG_W = NSEG // NW
SEGC = 100
NCH = SEG_W // SEGC
CH_ = SEGC * 128
EPS = 1e-9


TV_BLK = 65536


def _tv_body(t_ref, w_ref, tv_ref):
    tv_ref[...] = jnp.dot(w_ref[...], t_ref[...],
                          preferred_element_type=jnp.float32)[0]


def _make_tv(table, W):
    V = table.shape[0]
    grid = -(-V // TV_BLK)
    P = 4 * 1024 * 1024
    return pl.pallas_call(
        _tv_body,
        grid=(grid,),
        in_specs=[pl.BlockSpec((D, TV_BLK), lambda i: (0, i)),
                  pl.BlockSpec((1, D), lambda i: (0, 0))],
        out_specs=pl.BlockSpec((TV_BLK,), lambda i: (i,)),
        out_shape=jax.ShapeDtypeStruct((P,), jnp.float32),
    )(table.T, W)


def _sc_body(xq_hbm, tv_hbm, s_hbm,
             idx0, vals0, idx1, vals1, acc, tvs, sem0, sem1):
    sid = lax.axis_index("s")
    wid = sid * NC + lax.axis_index("c")
    bufs = ((idx0, vals0, sem0), (idx1, vals1, sem1))

    def stage(ci, buf):
        off = (wid * SEG_W + ci * SEGC) * 128
        pltpu.sync_copy(xq_hbm.at[pl.ds(off, CH_)], buf[0])

    def fire(buf):
        return pltpu.async_copy(tvs.at[buf[0]], buf[1], buf[2])

    def stage_fire(ci, buf):
        stage(ci, buf)
        return fire(buf)

    TVC = 20000
    for j in range(-(-VOCAB // (TVC * NS))):
        c = sid + NS * j

        @pl.when(c < VOCAB // TVC)
        def _(c=c):
            pltpu.sync_copy(tv_hbm.at[pl.ds(c * TVC, TVC)],
                            vals1.at[pl.ds(0, TVC)])
            pltpu.sync_copy(vals1.at[pl.ds(0, TVC)],
                            tvs.at[pl.ds(c * TVC, TVC)])

    stage(0, bufs[0])

    zero = jnp.zeros((16,), jnp.float32)

    def zbody(i, carry):
        acc[pl.ds(16 * i, 16)] = zero
        return carry

    lax.fori_loop(0, B // 16, zbody, 0)
    plsc.subcore_barrier()
    pending = fire(bufs[0])
    for ci in range(NCH):
        nxt = stage_fire(ci + 1, bufs[(ci + 1) % 2]) if ci + 1 < NCH else None
        pending.wait()
        vals_b = bufs[ci % 2][1]
        g0 = wid * SEG_W + ci * SEGC

        def seg_body(k, carry, vals_b=vals_b, g0=g0):
            g = g0 + k
            rbase = lax.rem(lax.div(g, 8), 128) * 128
            for m in range(8):
                a = rbase + 16 * m
                v = k * 128 + 16 * m
                acc[pl.ds(a, 16)] = acc[pl.ds(a, 16)] + vals_b[pl.ds(v, 16)]
            return carry

        lax.fori_loop(0, SEGC, seg_body, 0)
        pending = nxt
    pltpu.sync_copy(acc, s_hbm.at[wid, pl.ds(0, B)])


SPAD = 65536

_sc_gather_sum = functools.partial(
    pl.kernel,
    out_type=jax.ShapeDtypeStruct((NW, SPAD), jnp.float32),
    mesh=plsc.VectorSubcoreMesh(core_axis_name="c", subcore_axis_name="s",
                                num_cores=NC, num_subcores=NS),
    scratch_types=[
        pltpu.VMEM((CH_,), jnp.int32),
        pltpu.VMEM((CH_,), jnp.float32),
        pltpu.VMEM((CH_,), jnp.int32),
        pltpu.VMEM((CH_,), jnp.float32),
        pltpu.VMEM((B,), jnp.float32),
        pltpu.VMEM_SHARED((1000000,), jnp.float32),
        pltpu.SemaphoreType.DMA,
        pltpu.SemaphoreType.DMA,
    ],
)(_sc_body)


def _count_body(xt_ref, c_ref):
    c_ref[...] = jnp.sum((xt_ref[...] != 0).astype(jnp.float32), axis=0)


def _count(xt):
    rb = 4096
    return pl.pallas_call(
        _count_body,
        grid=(B // rb,),
        in_specs=[pl.BlockSpec((L, rb), lambda i: (0, i))],
        out_specs=pl.BlockSpec((rb,), lambda i: (i,)),
        out_shape=jax.ShapeDtypeStruct((B,), jnp.float32),
    )(xt)


def _head_body(s_ref, c_ref, b_ref, o_ref):
    s = jnp.sum(s_ref[...], axis=0)
    z = s / (c_ref[...] + EPS) + b_ref[0]
    p = 1.0 / (1.0 + jnp.exp(-z))
    o_ref[...] = (jnp.round(p * 10000.0) * 1e-4)[None, :]


def _head(s, cnt, b):
    rb = 4096
    return pl.pallas_call(
        _head_body,
        grid=(B // rb,),
        in_specs=[pl.BlockSpec((NW, rb), lambda i: (0, i)),
                  pl.BlockSpec((rb,), lambda i: (i,)),
                  pl.BlockSpec(memory_space=pltpu.SMEM)],
        out_specs=pl.BlockSpec((1, rb), lambda i: (0, i)),
        out_shape=jax.ShapeDtypeStruct((1, B), jnp.float32),
    )(s, cnt, b)


def kernel(x, table, W, b):
    tv = _make_tv(table, W)
    xt = x.T
    xq = xt.reshape(L // 8, 8, B // 128, 128).transpose(0, 2, 1, 3)
    s = _sc_gather_sum(xq.reshape(B * L), tv)
    cnt = _count(xt)
    return _head(s, cnt, b).T

# --- scband reference (transcript-rebuilt; emitter-appended) ---
"""Pipeline reference for scband-solution-52192442581374 (READ-ONLY COPY).

The authoritative reference and input builder live on the scoring server;
editing this copy changes nothing except your own understanding.
"""

import jax, jax.numpy as jnp
import numpy as np

VOCAB = 1000000
EMBED_DIM = 16

def setup_inputs(seed: int = 0) -> dict:
    key = jax.random.key(seed)
    k1, k2, k3, k4 = jax.random.split(key, 4)
    x = jax.random.randint(k1, (16384, 200), 0, VOCAB, dtype=jnp.int64 if jax.config.jax_enable_x64 else jnp.int32).astype(jnp.int32)
    table = jax.random.normal(k2, (VOCAB, EMBED_DIM), dtype=jnp.float32)
    table = table.at[0].set(0.0)  # padding_idx=0
    W = jax.random.normal(k3, (1, EMBED_DIM), dtype=jnp.float32) * (1.0 / jnp.sqrt(EMBED_DIM))
    b = jax.random.normal(k4, (1,), dtype=jnp.float32) * (1.0 / jnp.sqrt(EMBED_DIM))
    return {"x": x, "table": table, "W": W, "b": b}

def reference(x, table, W, b):
    mask = (x != 0).astype(jnp.float32)[..., None]           # [B, L, 1]
    table_eff = table.at[0].set(0.0)                          # padding_idx=0 semantics
    embedded = jnp.take(table_eff, x, axis=0)                 # [B, L, D] gather
    masked_embedded = embedded * mask
    eps = 1e-09
    sum_embeddings = masked_embedded.sum(axis=1)              # [B, D]
    count_tokens = mask.sum(axis=1)                           # [B, 1]
    avg_embeddings = sum_embeddings / (count_tokens + eps)
    logits = avg_embeddings @ W.T + b                         # [B, 1]
    predictions = jax.nn.sigmoid(logits)
    return jnp.round(predictions * 10000.0) / 10000.0

if __name__ == "__main__":
    import jax
    _d = setup_inputs()
    print(jax.jit(kernel)(*tuple(_d.values())))

</pallas_src>

<mosaic_0001>
#map = affine_map<(d0, d1) -> (0)>
#map1 = affine_map<(d0, d1) -> (0, 0)>
module attributes {stable_mosaic.version = 14 : i64} {
  func.func @_sc_body(%arg0: i32, %arg1: i32, %arg2: memref<3276800xi32, #tpu.memory_space<hbm>>, %arg3: memref<4194304xf32, #tpu.memory_space<hbm>>, %arg4: memref<32x65536xf32, #tpu.memory_space<hbm>>, %arg5: memref<12800xi32, #tpu.memory_space<vmem>>, %arg6: memref<12800xf32, #tpu.memory_space<vmem>>, %arg7: memref<12800xi32, #tpu.memory_space<vmem>>, %arg8: memref<12800xf32, #tpu.memory_space<vmem>>, %arg9: memref<16384xf32, #tpu.memory_space<vmem>>, %arg10: memref<1000000xf32, #tpu.memory_space<vmem_shared>>, %arg11: memref<!tpu.dma_semaphore, #tpu.memory_space<semaphore_mem>>, %arg12: memref<!tpu.dma_semaphore, #tpu.memory_space<semaphore_mem>>) attributes {dimension_semantics = [#tpu.dimension_semantics<core_parallel>, #tpu.dimension_semantics<subcore_parallel>], iteration_bounds = array<i64: 2, 16>, scalar_prefetch = 0 : i64, scratch_operands = 8 : i64, tpu.core_type = #tpu.core_type<sc_vector_subcore>, window_params = [{transform_indices = #map}, {transform_indices = #map}, {transform_indices = #map1}]} {
    %mul3A = arith.constant 2 : i32
    %mul3A_0 = arith.muli %arg1, %mul3A : i32
    %add3A = arith.addi %mul3A_0, %arg0 : i32
    %add3A_1 = arith.constant 0 : i32
    %add3A_2 = arith.addi %arg1, %add3A_1 : i32
    %lt3A = arith.constant 50 : i32
    %lt3A_3 = arith.cmpi slt, %add3A_2, %lt3A : i32
    %convert_element_type3A = arith.extui %lt3A_3 : i1 to i32
    %cond3A = arith.constant 0 : i32
    %cond3A_4 = arith.cmpi ne, %convert_element_type3A, %cond3A : i32
    scf.if %cond3A_4 {
      %mul3A_190 = arith.constant 20000 : i32
      %mul3A_191 = arith.muli %add3A_2, %mul3A_190 : i32
      "tpu.region"() ({
        %run_scoped3A = tpu.sem_alloc : memref<!tpu.dma_semaphore, #tpu.memory_space<semaphore_mem>>
        %dma_start3A_194 = arith.constant 0 : i32
        %dma_start3A_195 = tpu.memref_slice %arg8[%dma_start3A_194] : memref<12800xf32, #tpu.memory_space<vmem>> -> memref<20000xf32, #tpu.memory_space<vmem>>
        %dma_start3A_196 = tpu.memref_slice %arg3[%mul3A_191] : memref<4194304xf32, #tpu.memory_space<hbm>> -> memref<20000xf32, #tpu.memory_space<hbm>>
        %dma_start3A_197 = arith.constant 0 : i32
        %dma_start3A_198 = tpu.memref_slice %arg8[%dma_start3A_197] : memref<12800xf32, #tpu.memory_space<vmem>> -> memref<20000xf32, #tpu.memory_space<vmem>>
        %dma_start3A_199 = tpu.memref_slice %arg3[%mul3A_191] : memref<4194304xf32, #tpu.memory_space<hbm>> -> memref<20000xf32, #tpu.memory_space<hbm>>
        tpu.enqueue_dma source(%dma_start3A_199 : memref<20000xf32, #tpu.memory_space<hbm>>) target(%dma_start3A_198 : memref<20000xf32, #tpu.memory_space<vmem>>) target_semaphore(%run_scoped3A : memref<!tpu.dma_semaphore, #tpu.memory_space<semaphore_mem>>)
        %dma_wait3A_200 = arith.constant 0 : i32
        %dma_wait3A_201 = tpu.memref_slice %arg8[%dma_wait3A_200] : memref<12800xf32, #tpu.memory_space<vmem>> -> memref<20000xf32, #tpu.memory_space<vmem>>
        %dma_wait3A_202 = tpu.memref_slice %arg3[%mul3A_191] : memref<4194304xf32, #tpu.memory_space<hbm>> -> memref<20000xf32, #tpu.memory_space<hbm>>
        %dma_wait3A_203 = arith.constant 0 : i32
        %dma_wait3A_204 = tpu.memref_slice %arg8[%dma_wait3A_203] : memref<12800xf32, #tpu.memory_space<vmem>> -> memref<20000xf32, #tpu.memory_space<vmem>>
        %dma_wait3A_205 = tpu.memref_slice %arg3[%mul3A_191] : memref<4194304xf32, #tpu.memory_space<hbm>> -> memref<20000xf32, #tpu.memory_space<hbm>>
        tpu.wait_dma2 semaphore(%run_scoped3A : memref<!tpu.dma_semaphore, #tpu.memory_space<semaphore_mem>>) src(%dma_wait3A_205 : memref<20000xf32, #tpu.memory_space<hbm>>) dst(%dma_wait3A_204 : memref<20000xf32, #tpu.memory_space<vmem>>)
        tpu.yield
      }) : () -> ()
      %mul3A_192 = arith.constant 20000 : i32
      %mul3A_193 = arith.muli %add3A_2, %mul3A_192 : i32
      "tpu.region"() ({
        %run_scoped3A = tpu.sem_alloc : memref<!tpu.dma_semaphore, #tpu.memory_space<semaphore_mem>>
        %dma_start3A_194 = arith.constant 0 : i32
        %dma_start3A_195 = tpu.memref_slice %arg8[%dma_start3A_194] : memref<12800xf32, #tpu.memory_space<vmem>> -> memref<20000xf32, #tpu.memory_space<vmem>>
        %dma_start3A_196 = tpu.memref_slice %arg10[%mul3A_193] : memref<1000000xf32, #tpu.memory_space<vmem_shared>> -> memref<20000xf32, #tpu.memory_space<vmem_shared>>
        %dma_start3A_197 = tpu.memref_slice %arg10[%mul3A_193] : memref<1000000xf32, #tpu.memory_space<vmem_shared>> -> memref<20000xf32, #tpu.memory_space<vmem_shared>>
        %dma_start3A_198 = arith.constant 0 : i32
        %dma_start3A_199 = tpu.memref_slice %arg8[%dma_start3A_198] : memref<12800xf32, #tpu.memory_space<vmem>> -> memref<20000xf32, #tpu.memory_space<vmem>>
        tpu.enqueue_dma source(%dma_start3A_199 : memref<20000xf32, #tpu.memory_space<vmem>>) target(%dma_start3A_197 : memref<20000xf32, #tpu.memory_space<vmem_shared>>) target_semaphore(%run_scoped3A : memref<!tpu.dma_semaphore, #tpu.memory_space<semaphore_mem>>)
        %dma_wait3A_200 = arith.constant 0 : i32
        %dma_wait3A_201 = tpu.memref_slice %arg8[%dma_wait3A_200] : memref<12800xf32, #tpu.memory_space<vmem>> -> memref<20000xf32, #tpu.memory_space<vmem>>
        %dma_wait3A_202 = tpu.memref_slice %arg10[%mul3A_193] : memref<1000000xf32, #tpu.memory_space<vmem_shared>> -> memref<20000xf32, #tpu.memory_space<vmem_shared>>
        %dma_wait3A_203 = tpu.memref_slice %arg10[%mul3A_193] : memref<1000000xf32, #tpu.memory_space<vmem_shared>> -> memref<20000xf32, #tpu.memory_space<vmem_shared>>
        %dma_wait3A_204 = arith.constant 0 : i32
        %dma_wait3A_205 = tpu.memref_slice %arg8[%dma_wait3A_204] : memref<12800xf32, #tpu.memory_space<vmem>> -> memref<20000xf32, #tpu.memory_space<vmem>>
        tpu.wait_dma2 semaphore(%run_scoped3A : memref<!tpu.dma_semaphore, #tpu.memory_space<semaphore_mem>>) src(%dma_wait3A_205 : memref<20000xf32, #tpu.memory_space<vmem>>) dst(%dma_wait3A_203 : memref<20000xf32, #tpu.memory_space<vmem_shared>>)
        tpu.yield
      }) : () -> ()
    } else {
    }
    %add3A_5 = arith.constant 16 : i32
    %add3A_6 = arith.addi %arg1, %add3A_5 : i32
    %lt3A_7 = arith.constant 50 : i32
    %lt3A_8 = arith.cmpi slt, %add3A_6, %lt3A_7 : i32
    %convert_element_type3A_9 = arith.extui %lt3A_8 : i1 to i32
    %cond3A_10 = arith.constant 0 : i32
    %cond3A_11 = arith.cmpi ne, %convert_element_type3A_9, %cond3A_10 : i32
    scf.if %cond3A_11 {
      %mul3A_190 = arith.constant 20000 : i32
      %mul3A_191 = arith.muli %add3A_6, %mul3A_190 : i32
      "tpu.region"() ({
        %run_scoped3A = tpu.sem_alloc : memref<!tpu.dma_semaphore, #tpu.memory_space<semaphore_mem>>
        %dma_start3A_194 = arith.constant 0 : i32
        %dma_start3A_195 = tpu.memref_slice %arg8[%dma_start3A_194] : memref<12800xf32, #tpu.memory_space<vmem>> -> memref<20000xf32, #tpu.memory_space<vmem>>
        %dma_start3A_196 = tpu.memref_slice %arg3[%mul3A_191] : memref<4194304xf32, #tpu.memory_space<hbm>> -> memref<20000xf32, #tpu.memory_space<hbm>>
        %dma_start3A_197 = arith.constant 0 : i32
        %dma_start3A_198 = tpu.memref_slice %arg8[%dma_start3A_197] : memref<12800xf32, #tpu.memory_space<vmem>> -> memref<20000xf32, #tpu.memory_space<vmem>>
        %dma_start3A_199 = tpu.memref_slice %arg3[%mul3A_191] : memref<4194304xf32, #tpu.memory_space<hbm>> -> memref<20000xf32, #tpu.memory_space<hbm>>
        tpu.enqueue_dma source(%dma_start3A_199 : memref<20000xf32, #tpu.memory_space<hbm>>) target(%dma_start3A_198 : memref<20000xf32, #tpu.memory_space<vmem>>) target_semaphore(%run_scoped3A : memref<!tpu.dma_semaphore, #tpu.memory_space<semaphore_mem>>)
        %dma_wait3A_200 = arith.constant 0 : i32
        %dma_wait3A_201 = tpu.memref_slice %arg8[%dma_wait3A_200] : memref<12800xf32, #tpu.memory_space<vmem>> -> memref<20000xf32, #tpu.memory_space<vmem>>
        %dma_wait3A_202 = tpu.memref_slice %arg3[%mul3A_191] : memref<4194304xf32, #tpu.memory_space<hbm>> -> memref<20000xf32, #tpu.memory_space<hbm>>
        %dma_wait3A_203 = arith.constant 0 : i32
        %dma_wait3A_204 = tpu.memref_slice %arg8[%dma_wait3A_203] : memref<12800xf32, #tpu.memory_space<vmem>> -> memref<20000xf32, #tpu.memory_space<vmem>>
        %dma_wait3A_205 = tpu.memref_slice %arg3[%mul3A_191] : memref<4194304xf32, #tpu.memory_space<hbm>> -> memref<20000xf32, #tpu.memory_space<hbm>>
        tpu.wait_dma2 semaphore(%run_scoped3A : memref<!tpu.dma_semaphore, #tpu.memory_space<semaphore_mem>>) src(%dma_wait3A_205 : memref<20000xf32, #tpu.memory_space<hbm>>) dst(%dma_wait3A_204 : memref<20000xf32, #tpu.memory_space<vmem>>)
        tpu.yield
      }) : () -> ()
      %mul3A_192 = arith.constant 20000 : i32
      %mul3A_193 = arith.muli %add3A_6, %mul3A_192 : i32
      "tpu.region"() ({
        %run_scoped3A = tpu.sem_alloc : memref<!tpu.dma_semaphore, #tpu.memory_space<semaphore_mem>>
        %dma_start3A_194 = arith.constant 0 : i32
        %dma_start3A_195 = tpu.memref_slice %arg8[%dma_start3A_194] : memref<12800xf32, #tpu.memory_space<vmem>> -> memref<20000xf32, #tpu.memory_space<vmem>>
        %dma_start3A_196 = tpu.memref_slice %arg10[%mul3A_193] : memref<1000000xf32, #tpu.memory_space<vmem_shared>> -> memref<20000xf32, #tpu.memory_space<vmem_shared>>
        %dma_start3A_197 = tpu.memref_slice %arg10[%mul3A_193] : memref<1000000xf32, #tpu.memory_space<vmem_shared>> -> memref<20000xf32, #tpu.memory_space<vmem_shared>>
        %dma_start3A_198 = arith.constant 0 : i32
        %dma_start3A_199 = tpu.memref_slice %arg8[%dma_start3A_198] : memref<12800xf32, #tpu.memory_space<vmem>> -> memref<20000xf32, #tpu.memory_space<vmem>>
        tpu.enqueue_dma source(%dma_start3A_199 : memref<20000xf32, #tpu.memory_space<vmem>>) target(%dma_start3A_197 : memref<20000xf32, #tpu.memory_space<vmem_shared>>) target_semaphore(%run_scoped3A : memref<!tpu.dma_semaphore, #tpu.memory_space<semaphore_mem>>)
        %dma_wait3A_200 = arith.constant 0 : i32
        %dma_wait3A_201 = tpu.memref_slice %arg8[%dma_wait3A_200] : memref<12800xf32, #tpu.memory_space<vmem>> -> memref<20000xf32, #tpu.memory_space<vmem>>
        %dma_wait3A_202 = tpu.memref_slice %arg10[%mul3A_193] : memref<1000000xf32, #tpu.memory_space<vmem_shared>> -> memref<20000xf32, #tpu.memory_space<vmem_shared>>
        %dma_wait3A_203 = tpu.memref_slice %arg10[%mul3A_193] : memref<1000000xf32, #tpu.memory_space<vmem_shared>> -> memref<20000xf32, #tpu.memory_space<vmem_shared>>
        %dma_wait3A_204 = arith.constant 0 : i32
        %dma_wait3A_205 = tpu.memref_slice %arg8[%dma_wait3A_204] : memref<12800xf32, #tpu.memory_space<vmem>> -> memref<20000xf32, #tpu.memory_space<vmem>>
        tpu.wait_dma2 semaphore(%run_scoped3A : memref<!tpu.dma_semaphore, #tpu.memory_space<semaphore_mem>>) src(%dma_wait3A_205 : memref<20000xf32, #tpu.memory_space<vmem>>) dst(%dma_wait3A_203 : memref<20000xf32, #tpu.memory_space<vmem_shared>>)
        tpu.yield
      }) : () -> ()
    } else {
    }
    %add3A_12 = arith.constant 32 : i32
    %add3A_13 = arith.addi %arg1, %add3A_12 : i32
    %lt3A_14 = arith.constant 50 : i32
    %lt3A_15 = arith.cmpi slt, %add3A_13, %lt3A_14 : i32
    %convert_element_type3A_16 = arith.extui %lt3A_15 : i1 to i32
    %cond3A_17 = arith.constant 0 : i32
    %cond3A_18 = arith.cmpi ne, %convert_element_type3A_16, %cond3A_17 : i32
    scf.if %cond3A_18 {
      %mul3A_190 = arith.constant 20000 : i32
      %mul3A_191 = arith.muli %add3A_13, %mul3A_190 : i32
      "tpu.region"() ({
        %run_scoped3A = tpu.sem_alloc : memref<!tpu.dma_semaphore, #tpu.memory_space<semaphore_mem>>
        %dma_start3A_194 = arith.constant 0 : i32
        %dma_start3A_195 = tpu.memref_slice %arg8[%dma_start3A_194] : memref<12800xf32, #tpu.memory_space<vmem>> -> memref<20000xf32, #tpu.memory_space<vmem>>
        %dma_start3A_196 = tpu.memref_slice %arg3[%mul3A_191] : memref<4194304xf32, #tpu.memory_space<hbm>> -> memref<20000xf32, #tpu.memory_space<hbm>>
        %dma_start3A_197 = arith.constant 0 : i32
        %dma_start3A_198 = tpu.memref_slice %arg8[%dma_start3A_197] : memref<12800xf32, #tpu.memory_space<vmem>> -> memref<20000xf32, #tpu.memory_space<vmem>>
        %dma_start3A_199 = tpu.memref_slice %arg3[%mul3A_191] : memref<4194304xf32, #tpu.memory_space<hbm>> -> memref<20000xf32, #tpu.memory_space<hbm>>
        tpu.enqueue_dma source(%dma_start3A_199 : memref<20000xf32, #tpu.memory_space<hbm>>) target(%dma_start3A_198 : memref<20000xf32, #tpu.memory_space<vmem>>) target_semaphore(%run_scoped3A : memref<!tpu.dma_semaphore, #tpu.memory_space<semaphore_mem>>)
        %dma_wait3A_200 = arith.constant 0 : i32
        %dma_wait3A_201 = tpu.memref_slice %arg8[%dma_wait3A_200] : memref<12800xf32, #tpu.memory_space<vmem>> -> memref<20000xf32, #tpu.memory_space<vmem>>
        %dma_wait3A_202 = tpu.memref_slice %arg3[%mul3A_191] : memref<4194304xf32, #tpu.memory_space<hbm>> -> memref<20000xf32, #tpu.memory_space<hbm>>
        %dma_wait3A_203 = arith.constant 0 : i32
        %dma_wait3A_204 = tpu.memref_slice %arg8[%dma_wait3A_203] : memref<12800xf32, #tpu.memory_space<vmem>> -> memref<20000xf32, #tpu.memory_space<vmem>>
        %dma_wait3A_205 = tpu.memref_slice %arg3[%mul3A_191] : memref<4194304xf32, #tpu.memory_space<hbm>> -> memref<20000xf32, #tpu.memory_space<hbm>>
        tpu.wait_dma2 semaphore(%run_scoped3A : memref<!tpu.dma_semaphore, #tpu.memory_space<semaphore_mem>>) src(%dma_wait3A_205 : memref<20000xf32, #tpu.memory_space<hbm>>) dst(%dma_wait3A_204 : memref<20000xf32, #tpu.memory_space<vmem>>)
        tpu.yield
      }) : () -> ()
      %mul3A_192 = arith.constant 20000 : i32
      %mul3A_193 = arith.muli %add3A_13, %mul3A_192 : i32
      "tpu.region"() ({
        %run_scoped3A = tpu.sem_alloc : memref<!tpu.dma_semaphore, #tpu.memory_space<semaphore_mem>>
        %dma_start3A_194 = arith.constant 0 : i32
        %dma_start3A_195 = tpu.memref_slice %arg8[%dma_start3A_194] : memref<12800xf32, #tpu.memory_space<vmem>> -> memref<20000xf32, #tpu.memory_space<vmem>>
        %dma_start3A_196 = tpu.memref_slice %arg10[%mul3A_193] : memref<1000000xf32, #tpu.memory_space<vmem_shared>> -> memref<20000xf32, #tpu.memory_space<vmem_shared>>
        %dma_start3A_197 = tpu.memref_slice %arg10[%mul3A_193] : memref<1000000xf32, #tpu.memory_space<vmem_shared>> -> memref<20000xf32, #tpu.memory_space<vmem_shared>>
        %dma_start3A_198 = arith.constant 0 : i32
        %dma_start3A_199 = tpu.memref_slice %arg8[%dma_start3A_198] : memref<12800xf32, #tpu.memory_space<vmem>> -> memref<20000xf32, #tpu.memory_space<vmem>>
        tpu.enqueue_dma source(%dma_start3A_199 : memref<20000xf32, #tpu.memory_space<vmem>>) target(%dma_start3A_197 : memref<20000xf32, #tpu.memory_space<vmem_shared>>) target_semaphore(%run_scoped3A : memref<!tpu.dma_semaphore, #tpu.memory_space<semaphore_mem>>)
        %dma_wait3A_200 = arith.constant 0 : i32
        %dma_wait3A_201 = tpu.memref_slice %arg8[%dma_wait3A_200] : memref<12800xf32, #tpu.memory_space<vmem>> -> memref<20000xf32, #tpu.memory_space<vmem>>
        %dma_wait3A_202 = tpu.memref_slice %arg10[%mul3A_193] : memref<1000000xf32, #tpu.memory_space<vmem_shared>> -> memref<20000xf32, #tpu.memory_space<vmem_shared>>
        %dma_wait3A_203 = tpu.memref_slice %arg10[%mul3A_193] : memref<1000000xf32, #tpu.memory_space<vmem_shared>> -> memref<20000xf32, #tpu.memory_space<vmem_shared>>
        %dma_wait3A_204 = arith.constant 0 : i32
        %dma_wait3A_205 = tpu.memref_slice %arg8[%dma_wait3A_204] : memref<12800xf32, #tpu.memory_space<vmem>> -> memref<20000xf32, #tpu.memory_space<vmem>>
        tpu.wait_dma2 semaphore(%run_scoped3A : memref<!tpu.dma_semaphore, #tpu.memory_space<semaphore_mem>>) src(%dma_wait3A_205 : memref<20000xf32, #tpu.memory_space<vmem>>) dst(%dma_wait3A_203 : memref<20000xf32, #tpu.memory_space<vmem_shared>>)
        tpu.yield
      }) : () -> ()
    } else {
    }
    %add3A_19 = arith.constant 48 : i32
    %add3A_20 = arith.addi %arg1, %add3A_19 : i32
    %lt3A_21 = arith.constant 50 : i32
    %lt3A_22 = arith.cmpi slt, %add3A_20, %lt3A_21 : i32
    %convert_element_type3A_23 = arith.extui %lt3A_22 : i1 to i32
    %cond3A_24 = arith.constant 0 : i32
    %cond3A_25 = arith.cmpi ne, %convert_element_type3A_23, %cond3A_24 : i32
    scf.if %cond3A_25 {
      %mul3A_190 = arith.constant 20000 : i32
      %mul3A_191 = arith.muli %add3A_20, %mul3A_190 : i32
      "tpu.region"() ({
        %run_scoped3A = tpu.sem_alloc : memref<!tpu.dma_semaphore, #tpu.memory_space<semaphore_mem>>
        %dma_start3A_194 = arith.constant 0 : i32
        %dma_start3A_195 = tpu.memref_slice %arg8[%dma_start3A_194] : memref<12800xf32, #tpu.memory_space<vmem>> -> memref<20000xf32, #tpu.memory_space<vmem>>
        %dma_start3A_196 = tpu.memref_slice %arg3[%mul3A_191] : memref<4194304xf32, #tpu.memory_space<hbm>> -> memref<20000xf32, #tpu.memory_space<hbm>>
        %dma_start3A_197 = arith.constant 0 : i32
        %dma_start3A_198 = tpu.memref_slice %arg8[%dma_start3A_197] : memref<12800xf32, #tpu.memory_space<vmem>> -> memref<20000xf32, #tpu.memory_space<vmem>>
        %dma_start3A_199 = tpu.memref_slice %arg3[%mul3A_191] : memref<4194304xf32, #tpu.memory_space<hbm>> -> memref<20000xf32, #tpu.memory_space<hbm>>
        tpu.enqueue_dma source(%dma_start3A_199 : memref<20000xf32, #tpu.memory_space<hbm>>) target(%dma_start3A_198 : memref<20000xf32, #tpu.memory_space<vmem>>) target_semaphore(%run_scoped3A : memref<!tpu.dma_semaphore, #tpu.memory_space<semaphore_mem>>)
        %dma_wait3A_200 = arith.constant 0 : i32
        %dma_wait3A_201 = tpu.memref_slice %arg8[%dma_wait3A_200] : memref<12800xf32, #tpu.memory_space<vmem>> -> memref<20000xf32, #tpu.memory_space<vmem>>
        %dma_wait3A_202 = tpu.memref_slice %arg3[%mul3A_191] : memref<4194304xf32, #tpu.memory_space<hbm>> -> memref<20000xf32, #tpu.memory_space<hbm>>
        %dma_wait3A_203 = arith.constant 0 : i32
        %dma_wait3A_204 = tpu.memref_slice %arg8[%dma_wait3A_203] : memref<12800xf32, #tpu.memory_space<vmem>> -> memref<20000xf32, #tpu.memory_space<vmem>>
        %dma_wait3A_205 = tpu.memref_slice %arg3[%mul3A_191] : memref<4194304xf32, #tpu.memory_space<hbm>> -> memref<20000xf32, #tpu.memory_space<hbm>>
        tpu.wait_dma2 semaphore(%run_scoped3A : memref<!tpu.dma_semaphore, #tpu.memory_space<semaphore_mem>>) src(%dma_wait3A_205 : memref<20000xf32, #tpu.memory_space<hbm>>) dst(%dma_wait3A_204 : memref<20000xf32, #tpu.memory_space<vmem>>)
        tpu.yield
      }) : () -> ()
      %mul3A_192 = arith.constant 20000 : i32
      %mul3A_193 = arith.muli %add3A_20, %mul3A_192 : i32
      "tpu.region"() ({
        %run_scoped3A = tpu.sem_alloc : memref<!tpu.dma_semaphore, #tpu.memory_space<semaphore_mem>>
        %dma_start3A_194 = arith.constant 0 : i32
        %dma_start3A_195 = tpu.memref_slice %arg8[%dma_start3A_194] : memref<12800xf32, #tpu.memory_space<vmem>> -> memref<20000xf32, #tpu.memory_space<vmem>>
        %dma_start3A_196 = tpu.memref_slice %arg10[%mul3A_193] : memref<1000000xf32, #tpu.memory_space<vmem_shared>> -> memref<20000xf32, #tpu.memory_space<vmem_shared>>
        %dma_start3A_197 = tpu.memref_slice %arg10[%mul3A_193] : memref<1000000xf32, #tpu.memory_space<vmem_shared>> -> memref<20000xf32, #tpu.memory_space<vmem_shared>>
        %dma_start3A_198 = arith.constant 0 : i32
        %dma_start3A_199 = tpu.memref_slice %arg8[%dma_start3A_198] : memref<12800xf32, #tpu.memory_space<vmem>> -> memref<20000xf32, #tpu.memory_space<vmem>>
        tpu.enqueue_dma source(%dma_start3A_199 : memref<20000xf32, #tpu.memory_space<vmem>>) target(%dma_start3A_197 : memref<20000xf32, #tpu.memory_space<vmem_shared>>) target_semaphore(%run_scoped3A : memref<!tpu.dma_semaphore, #tpu.memory_space<semaphore_mem>>)
        %dma_wait3A_200 = arith.constant 0 : i32
        %dma_wait3A_201 = tpu.memref_slice %arg8[%dma_wait3A_200] : memref<12800xf32, #tpu.memory_space<vmem>> -> memref<20000xf32, #tpu.memory_space<vmem>>
        %dma_wait3A_202 = tpu.memref_slice %arg10[%mul3A_193] : memref<1000000xf32, #tpu.memory_space<vmem_shared>> -> memref<20000xf32, #tpu.memory_space<vmem_shared>>
        %dma_wait3A_203 = tpu.memref_slice %arg10[%mul3A_193] : memref<1000000xf32, #tpu.memory_space<vmem_shared>> -> memref<20000xf32, #tpu.memory_space<vmem_shared>>
        %dma_wait3A_204 = arith.constant 0 : i32
        %dma_wait3A_205 = tpu.memref_slice %arg8[%dma_wait3A_204] : memref<12800xf32, #tpu.memory_space<vmem>> -> memref<20000xf32, #tpu.memory_space<vmem>>
        tpu.wait_dma2 semaphore(%run_scoped3A : memref<!tpu.dma_semaphore, #tpu.memory_space<semaphore_mem>>) src(%dma_wait3A_205 : memref<20000xf32, #tpu.memory_space<vmem>>) dst(%dma_wait3A_203 : memref<20000xf32, #tpu.memory_space<vmem_shared>>)
        tpu.yield
      }) : () -> ()
    } else {
    }
    %mul3A_26 = arith.constant 800 : i32
    %mul3A_27 = arith.muli %add3A, %mul3A_26 : i32
    %add3A_28 = arith.constant 0 : i32
    %add3A_29 = arith.addi %mul3A_27, %add3A_28 : i32
    %mul3A_30 = arith.constant 128 : i32
    %mul3A_31 = arith.muli %add3A_29, %mul3A_30 : i32
    "tpu.region"() ({
      %run_scoped3A = tpu.sem_alloc : memref<!tpu.dma_semaphore, #tpu.memory_space<semaphore_mem>>
      %dma_start3A_190 = tpu.memref_slice %arg2[%mul3A_31] : memref<3276800xi32, #tpu.memory_space<hbm>> -> memref<12800xi32, #tpu.memory_space<hbm>>
      %dma_start3A_191 = tpu.memref_slice %arg2[%mul3A_31] : memref<3276800xi32, #tpu.memory_space<hbm>> -> memref<12800xi32, #tpu.memory_space<hbm>>
      tpu.enqueue_dma source(%dma_start3A_191 : memref<12800xi32, #tpu.memory_space<hbm>>) target(%arg5 : memref<12800xi32, #tpu.memory_space<vmem>>) target_semaphore(%run_scoped3A : memref<!tpu.dma_semaphore, #tpu.memory_space<semaphore_mem>>)
      %dma_wait3A_192 = tpu.memref_slice %arg2[%mul3A_31] : memref<3276800xi32, #tpu.memory_space<hbm>> -> memref<12800xi32, #tpu.memory_space<hbm>>
      %dma_wait3A_193 = tpu.memref_slice %arg2[%mul3A_31] : memref<3276800xi32, #tpu.memory_space<hbm>> -> memref<12800xi32, #tpu.memory_space<hbm>>
      tpu.wait_dma2 semaphore(%run_scoped3A : memref<!tpu.dma_semaphore, #tpu.memory_space<semaphore_mem>>) src(%dma_wait3A_193 : memref<12800xi32, #tpu.memory_space<hbm>>) dst(%arg5 : memref<12800xi32, #tpu.memory_space<vmem>>)
      tpu.yield
    }) : () -> ()
    %broadcast_in_dim3A = arith.constant 0.000000e+00 : f32
    %broadcast_in_dim3A_32 = vector.broadcast %broadcast_in_dim3A : f32 to vector<16xf32>
    %scan3A = arith.constant 0 : i32
    %scan3A_33 = arith.constant 0 : i32
    %scan3A_34 = arith.constant 1024 : i32
    %scan3A_35 = arith.addi %scan3A_33, %scan3A_34 : i32
    %scan3A_36 = arith.constant 1 : i32
    scf.for %scan3A_190 = %scan3A_33 to %scan3A_35 step %scan3A_36  : i32 {
      %mul3A_191 = arith.constant 16 : i32
      %mul3A_192 = arith.muli %mul3A_191, %scan3A_190 : i32
      %swap3A = arith.index_cast %mul3A_192 : i32 to index
      %swap3A_193 = tpu.vector_load %arg9[%swap3A] {strides = array<i32>} : memref<16384xf32, #tpu.memory_space<vmem>>, vector<16xf32>,
      %swap3A_194 = vector.shape_cast %swap3A_193 : vector<16xf32> to vector<16xf32>
      %swap3A_195 = vector.shape_cast %broadcast_in_dim3A_32 : vector<16xf32> to vector<16xf32>
      tpu.vector_store %arg9[%swap3A], %swap3A_195 {strides = array<i32>} : memref<16384xf32, #tpu.memory_space<vmem>>, vector<16xf32>,
    }
    %scan3A_37 = arith.constant 1024 : i32
    %barrier3A = arith.constant 0 : index
    tpu.barrier barrier_id(%barrier3A)
    %dma_start3A = arith.constant 0 : i32
    %dma_start3A_38 = tpu.memref_slice %arg10[%dma_start3A] : memref<1000000xf32, #tpu.memory_space<vmem_shared>> -> memref<1000000xf32, #tpu.memory_space<vmem_shared>>
    tpu.enqueue_indirect_dma source(%dma_start3A_38 : memref<1000000xf32, #tpu.memory_space<vmem_shared>>) target(%arg6 : memref<12800xf32, #tpu.memory_space<vmem>>) offsets(%arg5 : memref<12800xi32, #tpu.memory_space<vmem>>) semaphore(%arg11 : memref<!tpu.dma_semaphore, #tpu.memory_space<semaphore_mem>>)
    %mul3A_39 = arith.constant 800 : i32
    %mul3A_40 = arith.muli %add3A, %mul3A_39 : i32
    %add3A_41 = arith.constant 100 : i32
    %add3A_42 = arith.addi %mul3A_40, %add3A_41 : i32
    %mul3A_43 = arith.constant 128 : i32
    %mul3A_44 = arith.muli %add3A_42, %mul3A_43 : i32
    "tpu.region"() ({
      %run_scoped3A = tpu.sem_alloc : memref<!tpu.dma_semaphore, #tpu.memory_space<semaphore_mem>>
      %dma_start3A_190 = tpu.memref_slice %arg2[%mul3A_44] : memref<3276800xi32, #tpu.memory_space<hbm>> -> memref<12800xi32, #tpu.memory_space<hbm>>
      %dma_start3A_191 = tpu.memref_slice %arg2[%mul3A_44] : memref<3276800xi32, #tpu.memory_space<hbm>> -> memref<12800xi32, #tpu.memory_space<hbm>>
      tpu.enqueue_dma source(%dma_start3A_191 : memref<12800xi32, #tpu.memory_space<hbm>>) target(%arg7 : memref<12800xi32, #tpu.memory_space<vmem>>) target_semaphore(%run_scoped3A : memref<!tpu.dma_semaphore, #tpu.memory_space<semaphore_mem>>)
      %dma_wait3A_192 = tpu.memref_slice %arg2[%mul3A_44] : memref<3276800xi32, #tpu.memory_space<hbm>> -> memref<12800xi32, #tpu.memory_space<hbm>>
      %dma_wait3A_193 = tpu.memref_slice %arg2[%mul3A_44] : memref<3276800xi32, #tpu.memory_space<hbm>> -> memref<12800xi32, #tpu.memory_space<hbm>>
      tpu.wait_dma2 semaphore(%run_scoped3A : memref<!tpu.dma_semaphore, #tpu.memory_space<semaphore_mem>>) src(%dma_wait3A_193 : memref<12800xi32, #tpu.memory_space<hbm>>) dst(%arg7 : memref<12800xi32, #tpu.memory_space<vmem>>)
      tpu.yield
    }) : () -> ()
    %dma_start3A_45 = arith.constant 0 : i32
    %dma_start3A_46 = tpu.memref_slice %arg10[%dma_start3A_45] : memref<1000000xf32, #tpu.memory_space<vmem_shared>> -> memref<1000000xf32, #tpu.memory_space<vmem_shared>>
    tpu.enqueue_indirect_dma source(%dma_start3A_46 : memref<1000000xf32, #tpu.memory_space<vmem_shared>>) target(%arg8 : memref<12800xf32, #tpu.memory_space<vmem>>) offsets(%arg7 : memref<12800xi32, #tpu.memory_space<vmem>>) semaphore(%arg12 : memref<!tpu.dma_semaphore, #tpu.memory_space<semaphore_mem>>)
    %dma_wait3A = arith.constant 0 : i32
    %dma_wait3A_47 = tpu.memref_slice %arg10[%dma_wait3A] : memref<1000000xf32, #tpu.memory_space<vmem_shared>> -> memref<1000000xf32, #tpu.memory_space<vmem_shared>>
    tpu.wait_indirect_dma semaphore(%arg11 : memref<!tpu.dma_semaphore, #tpu.memory_space<semaphore_mem>>) src(%dma_wait3A_47 : memref<1000000xf32, #tpu.memory_space<vmem_shared>>) dst(%arg6 : memref<12800xf32, #tpu.memory_space<vmem>>)
    %mul3A_48 = arith.constant 800 : i32
    %mul3A_49 = arith.muli %add3A, %mul3A_48 : i32
    %add3A_50 = arith.constant 0 : i32
    %add3A_51 = arith.addi %mul3A_49, %add3A_50 : i32
    %scan3A_52 = arith.constant 0 : i32
    %scan3A_53 = arith.constant 0 : i32
    %scan3A_54 = arith.constant 100 : i32
    %scan3A_55 = arith.addi %scan3A_53, %scan3A_54 : i32
    %scan3A_56 = arith.constant 1 : i32
    scf.for %scan3A_190 = %scan3A_53 to %scan3A_55 step %scan3A_56  : i32 {
      %add3A_191 = arith.addi %add3A_51, %scan3A_190 : i32
      %div3A = arith.constant 8 : i32
      %div3A_192 = arith.divsi %add3A_191, %div3A : i32
      %rem3A = arith.constant 128 : i32
      %rem3A_193 = arith.remsi %div3A_192, %rem3A : i32
      %mul3A_194 = arith.constant 128 : i32
      %mul3A_195 = arith.muli %rem3A_193, %mul3A_194 : i32
      %add3A_196 = arith.constant 0 : i32
      %add3A_197 = arith.addi %mul3A_195, %add3A_196 : i32
      %mul3A_198 = arith.constant 128 : i32
      %mul3A_199 = arith.muli %scan3A_190, %mul3A_198 : i32
      %add3A_200 = arith.constant 0 : i32
      %add3A_201 = arith.addi %mul3A_199, %add3A_200 : i32
      %get3A = arith.index_cast %add3A_197 : i32 to index
      %get3A_202 = tpu.vector_load %arg9[%get3A] {strides = array<i32>} : memref<16384xf32, #tpu.memory_space<vmem>>, vector<16xf32>,
      %get3A_203 = vector.shape_cast %get3A_202 : vector<16xf32> to vector<16xf32>
      %get3A_204 = arith.index_cast %add3A_201 : i32 to index
      %get3A_205 = tpu.vector_load %arg6[%get3A_204] {strides = array<i32>} : memref<12800xf32, #tpu.memory_space<vmem>>, vector<16xf32>,
      %get3A_206 = vector.shape_cast %get3A_205 : vector<16xf32> to vector<16xf32>
      %add3A_207 = arith.addf %get3A_203, %get3A_206 : vector<16xf32>
      %swap3A = arith.index_cast %add3A_197 : i32 to index
      %swap3A_208 = tpu.vector_load %arg9[%swap3A] {strides = array<i32>} : memref<16384xf32, #tpu.memory_space<vmem>>, vector<16xf32>,
      %swap3A_209 = vector.shape_cast %swap3A_208 : vector<16xf32> to vector<16xf32>
      %swap3A_210 = vector.shape_cast %add3A_207 : vector<16xf32> to vector<16xf32>
      tpu.vector_store %arg9[%swap3A], %swap3A_210 {strides = array<i32>} : memref<16384xf32, #tpu.memory_space<vmem>>, vector<16xf32>,
      %add3A_211 = arith.constant 16 : i32
      %add3A_212 = arith.addi %mul3A_195, %add3A_211 : i32
      %mul3A_213 = arith.constant 128 : i32
      %mul3A_214 = arith.muli %scan3A_190, %mul3A_213 : i32
      %add3A_215 = arith.constant 16 : i32
      %add3A_216 = arith.addi %mul3A_214, %add3A_215 : i32
      %get3A_217 = arith.index_cast %add3A_212 : i32 to index
      %get3A_218 = tpu.vector_load %arg9[%get3A_217] {strides = array<i32>} : memref<16384xf32, #tpu.memory_space<vmem>>, vector<16xf32>,
      %get3A_219 = vector.shape_cast %get3A_218 : vector<16xf32> to vector<16xf32>
      %get3A_220 = arith.index_cast %add3A_216 : i32 to index
      %get3A_221 = tpu.vector_load %arg6[%get3A_220] {strides = array<i32>} : memref<12800xf32, #tpu.memory_space<vmem>>, vector<16xf32>,
      %get3A_222 = vector.shape_cast %get3A_221 : vector<16xf32> to vector<16xf32>
      %add3A_223 = arith.addf %get3A_219, %get3A_222 : vector<16xf32>
      %swap3A_224 = arith.index_cast %add3A_212 : i32 to index
      %swap3A_225 = tpu.vector_load %arg9[%swap3A_224] {strides = array<i32>} : memref<16384xf32, #tpu.memory_space<vmem>>, vector<16xf32>,
      %swap3A_226 = vector.shape_cast %swap3A_225 : vector<16xf32> to vector<16xf32>
      %swap3A_227 = vector.shape_cast %add3A_223 : vector<16xf32> to vector<16xf32>
      tpu.vector_store %arg9[%swap3A_224], %swap3A_227 {strides = array<i32>} : memref<16384xf32, #tpu.memory_space<vmem>>, vector<16xf32>,
      %add3A_228 = arith.constant 32 : i32
      %add3A_229 = arith.addi %mul3A_195, %add3A_228 : i32
      %mul3A_230 = arith.constant 128 : i32
      %mul3A_231 = arith.muli %scan3A_190, %mul3A_230 : i32
      %add3A_232 = arith.constant 32 : i32
      %add3A_233 = arith.addi %mul3A_231, %add3A_232 : i32
      %get3A_234 = arith.index_cast %add3A_229 : i32 to index
      %get3A_235 = tpu.vector_load %arg9[%get3A_234] {strides = array<i32>} : memref<16384xf32, #tpu.memory_space<vmem>>, vector<16xf32>,
      %get3A_236 = vector.shape_cast %get3A_235 : vector<16xf32> to vector<16xf32>
      %get3A_237 = arith.index_cast %add3A_233 : i32 to index
      %get3A_238 = tpu.vector_load %arg6[%get3A_237] {strides = array<i32>} : memref<12800xf32, #tpu.memory_space<vmem>>, vector<16xf32>,
      %get3A_239 = vector.shape_cast %get3A_238 : vector<16xf32> to vector<16xf32>
      %add3A_240 = arith.addf %get3A_236, %get3A_239 : vector<16xf32>
      %swap3A_241 = arith.index_cast %add3A_229 : i32 to index
      %swap3A_242 = tpu.vector_load %arg9[%swap3A_241] {strides = array<i32>} : memref<16384xf32, #tpu.memory_space<vmem>>, vector<16xf32>,
      %swap3A_243 = vector.shape_cast %swap3A_242 : vector<16xf32> to vector<16xf32>
      %swap3A_244 = vector.shape_cast %add3A_240 : vector<16xf32> to vector<16xf32>
      tpu.vector_store %arg9[%swap3A_241], %swap3A_244 {strides = array<i32>} : memref<16384xf32, #tpu.memory_space<vmem>>, vector<16xf32>,
      %add3A_245 = arith.constant 48 : i32
      %add3A_246 = arith.addi %mul3A_195, %add3A_245 : i32
      %mul3A_247 = arith.constant 128 : i32
      %mul3A_248 = arith.muli %scan3A_190, %mul3A_247 : i32
      %add3A_249 = arith.constant 48 : i32
      %add3A_250 = arith.addi %mul3A_248, %add3A_249 : i32
      %get3A_251 = arith.index_cast %add3A_246 : i32 to index
      %get3A_252 = tpu.vector_load %arg9[%get3A_251] {strides = array<i32>} : memref<16384xf32, #tpu.memory_space<vmem>>, vector<16xf32>,
      %get3A_253 = vector.shape_cast %get3A_252 : vector<16xf32> to vector<16xf32>
      %get3A_254 = arith.index_cast %add3A_250 : i32 to index
      %get3A_255 = tpu.vector_load %arg6[%get3A_254] {strides = array<i32>} : memref<12800xf32, #tpu.memory_space<vmem>>, vector<16xf32>,
      %get3A_256 = vector.shape_cast %get3A_255 : vector<16xf32> to vector<16xf32>
      %add3A_257 = arith.addf %get3A_253, %get3A_256 : vector<16xf32>
      %swap3A_258 = arith.index_cast %add3A_246 : i32 to index
      %swap3A_259 = tpu.vector_load %arg9[%swap3A_258] {strides = array<i32>} : memref<16384xf32, #tpu.memory_space<vmem>>, vector<16xf32>,
      %swap3A_260 = vector.shape_cast %swap3A_259 : vector<16xf32> to vector<16xf32>
      %swap3A_261 = vector.shape_cast %add3A_257 : vector<16xf32> to vector<16xf32>
      tpu.vector_store %arg9[%swap3A_258], %swap3A_261 {strides = array<i32>} : memref<16384xf32, #tpu.memory_space<vmem>>, vector<16xf32>,
      %add3A_262 = arith.constant 64 : i32
      %add3A_263 = arith.addi %mul3A_195, %add3A_262 : i32
      %mul3A_264 = arith.constant 128 : i32
      %mul3A_265 = arith.muli %scan3A_190, %mul3A_264 : i32
      %add3A_266 = arith.constant 64 : i32
      %add3A_267 = arith.addi %mul3A_265, %add3A_266 : i32
      %get3A_268 = arith.index_cast %add3A_263 : i32 to index
      %get3A_269 = tpu.vector_load %arg9[%get3A_268] {strides = array<i32>} : memref<16384xf32, #tpu.memory_space<vmem>>, vector<16xf32>,
      %get3A_270 = vector.shape_cast %get3A_269 : vector<16xf32> to vector<16xf32>
      %get3A_271 = arith.index_cast %add3A_267 : i32 to index
      %get3A_272 = tpu.vector_load %arg6[%get3A_271] {strides = array<i32>} : memref<12800xf32, #tpu.memory_space<vmem>>, vector<16xf32>,
      %get3A_273 = vector.shape_cast %get3A_272 : vector<16xf32> to vector<16xf32>
      %add3A_274 = arith.addf %get3A_270, %get3A_273 : vector<16xf32>
      %swap3A_275 = arith.index_cast %add3A_263 : i32 to index
      %swap3A_276 = tpu.vector_load %arg9[%swap3A_275] {strides = array<i32>} : memref<16384xf32, #tpu.memory_space<vmem>>, vector<16xf32>,
      %swap3A_277 = vector.shape_cast %swap3A_276 : vector<16xf32> to vector<16xf32>
      %swap3A_278 = vector.shape_cast %add3A_274 : vector<16xf32> to vector<16xf32>
      tpu.vector_store %arg9[%swap3A_275], %swap3A_278 {strides = array<i32>} : memref<16384xf32, #tpu.memory_space<vmem>>, vector<16xf32>,
      %add3A_279 = arith.constant 80 : i32
      %add3A_280 = arith.addi %mul3A_195, %add3A_279 : i32
      %mul3A_281 = arith.constant 128 : i32
      %mul3A_282 = arith.muli %scan3A_190, %mul3A_281 : i32
      %add3A_283 = arith.constant 80 : i32
      %add3A_284 = arith.addi %mul3A_282, %add3A_283 : i32
      %get3A_285 = arith.index_cast %add3A_280 : i32 to index
      %get3A_286 = tpu.vector_load %arg9[%get3A_285] {strides = array<i32>} : memref<16384xf32, #tpu.memory_space<vmem>>, vector<16xf32>,
      %get3A_287 = vector.shape_cast %get3A_286 : vector<16xf32> to vector<16xf32>
      %get3A_288 = arith.index_cast %add3A_284 : i32 to index
      %get3A_289 = tpu.vector_load %arg6[%get3A_288] {strides = array<i32>} : memref<12800xf32, #tpu.memory_space<vmem>>, vector<16xf32>,
      %get3A_290 = vector.shape_cast %get3A_289 : vector<16xf32> to vector<16xf32>
      %add3A_291 = arith.addf %get3A_287, %get3A_290 : vector<16xf32>
      %swap3A_292 = arith.index_cast %add3A_280 : i32 to index
      %swap3A_293 = tpu.vector_load %arg9[%swap3A_292] {strides = array<i32>} : memref<16384xf32, #tpu.memory_space<vmem>>, vector<16xf32>,
      %swap3A_294 = vector.shape_cast %swap3A_293 : vector<16xf32> to vector<16xf32>
      %swap3A_295 = vector.shape_cast %add3A_291 : vector<16xf32> to vector<16xf32>
      tpu.vector_store %arg9[%swap3A_292], %swap3A_295 {strides = array<i32>} : memref<16384xf32, #tpu.memory_space<vmem>>, vector<16xf32>,
      %add3A_296 = arith.constant 96 : i32
      %add3A_297 = arith.addi %mul3A_195, %add3A_296 : i32
      %mul3A_298 = arith.constant 128 : i32
      %mul3A_299 = arith.muli %scan3A_190, %mul3A_298 : i32
      %add3A_300 = arith.constant 96 : i32
      %add3A_301 = arith.addi %mul3A_299, %add3A_300 : i32
      %get3A_302 = arith.index_cast %add3A_297 : i32 to index
      %get3A_303 = tpu.vector_load %arg9[%get3A_302] {strides = array<i32>} : memref<16384xf32, #tpu.memory_space<vmem>>, vector<16xf32>,
      %get3A_304 = vector.shape_cast %get3A_303 : vector<16xf32> to vector<16xf32>
      %get3A_305 = arith.index_cast %add3A_301 : i32 to index
      %get3A_306 = tpu.vector_load %arg6[%get3A_305] {strides = array<i32>} : memref<12800xf32, #tpu.memory_space<vmem>>, vector<16xf32>,
      %get3A_307 = vector.shape_cast %get3A_306 : vector<16xf32> to vector<16xf32>
      %add3A_308 = arith.addf %get3A_304, %get3A_307 : vector<16xf32>
      %swap3A_309 = arith.index_cast %add3A_297 : i32 to index
      %swap3A_310 = tpu.vector_load %arg9[%swap3A_309] {strides = array<i32>} : memref<16384xf32, #tpu.memory_space<vmem>>, vector<16xf32>,
      %swap3A_311 = vector.shape_cast %swap3A_310 : vector<16xf32> to vector<16xf32>
      %swap3A_312 = vector.shape_cast %add3A_308 : vector<16xf32> to vector<16xf32>
      tpu.vector_store %arg9[%swap3A_309], %swap3A_312 {strides = array<i32>} : memref<16384xf32, #tpu.memory_space<vmem>>, vector<16xf32>,
      %add3A_313 = arith.constant 112 : i32
      %add3A_314 = arith.addi %mul3A_195, %add3A_313 : i32
      %mul3A_315 = arith.constant 128 : i32
      %mul3A_316 = arith.muli %scan3A_190, %mul3A_315 : i32
      %add3A_317 = arith.constant 112 : i32
      %add3A_318 = arith.addi %mul3A_316, %add3A_317 : i32
      %get3A_319 = arith.index_cast %add3A_314 : i32 to index
      %get3A_320 = tpu.vector_load %arg9[%get3A_319] {strides = array<i32>} : memref<16384xf32, #tpu.memory_space<vmem>>, vector<16xf32>,
      %get3A_321 = vector.shape_cast %get3A_320 : vector<16xf32> to vector<16xf32>
      %get3A_322 = arith.index_cast %add3A_318 : i32 to index
      %get3A_323 = tpu.vector_load %arg6[%get3A_322] {strides = array<i32>} : memref<12800xf32, #tpu.memory_space<vmem>>, vector<16xf32>,
      %get3A_324 = vector.shape_cast %get3A_323 : vector<16xf32> to vector<16xf32>
      %add3A_325 = arith.addf %get3A_321, %get3A_324 : vector<16xf32>
      %swap3A_326 = arith.index_cast %add3A_314 : i32 to index
      %swap3A_327 = tpu.vector_load %arg9[%swap3A_326] {strides = array<i32>} : memref<16384xf32, #tpu.memory_space<vmem>>, vector<16xf32>,
      %swap3A_328 = vector.shape_cast %swap3A_327 : vector<16xf32> to vector<16xf32>
      %swap3A_329 = vector.shape_cast %add3A_325 : vector<16xf32> to vector<16xf32>
      tpu.vector_store %arg9[%swap3A_326], %swap3A_329 {strides = array<i32>} : memref<16384xf32, #tpu.memory_space<vmem>>, vector<16xf32>,
    }
    %scan3A_57 = arith.constant 100 : i32
    %mul3A_58 = arith.constant 800 : i32
    %mul3A_59 = arith.muli %add3A, %mul3A_58 : i32
    %add3A_60 = arith.constant 200 : i32
    %add3A_61 = arith.addi %mul3A_59, %add3A_60 : i32
    %mul3A_62 = arith.constant 128 : i32
    %mul3A_63 = arith.muli %add3A_61, %mul3A_62 : i32
    "tpu.region"() ({
      %run_scoped3A = tpu.sem_alloc : memref<!tpu.dma_semaphore, #tpu.memory_space<semaphore_mem>>
      %dma_start3A_190 = tpu.memref_slice %arg2[%mul3A_63] : memref<3276800xi32, #tpu.memory_space<hbm>> -> memref<12800xi32, #tpu.memory_space<hbm>>
      %dma_start3A_191 = tpu.memref_slice %arg2[%mul3A_63] : memref<3276800xi32, #tpu.memory_space<hbm>> -> memref<12800xi32, #tpu.memory_space<hbm>>
      tpu.enqueue_dma source(%dma_start3A_191 : memref<12800xi32, #tpu.memory_space<hbm>>) target(%arg5 : memref<12800xi32, #tpu.memory_space<vmem>>) target_semaphore(%run_scoped3A : memref<!tpu.dma_semaphore, #tpu.memory_space<semaphore_mem>>)
      %dma_wait3A_192 = tpu.memref_slice %arg2[%mul3A_63] : memref<3276800xi32, #tpu.memory_space<hbm>> -> memref<12800xi32, #tpu.memory_space<hbm>>
      %dma_wait3A_193 = tpu.memref_slice %arg2[%mul3A_63] : memref<3276800xi32, #tpu.memory_space<hbm>> -> memref<12800xi32, #tpu.memory_space<hbm>>
      tpu.wait_dma2 semaphore(%run_scoped3A : memref<!tpu.dma_semaphore, #tpu.memory_space<semaphore_mem>>) src(%dma_wait3A_193 : memref<12800xi32, #tpu.memory_space<hbm>>) dst(%arg5 : memref<12800xi32, #tpu.memory_space<vmem>>)
      tpu.yield
    }) : () -> ()
    %dma_start3A_64 = arith.constant 0 : i32
    %dma_start3A_65 = tpu.memref_slice %arg10[%dma_start3A_64] : memref<1000000xf32, #tpu.memory_space<vmem_shared>> -> memref<1000000xf32, #tpu.memory_space<vmem_shared>>
    tpu.enqueue_indirect_dma source(%dma_start3A_65 : memref<1000000xf32, #tpu.memory_space<vmem_shared>>) target(%arg6 : memref<12800xf32, #tpu.memory_space<vmem>>) offsets(%arg5 : memref<12800xi32, #tpu.memory_space<vmem>>) semaphore(%arg11 : memref<!tpu.dma_semaphore, #tpu.memory_space<semaphore_mem>>)
    %dma_wait3A_66 = arith.constant 0 : i32
    %dma_wait3A_67 = tpu.memref_slice %arg10[%dma_wait3A_66] : memref<1000000xf32, #tpu.memory_space<vmem_shared>> -> memref<1000000xf32, #tpu.memory_space<vmem_shared>>
    tpu.wait_indirect_dma semaphore(%arg12 : memref<!tpu.dma_semaphore, #tpu.memory_space<semaphore_mem>>) src(%dma_wait3A_67 : memref<1000000xf32, #tpu.memory_space<vmem_shared>>) dst(%arg8 : memref<12800xf32, #tpu.memory_space<vmem>>)
    %mul3A_68 = arith.constant 800 : i32
    %mul3A_69 = arith.muli %add3A, %mul3A_68 : i32
    %add3A_70 = arith.constant 100 : i32
    %add3A_71 = arith.addi %mul3A_69, %add3A_70 : i32
    %scan3A_72 = arith.constant 0 : i32
    %scan3A_73 = arith.constant 0 : i32
    %scan3A_74 = arith.constant 100 : i32
    %scan3A_75 = arith.addi %scan3A_73, %scan3A_74 : i32
    %scan3A_76 = arith.constant 1 : i32
    scf.for %scan3A_190 = %scan3A_73 to %scan3A_75 step %scan3A_76  : i32 {
      %add3A_191 = arith.addi %add3A_71, %scan3A_190 : i32
      %div3A = arith.constant 8 : i32
      %div3A_192 = arith.divsi %add3A_191, %div3A : i32
      %rem3A = arith.constant 128 : i32
      %rem3A_193 = arith.remsi %div3A_192, %rem3A : i32
      %mul3A_194 = arith.constant 128 : i32
      %mul3A_195 = arith.muli %rem3A_193, %mul3A_194 : i32
      %add3A_196 = arith.constant 0 : i32
      %add3A_197 = arith.addi %mul3A_195, %add3A_196 : i32
      %mul3A_198 = arith.constant 128 : i32
      %mul3A_199 = arith.muli %scan3A_190, %mul3A_198 : i32
      %add3A_200 = arith.constant 0 : i32
      %add3A_201 = arith.addi %mul3A_199, %add3A_200 : i32
      %get3A = arith.index_cast %add3A_197 : i32 to index
      %get3A_202 = tpu.vector_load %arg9[%get3A] {strides = array<i32>} : memref<16384xf32, #tpu.memory_space<vmem>>, vector<16xf32>,
      %get3A_203 = vector.shape_cast %get3A_202 : vector<16xf32> to vector<16xf32>
      %get3A_204 = arith.index_cast %add3A_201 : i32 to index
      %get3A_205 = tpu.vector_load %arg8[%get3A_204] {strides = array<i32>} : memref<12800xf32, #tpu.memory_space<vmem>>, vector<16xf32>,
      %get3A_206 = vector.shape_cast %get3A_205 : vector<16xf32> to vector<16xf32>
      %add3A_207 = arith.addf %get3A_203, %get3A_206 : vector<16xf32>
      %swap3A = arith.index_cast %add3A_197 : i32 to index
      %swap3A_208 = tpu.vector_load %arg9[%swap3A] {strides = array<i32>} : memref<16384xf32, #tpu.memory_space<vmem>>, vector<16xf32>,
      %swap3A_209 = vector.shape_cast %swap3A_208 : vector<16xf32> to vector<16xf32>
      %swap3A_210 = vector.shape_cast %add3A_207 : vector<16xf32> to vector<16xf32>
      tpu.vector_store %arg9[%swap3A], %swap3A_210 {strides = array<i32>} : memref<16384xf32, #tpu.memory_space<vmem>>, vector<16xf32>,
      %add3A_211 = arith.constant 16 : i32
      %add3A_212 = arith.addi %mul3A_195, %add3A_211 : i32
      %mul3A_213 = arith.constant 128 : i32
      %mul3A_214 = arith.muli %scan3A_190, %mul3A_213 : i32
      %add3A_215 = arith.constant 16 : i32
      %add3A_216 = arith.addi %mul3A_214, %add3A_215 : i32
      %get3A_217 = arith.index_cast %add3A_212 : i32 to index
      %get3A_218 = tpu.vector_load %arg9[%get3A_217] {strides = array<i32>} : memref<16384xf32, #tpu.memory_space<vmem>>, vector<16xf32>,
      %get3A_219 = vector.shape_cast %get3A_218 : vector<16xf32> to vector<16xf32>
      %get3A_220 = arith.index_cast %add3A_216 : i32 to index
      %get3A_221 = tpu.vector_load %arg8[%get3A_220] {strides = array<i32>} : memref<12800xf32, #tpu.memory_space<vmem>>, vector<16xf32>,
      %get3A_222 = vector.shape_cast %get3A_221 : vector<16xf32> to vector<16xf32>
      %add3A_223 = arith.addf %get3A_219, %get3A_222 : vector<16xf32>
      %swap3A_224 = arith.index_cast %add3A_212 : i32 to index
      %swap3A_225 = tpu.vector_load %arg9[%swap3A_224] {strides = array<i32>} : memref<16384xf32, #tpu.memory_space<vmem>>, vector<16xf32>,
      %swap3A_226 = vector.shape_cast %swap3A_225 : vector<16xf32> to vector<16xf32>
      %swap3A_227 = vector.shape_cast %add3A_223 : vector<16xf32> to vector<16xf32>
      tpu.vector_store %arg9[%swap3A_224], %swap3A_227 {strides = array<i32>} : memref<16384xf32, #tpu.memory_space<vmem>>, vector<16xf32>,
      %add3A_228 = arith.constant 32 : i32
      %add3A_229 = arith.addi %mul3A_195, %add3A_228 : i32
      %mul3A_230 = arith.constant 128 : i32
      %mul3A_231 = arith.muli %scan3A_190, %mul3A_230 : i32
      %add3A_232 = arith.constant 32 : i32
      %add3A_233 = arith.addi %mul3A_231, %add3A_232 : i32
      %get3A_234 = arith.index_cast %add3A_229 : i32 to index
      %get3A_235 = tpu.vector_load %arg9[%get3A_234] {strides = array<i32>} : memref<16384xf32, #tpu.memory_space<vmem>>, vector<16xf32>,
      %get3A_236 = vector.shape_cast %get3A_235 : vector<16xf32> to vector<16xf32>
      %get3A_237 = arith.index_cast %add3A_233 : i32 to index
      %get3A_238 = tpu.vector_load %arg8[%get3A_237] {strides = array<i32>} : memref<12800xf32, #tpu.memory_space<vmem>>, vector<16xf32>,
      %get3A_239 = vector.shape_cast %get3A_238 : vector<16xf32> to vector<16xf32>
      %add3A_240 = arith.addf %get3A_236, %get3A_239 : vector<16xf32>
      %swap3A_241 = arith.index_cast %add3A_229 : i32 to index
      %swap3A_242 = tpu.vector_load %arg9[%swap3A_241] {strides = array<i32>} : memref<16384xf32, #tpu.memory_space<vmem>>, vector<16xf32>,
      %swap3A_243 = vector.shape_cast %swap3A_242 : vector<16xf32> to vector<16xf32>
      %swap3A_244 = vector.shape_cast %add3A_240 : vector<16xf32> to vector<16xf32>
      tpu.vector_store %arg9[%swap3A_241], %swap3A_244 {strides = array<i32>} : memref<16384xf32, #tpu.memory_space<vmem>>, vector<16xf32>,
      %add3A_245 = arith.constant 48 : i32
      %add3A_246 = arith.addi %mul3A_195, %add3A_245 : i32
      %mul3A_247 = arith.constant 128 : i32
      %mul3A_248 = arith.muli %scan3A_190, %mul3A_247 : i32
      %add3A_249 = arith.constant 48 : i32
      %add3A_250 = arith.addi %mul3A_248, %add3A_249 : i32
      %get3A_251 = arith.index_cast %add3A_246 : i32 to index
      %get3A_252 = tpu.vector_load %arg9[%get3A_251] {strides = array<i32>} : memref<16384xf32, #tpu.memory_space<vmem>>, vector<16xf32>,
      %get3A_253 = vector.shape_cast %get3A_252 : vector<16xf32> to vector<16xf32>
      %get3A_254 = arith.index_cast %add3A_250 : i32 to index
      %get3A_255 = tpu.vector_load %arg8[%get3A_254] {strides = array<i32>} : memref<12800xf32, #tpu.memory_space<vmem>>, vector<16xf32>,
      %get3A_256 = vector.shape_cast %get3A_255 : vector<16xf32> to vector<16xf32>
      %add3A_257 = arith.addf %get3A_253, %get3A_256 : vector<16xf32>
      %swap3A_258 = arith.index_cast %add3A_246 : i32 to index
      %swap3A_259 = tpu.vector_load %arg9[%swap3A_258] {strides = array<i32>} : memref<16384xf32, #tpu.memory_space<vmem>>, vector<16xf32>,
      %swap3A_260 = vector.shape_cast %swap3A_259 : vector<16xf32> to vector<16xf32>
      %swap3A_261 = vector.shape_cast %add3A_257 : vector<16xf32> to vector<16xf32>
      tpu.vector_store %arg9[%swap3A_258], %swap3A_261 {strides = array<i32>} : memref<16384xf32, #tpu.memory_space<vmem>>, vector<16xf32>,
      %add3A_262 = arith.constant 64 : i32
      %add3A_263 = arith.addi %mul3A_195, %add3A_262 : i32
      %mul3A_264 = arith.constant 128 : i32
      %mul3A_265 = arith.muli %scan3A_190, %mul3A_264 : i32
      %add3A_266 = arith.constant 64 : i32
      %add3A_267 = arith.addi %mul3A_265, %add3A_266 : i32
      %get3A_268 = arith.index_cast %add3A_263 : i32 to index
      %get3A_269 = tpu.vector_load %arg9[%get3A_268] {strides = array<i32>} : memref<16384xf32, #tpu.memory_space<vmem>>, vector<16xf32>,
      %get3A_270 = vector.shape_cast %get3A_269 : vector<16xf32> to vector<16xf32>
      %get3A_271 = arith.index_cast %add3A_267 : i32 to index
      %get3A_272 = tpu.vector_load %arg8[%get3A_271] {strides = array<i32>} : memref<12800xf32, #tpu.memory_space<vmem>>, vector<16xf32>,
      %get3A_273 = vector.shape_cast %get3A_272 : vector<16xf32> to vector<16xf32>
      %add3A_274 = arith.addf %get3A_270, %get3A_273 : vector<16xf32>
      %swap3A_275 = arith.index_cast %add3A_263 : i32 to index
      %swap3A_276 = tpu.vector_load %arg9[%swap3A_275] {strides = array<i32>} : memref<16384xf32, #tpu.memory_space<vmem>>, vector<16xf32>,
      %swap3A_277 = vector.shape_cast %swap3A_276 : vector<16xf32> to vector<16xf32>
      %swap3A_278 = vector.shape_cast %add3A_274 : vector<16xf32> to vector<16xf32>
      tpu.vector_store %arg9[%swap3A_275], %swap3A_278 {strides = array<i32>} : memref<16384xf32, #tpu.memory_space<vmem>>, vector<16xf32>,
      %add3A_279 = arith.constant 80 : i32
      %add3A_280 = arith.addi %mul3A_195, %add3A_279 : i32
      %mul3A_281 = arith.constant 128 : i32
      %mul3A_282 = arith.muli %scan3A_190, %mul3A_281 : i32
      %add3A_283 = arith.constant 80 : i32
      %add3A_284 = arith.addi %mul3A_282, %add3A_283 : i32
      %get3A_285 = arith.index_cast %add3A_280 : i32 to index
      %get3A_286 = tpu.vector_load %arg9[%get3A_285] {strides = array<i32>} : memref<16384xf32, #tpu.memory_space<vmem>>, vector<16xf32>,
      %get3A_287 = vector.shape_cast %get3A_286 : vector<16xf32> to vector<16xf32>
      %get3A_288 = arith.index_cast %add3A_284 : i32 to index
      %get3A_289 = tpu.vector_load %arg8[%get3A_288] {strides = array<i32>} : memref<12800xf32, #tpu.memory_space<vmem>>, vector<16xf32>,
      %get3A_290 = vector.shape_cast %get3A_289 : vector<16xf32> to vector<16xf32>
      %add3A_291 = arith.addf %get3A_287, %get3A_290 : vector<16xf32>
      %swap3A_292 = arith.index_cast %add3A_280 : i32 to index
      %swap3A_293 = tpu.vector_load %arg9[%swap3A_292] {strides = array<i32>} : memref<16384xf32, #tpu.memory_space<vmem>>, vector<16xf32>,
      %swap3A_294 = vector.shape_cast %swap3A_293 : vector<16xf32> to vector<16xf32>
      %swap3A_295 = vector.shape_cast %add3A_291 : vector<16xf32> to vector<16xf32>
      tpu.vector_store %arg9[%swap3A_292], %swap3A_295 {strides = array<i32>} : memref<16384xf32, #tpu.memory_space<vmem>>, vector<16xf32>,
      %add3A_296 = arith.constant 96 : i32
      %add3A_297 = arith.addi %mul3A_195, %add3A_296 : i32
      %mul3A_298 = arith.constant 128 : i32
      %mul3A_299 = arith.muli %scan3A_190, %mul3A_298 : i32
      %add3A_300 = arith.constant 96 : i32
      %add3A_301 = arith.addi %mul3A_299, %add3A_300 : i32
      %get3A_302 = arith.index_cast %add3A_297 : i32 to index
      %get3A_303 = tpu.vector_load %arg9[%get3A_302] {strides = array<i32>} : memref<16384xf32, #tpu.memory_space<vmem>>, vector<16xf32>,
      %get3A_304 = vector.shape_cast %get3A_303 : vector<16xf32> to vector<16xf32>
      %get3A_305 = arith.index_cast %add3A_301 : i32 to index
      %get3A_306 = tpu.vector_load %arg8[%get3A_305] {strides = array<i32>} : memref<12800xf32, #tpu.memory_space<vmem>>, vector<16xf32>,
      %get3A_307 = vector.shape_cast %get3A_306 : vector<16xf32> to vector<16xf32>
      %add3A_308 = arith.addf %get3A_304, %get3A_307 : vector<16xf32>
      %swap3A_309 = arith.index_cast %add3A_297 : i32 to index
      %swap3A_310 = tpu.vector_load %arg9[%swap3A_309] {strides = array<i32>} : memref<16384xf32, #tpu.memory_space<vmem>>, vector<16xf32>,
      %swap3A_311 = vector.shape_cast %swap3A_310 : vector<16xf32> to vector<16xf32>
      %swap3A_312 = vector.shape_cast %add3A_308 : vector<16xf32> to vector<16xf32>
      tpu.vector_store %arg9[%swap3A_309], %swap3A_312 {strides = array<i32>} : memref<16384xf32, #tpu.memory_space<vmem>>, vector<16xf32>,
      %add3A_313 = arith.constant 112 : i32
      %add3A_314 = arith.addi %mul3A_195, %add3A_313 : i32
      %mul3A_315 = arith.constant 128 : i32
      %mul3A_316 = arith.muli %scan3A_190, %mul3A_315 : i32
      %add3A_317 = arith.constant 112 : i32
      %add3A_318 = arith.addi %mul3A_316, %add3A_317 : i32
      %get3A_319 = arith.index_cast %add3A_314 : i32 to index
      %get3A_320 = tpu.vector_load %arg9[%get3A_319] {strides = array<i32>} : memref<16384xf32, #tpu.memory_space<vmem>>, vector<16xf32>,
      %get3A_321 = vector.shape_cast %get3A_320 : vector<16xf32> to vector<16xf32>
      %get3A_322 = arith.index_cast %add3A_318 : i32 to index
      %get3A_323 = tpu.vector_load %arg8[%get3A_322] {strides = array<i32>} : memref<12800xf32, #tpu.memory_space<vmem>>, vector<16xf32>,
      %get3A_324 = vector.shape_cast %get3A_323 : vector<16xf32> to vector<16xf32>
      %add3A_325 = arith.addf %get3A_321, %get3A_324 : vector<16xf32>
      %swap3A_326 = arith.index_cast %add3A_314 : i32 to index
      %swap3A_327 = tpu.vector_load %arg9[%swap3A_326] {strides = array<i32>} : memref<16384xf32, #tpu.memory_space<vmem>>, vector<16xf32>,
      %swap3A_328 = vector.shape_cast %swap3A_327 : vector<16xf32> to vector<16xf32>
      %swap3A_329 = vector.shape_cast %add3A_325 : vector<16xf32> to vector<16xf32>
      tpu.vector_store %arg9[%swap3A_326], %swap3A_329 {strides = array<i32>} : memref<16384xf32, #tpu.memory_space<vmem>>, vector<16xf32>,
    }
    %scan3A_77 = arith.constant 100 : i32
    %mul3A_78 = arith.constant 800 : i32
    %mul3A_79 = arith.muli %add3A, %mul3A_78 : i32
    %add3A_80 = arith.constant 300 : i32
    %add3A_81 = arith.addi %mul3A_79, %add3A_80 : i32
    %mul3A_82 = arith.constant 128 : i32
    %mul3A_83 = arith.muli %add3A_81, %mul3A_82 : i32
    "tpu.region"() ({
      %run_scoped3A = tpu.sem_alloc : memref<!tpu.dma_semaphore, #tpu.memory_space<semaphore_mem>>
      %dma_start3A_190 = tpu.memref_slice %arg2[%mul3A_83] : memref<3276800xi32, #tpu.memory_space<hbm>> -> memref<12800xi32, #tpu.memory_space<hbm>>
      %dma_start3A_191 = tpu.memref_slice %arg2[%mul3A_83] : memref<3276800xi32, #tpu.memory_space<hbm>> -> memref<12800xi32, #tpu.memory_space<hbm>>
      tpu.enqueue_dma source(%dma_start3A_191 : memref<12800xi32, #tpu.memory_space<hbm>>) target(%arg7 : memref<12800xi32, #tpu.memory_space<vmem>>) target_semaphore(%run_scoped3A : memref<!tpu.dma_semaphore, #tpu.memory_space<semaphore_mem>>)
      %dma_wait3A_192 = tpu.memref_slice %arg2[%mul3A_83] : memref<3276800xi32, #tpu.memory_space<hbm>> -> memref<12800xi32, #tpu.memory_space<hbm>>
      %dma_wait3A_193 = tpu.memref_slice %arg2[%mul3A_83] : memref<3276800xi32, #tpu.memory_space<hbm>> -> memref<12800xi32, #tpu.memory_space<hbm>>
      tpu.wait_dma2 semaphore(%run_scoped3A : memref<!tpu.dma_semaphore, #tpu.memory_space<semaphore_mem>>) src(%dma_wait3A_193 : memref<12800xi32, #tpu.memory_space<hbm>>) dst(%arg7 : memref<12800xi32, #tpu.memory_space<vmem>>)
      tpu.yield
    }) : () -> ()
    %dma_start3A_84 = arith.constant 0 : i32
    %dma_start3A_85 = tpu.memref_slice %arg10[%dma_start3A_84] : memref<1000000xf32, #tpu.memory_space<vmem_shared>> -> memref<1000000xf32, #tpu.memory_space<vmem_shared>>
    tpu.enqueue_indirect_dma source(%dma_start3A_85 : memref<1000000xf32, #tpu.memory_space<vmem_shared>>) target(%arg8 : memref<12800xf32, #tpu.memory_space<vmem>>) offsets(%arg7 : memref<12800xi32, #tpu.memory_space<vmem>>) semaphore(%arg12 : memref<!tpu.dma_semaphore, #tpu.memory_space<semaphore_mem>>)
    %dma_wait3A_86 = arith.constant 0 : i32
    %dma_wait3A_87 = tpu.memref_slice %arg10[%dma_wait3A_86] : memref<1000000xf32, #tpu.memory_space<vmem_shared>> -> memref<1000000xf32, #tpu.memory_space<vmem_shared>>
    tpu.wait_indirect_dma semaphore(%arg11 : memref<!tpu.dma_semaphore, #tpu.memory_space<semaphore_mem>>) src(%dma_wait3A_87 : memref<1000000xf32, #tpu.memory_space<vmem_shared>>) dst(%arg6 : memref<12800xf32, #tpu.memory_space<vmem>>)
    %mul3A_88 = arith.constant 800 : i32
    %mul3A_89 = arith.muli %add3A, %mul3A_88 : i32
    %add3A_90 = arith.constant 200 : i32
    %add3A_91 = arith.addi %mul3A_89, %add3A_90 : i32
    %scan3A_92 = arith.constant 0 : i32
    %scan3A_93 = arith.constant 0 : i32
    %scan3A_94 = arith.constant 100 : i32
    %scan3A_95 = arith.addi %scan3A_93, %scan3A_94 : i32
    %scan3A_96 = arith.constant 1 : i32
    scf.for %scan3A_190 = %scan3A_93 to %scan3A_95 step %scan3A_96  : i32 {
      %add3A_191 = arith.addi %add3A_91, %scan3A_190 : i32
      %div3A = arith.constant 8 : i32
      %div3A_192 = arith.divsi %add3A_191, %div3A : i32
      %rem3A = arith.constant 128 : i32
      %rem3A_193 = arith.remsi %div3A_192, %rem3A : i32
      %mul3A_194 = arith.constant 128 : i32
      %mul3A_195 = arith.muli %rem3A_193, %mul3A_194 : i32
      %add3A_196 = arith.constant 0 : i32
      %add3A_197 = arith.addi %mul3A_195, %add3A_196 : i32
      %mul3A_198 = arith.constant 128 : i32
      %mul3A_199 = arith.muli %scan3A_190, %mul3A_198 : i32
      %add3A_200 = arith.constant 0 : i32
      %add3A_201 = arith.addi %mul3A_199, %add3A_200 : i32
      %get3A = arith.index_cast %add3A_197 : i32 to index
      %get3A_202 = tpu.vector_load %arg9[%get3A] {strides = array<i32>} : memref<16384xf32, #tpu.memory_space<vmem>>, vector<16xf32>,
      %get3A_203 = vector.shape_cast %get3A_202 : vector<16xf32> to vector<16xf32>
      %get3A_204 = arith.index_cast %add3A_201 : i32 to index
      %get3A_205 = tpu.vector_load %arg6[%get3A_204] {strides = array<i32>} : memref<12800xf32, #tpu.memory_space<vmem>>, vector<16xf32>,
      %get3A_206 = vector.shape_cast %get3A_205 : vector<16xf32> to vector<16xf32>
      %add3A_207 = arith.addf %get3A_203, %get3A_206 : vector<16xf32>
      %swap3A = arith.index_cast %add3A_197 : i32 to index
      %swap3A_208 = tpu.vector_load %arg9[%swap3A] {strides = array<i32>} : memref<16384xf32, #tpu.memory_space<vmem>>, vector<16xf32>,
      %swap3A_209 = vector.shape_cast %swap3A_208 : vector<16xf32> to vector<16xf32>
      %swap3A_210 = vector.shape_cast %add3A_207 : vector<16xf32> to vector<16xf32>
      tpu.vector_store %arg9[%swap3A], %swap3A_210 {strides = array<i32>} : memref<16384xf32, #tpu.memory_space<vmem>>, vector<16xf32>,
      %add3A_211 = arith.constant 16 : i32
      %add3A_212 = arith.addi %mul3A_195, %add3A_211 : i32
      %mul3A_213 = arith.constant 128 : i32
      %mul3A_214 = arith.muli %scan3A_190, %mul3A_213 : i32
      %add3A_215 = arith.constant 16 : i32
      %add3A_216 = arith.addi %mul3A_214, %add3A_215 : i32
      %get3A_217 = arith.index_cast %add3A_212 : i32 to index
      %get3A_218 = tpu.vector_load %arg9[%get3A_217] {strides = array<i32>} : memref<16384xf32, #tpu.memory_space<vmem>>, vector<16xf32>,
      %get3A_219 = vector.shape_cast %get3A_218 : vector<16xf32> to vector<16xf32>
      %get3A_220 = arith.index_cast %add3A_216 : i32 to index
      %get3A_221 = tpu.vector_load %arg6[%get3A_220] {strides = array<i32>} : memref<12800xf32, #tpu.memory_space<vmem>>, vector<16xf32>,
      %get3A_222 = vector.shape_cast %get3A_221 : vector<16xf32> to vector<16xf32>
      %add3A_223 = arith.addf %get3A_219, %get3A_222 : vector<16xf32>
      %swap3A_224 = arith.index_cast %add3A_212 : i32 to index
      %swap3A_225 = tpu.vector_load %arg9[%swap3A_224] {strides = array<i32>} : memref<16384xf32, #tpu.memory_space<vmem>>, vector<16xf32>,
      %swap3A_226 = vector.shape_cast %swap3A_225 : vector<16xf32> to vector<16xf32>
      %swap3A_227 = vector.shape_cast %add3A_223 : vector<16xf32> to vector<16xf32>
      tpu.vector_store %arg9[%swap3A_224], %swap3A_227 {strides = array<i32>} : memref<16384xf32, #tpu.memory_space<vmem>>, vector<16xf32>,
      %add3A_228 = arith.constant 32 : i32
      %add3A_229 = arith.addi %mul3A_195, %add3A_228 : i32
      %mul3A_230 = arith.constant 128 : i32
      %mul3A_231 = arith.muli %scan3A_190, %mul3A_230 : i32
      %add3A_232 = arith.constant 32 : i32
      %add3A_233 = arith.addi %mul3A_231, %add3A_232 : i32
      %get3A_234 = arith.index_cast %add3A_229 : i32 to index
      %get3A_235 = tpu.vector_load %arg9[%get3A_234] {strides = array<i32>} : memref<16384xf32, #tpu.memory_space<vmem>>, vector<16xf32>,
      %get3A_236 = vector.shape_cast %get3A_235 : vector<16xf32> to vector<16xf32>
      %get3A_237 = arith.index_cast %add3A_233 : i32 to index
      %get3A_238 = tpu.vector_load %arg6[%get3A_237] {strides = array<i32>} : memref<12800xf32, #tpu.memory_space<vmem>>, vector<16xf32>,
      %get3A_239 = vector.shape_cast %get3A_238 : vector<16xf32> to vector<16xf32>
      %add3A_240 = arith.addf %get3A_236, %get3A_239 : vector<16xf32>
      %swap3A_241 = arith.index_cast %add3A_229 : i32 to index
      %swap3A_242 = tpu.vector_load %arg9[%swap3A_241] {strides = array<i32>} : memref<16384xf32, #tpu.memory_space<vmem>>, vector<16xf32>,
      %swap3A_243 = vector.shape_cast %swap3A_242 : vector<16xf32> to vector<16xf32>
      %swap3A_244 = vector.shape_cast %add3A_240 : vector<16xf32> to vector<16xf32>
      tpu.vector_store %arg9[%swap3A_241], %swap3A_244 {strides = array<i32>} : memref<16384xf32, #tpu.memory_space<vmem>>, vector<16xf32>,
      %add3A_245 = arith.constant 48 : i32
      %add3A_246 = arith.addi %mul3A_195, %add3A_245 : i32
      %mul3A_247 = arith.constant 128 : i32
      %mul3A_248 = arith.muli %scan3A_190, %mul3A_247 : i32
      %add3A_249 = arith.constant 48 : i32
      %add3A_250 = arith.addi %mul3A_248, %add3A_249 : i32
      %get3A_251 = arith.index_cast %add3A_246 : i32 to index
      %get3A_252 = tpu.vector_load %arg9[%get3A_251] {strides = array<i32>} : memref<16384xf32, #tpu.memory_space<vmem>>, vector<16xf32>,
      %get3A_253 = vector.shape_cast %get3A_252 : vector<16xf32> to vector<16xf32>
      %get3A_254 = arith.index_cast %add3A_250 : i32 to index
      %get3A_255 = tpu.vector_load %arg6[%get3A_254] {strides = array<i32>} : memref<12800xf32, #tpu.memory_space<vmem>>, vector<16xf32>,
      %get3A_256 = vector.shape_cast %get3A_255 : vector<16xf32> to vector<16xf32>
      %add3A_257 = arith.addf %get3A_253, %get3A_256 : vector<16xf32>
      %swap3A_258 = arith.index_cast %add3A_246 : i32 to index
      %swap3A_259 = tpu.vector_load %arg9[%swap3A_258] {strides = array<i32>} : memref<16384xf32, #tpu.memory_space<vmem>>, vector<16xf32>,
      %swap3A_260 = vector.shape_cast %swap3A_259 : vector<16xf32> to vector<16xf32>
      %swap3A_261 = vector.shape_cast %add3A_257 : vector<16xf32> to vector<16xf32>
      tpu.vector_store %arg9[%swap3A_258], %swap3A_261 {strides = array<i32>} : memref<16384xf32, #tpu.memory_space<vmem>>, vector<16xf32>,
      %add3A_262 = arith.constant 64 : i32
      %add3A_263 = arith.addi %mul3A_195, %add3A_262 : i32
      %mul3A_264 = arith.constant 128 : i32
      %mul3A_265 = arith.muli %scan3A_190, %mul3A_264 : i32
      %add3A_266 = arith.constant 64 : i32
      %add3A_267 = arith.addi %mul3A_265, %add3A_266 : i32
      %get3A_268 = arith.index_cast %add3A_263 : i32 to index
      %get3A_269 = tpu.vector_load %arg9[%get3A_268] {strides = array<i32>} : memref<16384xf32, #tpu.memory_space<vmem>>, vector<16xf32>,
      %get3A_270 = vector.shape_cast %get3A_269 : vector<16xf32> to vector<16xf32>
      %get3A_271 = arith.index_cast %add3A_267 : i32 to index
      %get3A_272 = tpu.vector_load %arg6[%get3A_271] {strides = array<i32>} : memref<12800xf32, #tpu.memory_space<vmem>>, vector<16xf32>,
      %get3A_273 = vector.shape_cast %get3A_272 : vector<16xf32> to vector<16xf32>
      %add3A_274 = arith.addf %get3A_270, %get3A_273 : vector<16xf32>
      %swap3A_275 = arith.index_cast %add3A_263 : i32 to index
      %swap3A_276 = tpu.vector_load %arg9[%swap3A_275] {strides = array<i32>} : memref<16384xf32, #tpu.memory_space<vmem>>, vector<16xf32>,
      %swap3A_277 = vector.shape_cast %swap3A_276 : vector<16xf32> to vector<16xf32>
      %swap3A_278 = vector.shape_cast %add3A_274 : vector<16xf32> to vector<16xf32>
      tpu.vector_store %arg9[%swap3A_275], %swap3A_278 {strides = array<i32>} : memref<16384xf32, #tpu.memory_space<vmem>>, vector<16xf32>,
      %add3A_279 = arith.constant 80 : i32
      %add3A_280 = arith.addi %mul3A_195, %add3A_279 : i32
      %mul3A_281 = arith.constant 128 : i32
      %mul3A_282 = arith.muli %scan3A_190, %mul3A_281 : i32
      %add3A_283 = arith.constant 80 : i32
      %add3A_284 = arith.addi %mul3A_282, %add3A_283 : i32
      %get3A_285 = arith.index_cast %add3A_280 : i32 to index
      %get3A_286 = tpu.vector_load %arg9[%get3A_285] {strides = array<i32>} : memref<16384xf32, #tpu.memory_space<vmem>>, vector<16xf32>,
      %get3A_287 = vector.shape_cast %get3A_286 : vector<16xf32> to vector<16xf32>
      %get3A_288 = arith.index_cast %add3A_284 : i32 to index
      %get3A_289 = tpu.vector_load %arg6[%get3A_288] {strides = array<i32>} : memref<12800xf32, #tpu.memory_space<vmem>>, vector<16xf32>,
      %get3A_290 = vector.shape_cast %get3A_289 : vector<16xf32> to vector<16xf32>
      %add3A_291 = arith.addf %get3A_287, %get3A_290 : vector<16xf32>
      %swap3A_292 = arith.index_cast %add3A_280 : i32 to index
      %swap3A_293 = tpu.vector_load %arg9[%swap3A_292] {strides = array<i32>} : memref<16384xf32, #tpu.memory_space<vmem>>, vector<16xf32>,
      %swap3A_294 = vector.shape_cast %swap3A_293 : vector<16xf32> to vector<16xf32>
      %swap3A_295 = vector.shape_cast %add3A_291 : vector<16xf32> to vector<16xf32>
      tpu.vector_store %arg9[%swap3A_292], %swap3A_295 {strides = array<i32>} : memref<16384xf32, #tpu.memory_space<vmem>>, vector<16xf32>,
      %add3A_296 = arith.constant 96 : i32
      %add3A_297 = arith.addi %mul3A_195, %add3A_296 : i32
      %mul3A_298 = arith.constant 128 : i32
      %mul3A_299 = arith.muli %scan3A_190, %mul3A_298 : i32
      %add3A_300 = arith.constant 96 : i32
      %add3A_301 = arith.addi %mul3A_299, %add3A_300 : i32
      %get3A_302 = arith.index_cast %add3A_297 : i32 to index
      %get3A_303 = tpu.vector_load %arg9[%get3A_302] {strides = array<i32>} : memref<16384xf32, #tpu.memory_space<vmem>>, vector<16xf32>,
      %get3A_304 = vector.shape_cast %get3A_303 : vector<16xf32> to vector<16xf32>
      %get3A_305 = arith.index_cast %add3A_301 : i32 to index
      %get3A_306 = tpu.vector_load %arg6[%get3A_305] {strides = array<i32>} : memref<12800xf32, #tpu.memory_space<vmem>>, vector<16xf32>,
      %get3A_307 = vector.shape_cast %get3A_306 : vector<16xf32> to vector<16xf32>
      %add3A_308 = arith.addf %get3A_304, %get3A_307 : vector<16xf32>
      %swap3A_309 = arith.index_cast %add3A_297 : i32 to index
      %swap3A_310 = tpu.vector_load %arg9[%swap3A_309] {strides = array<i32>} : memref<16384xf32, #tpu.memory_space<vmem>>, vector<16xf32>,
      %swap3A_311 = vector.shape_cast %swap3A_310 : vector<16xf32> to vector<16xf32>
      %swap3A_312 = vector.shape_cast %add3A_308 : vector<16xf32> to vector<16xf32>
      tpu.vector_store %arg9[%swap3A_309], %swap3A_312 {strides = array<i32>} : memref<16384xf32, #tpu.memory_space<vmem>>, vector<16xf32>,
      %add3A_313 = arith.constant 112 : i32
      %add3A_314 = arith.addi %mul3A_195, %add3A_313 : i32
      %mul3A_315 = arith.constant 128 : i32
      %mul3A_316 = arith.muli %scan3A_190, %mul3A_315 : i32
      %add3A_317 = arith.constant 112 : i32
      %add3A_318 = arith.addi %mul3A_316, %add3A_317 : i32
      %get3A_319 = arith.index_cast %add3A_314 : i32 to index
      %get3A_320 = tpu.vector_load %arg9[%get3A_319] {strides = array<i32>} : memref<16384xf32, #tpu.memory_space<vmem>>, vector<16xf32>,
      %get3A_321 = vector.shape_cast %get3A_320 : vector<16xf32> to vector<16xf32>
      %get3A_322 = arith.index_cast %add3A_318 : i32 to index
      %get3A_323 = tpu.vector_load %arg6[%get3A_322] {strides = array<i32>} : memref<12800xf32, #tpu.memory_space<vmem>>, vector<16xf32>,
      %get3A_324 = vector.shape_cast %get3A_323 : vector<16xf32> to vector<16xf32>
      %add3A_325 = arith.addf %get3A_321, %get3A_324 : vector<16xf32>
      %swap3A_326 = arith.index_cast %add3A_314 : i32 to index
      %swap3A_327 = tpu.vector_load %arg9[%swap3A_326] {strides = array<i32>} : memref<16384xf32, #tpu.memory_space<vmem>>, vector<16xf32>,
      %swap3A_328 = vector.shape_cast %swap3A_327 : vector<16xf32> to vector<16xf32>
      %swap3A_329 = vector.shape_cast %add3A_325 : vector<16xf32> to vector<16xf32>
      tpu.vector_store %arg9[%swap3A_326], %swap3A_329 {strides = array<i32>} : memref<16384xf32, #tpu.memory_space<vmem>>, vector<16xf32>,
    }
    %scan3A_97 = arith.constant 100 : i32
    %mul3A_98 = arith.constant 800 : i32
    %mul3A_99 = arith.muli %add3A, %mul3A_98 : i32
    %add3A_100 = arith.constant 400 : i32
    %add3A_101 = arith.addi %mul3A_99, %add3A_100 : i32
    %mul3A_102 = arith.constant 128 : i32
    %mul3A_103 = arith.muli %add3A_101, %mul3A_102 : i32
    "tpu.region"() ({
      %run_scoped3A = tpu.sem_alloc : memref<!tpu.dma_semaphore, #tpu.memory_space<semaphore_mem>>
      %dma_start3A_190 = tpu.memref_slice %arg2[%mul3A_103] : memref<3276800xi32, #tpu.memory_space<hbm>> -> memref<12800xi32, #tpu.memory_space<hbm>>
      %dma_start3A_191 = tpu.memref_slice %arg2[%mul3A_103] : memref<3276800xi32, #tpu.memory_space<hbm>> -> memref<12800xi32, #tpu.memory_space<hbm>>
      tpu.enqueue_dma source(%dma_start3A_191 : memref<12800xi32, #tpu.memory_space<hbm>>) target(%arg5 : memref<12800xi32, #tpu.memory_space<vmem>>) target_semaphore(%run_scoped3A : memref<!tpu.dma_semaphore, #tpu.memory_space<semaphore_mem>>)
      %dma_wait3A_192 = tpu.memref_slice %arg2[%mul3A_103] : memref<3276800xi32, #tpu.memory_space<hbm>> -> memref<12800xi32, #tpu.memory_space<hbm>>
      %dma_wait3A_193 = tpu.memref_slice %arg2[%mul3A_103] : memref<3276800xi32, #tpu.memory_space<hbm>> -> memref<12800xi32, #tpu.memory_space<hbm>>
      tpu.wait_dma2 semaphore(%run_scoped3A : memref<!tpu.dma_semaphore, #tpu.memory_space<semaphore_mem>>) src(%dma_wait3A_193 : memref<12800xi32, #tpu.memory_space<hbm>>) dst(%arg5 : memref<12800xi32, #tpu.memory_space<vmem>>)
      tpu.yield
    }) : () -> ()
    %dma_start3A_104 = arith.constant 0 : i32
    %dma_start3A_105 = tpu.memref_slice %arg10[%dma_start3A_104] : memref<1000000xf32, #tpu.memory_space<vmem_shared>> -> memref<1000000xf32, #tpu.memory_space<vmem_shared>>
    tpu.enqueue_indirect_dma source(%dma_start3A_105 : memref<1000000xf32, #tpu.memory_space<vmem_shared>>) target(%arg6 : memref<12800xf32, #tpu.memory_space<vmem>>) offsets(%arg5 : memref<12800xi32, #tpu.memory_space<vmem>>) semaphore(%arg11 : memref<!tpu.dma_semaphore, #tpu.memory_space<semaphore_mem>>)
    %dma_wait3A_106 = arith.constant 0 : i32
    %dma_wait3A_107 = tpu.memref_slice %arg10[%dma_wait3A_106] : memref<1000000xf32, #tpu.memory_space<vmem_shared>> -> memref<1000000xf32, #tpu.memory_space<vmem_shared>>
    tpu.wait_indirect_dma semaphore(%arg12 : memref<!tpu.dma_semaphore, #tpu.memory_space<semaphore_mem>>) src(%dma_wait3A_107 : memref<1000000xf32, #tpu.memory_space<vmem_shared>>) dst(%arg8 : memref<12800xf32, #tpu.memory_space<vmem>>)
    %mul3A_108 = arith.constant 800 : i32
    %mul3A_109 = arith.muli %add3A, %mul3A_108 : i32
    %add3A_110 = arith.constant 300 : i32
    %add3A_111 = arith.addi %mul3A_109, %add3A_110 : i32
    %scan3A_112 = arith.constant 0 : i32
    %scan3A_113 = arith.constant 0 : i32
    %scan3A_114 = arith.constant 100 : i32
    %scan3A_115 = arith.addi %scan3A_113, %scan3A_114 : i32
    %scan3A_116 = arith.constant 1 : i32
    scf.for %scan3A_190 = %scan3A_113 to %scan3A_115 step %scan3A_116  : i32 {
      %add3A_191 = arith.addi %add3A_111, %scan3A_190 : i32
      %div3A = arith.constant 8 : i32
      %div3A_192 = arith.divsi %add3A_191, %div3A : i32
      %rem3A = arith.constant 128 : i32
      %rem3A_193 = arith.remsi %div3A_192, %rem3A : i32
      %mul3A_194 = arith.constant 128 : i32
      %mul3A_195 = arith.muli %rem3A_193, %mul3A_194 : i32
      %add3A_196 = arith.constant 0 : i32
      %add3A_197 = arith.addi %mul3A_195, %add3A_196 : i32
      %mul3A_198 = arith.constant 128 : i32
      %mul3A_199 = arith.muli %scan3A_190, %mul3A_198 : i32
      %add3A_200 = arith.constant 0 : i32
      %add3A_201 = arith.addi %mul3A_199, %add3A_200 : i32
      %get3A = arith.index_cast %add3A_197 : i32 to index
      %get3A_202 = tpu.vector_load %arg9[%get3A] {strides = array<i32>} : memref<16384xf32, #tpu.memory_space<vmem>>, vector<16xf32>,
      %get3A_203 = vector.shape_cast %get3A_202 : vector<16xf32> to vector<16xf32>
      %get3A_204 = arith.index_cast %add3A_201 : i32 to index
      %get3A_205 = tpu.vector_load %arg8[%get3A_204] {strides = array<i32>} : memref<12800xf32, #tpu.memory_space<vmem>>, vector<16xf32>,
      %get3A_206 = vector.shape_cast %get3A_205 : vector<16xf32> to vector<16xf32>
      %add3A_207 = arith.addf %get3A_203, %get3A_206 : vector<16xf32>
      %swap3A = arith.index_cast %add3A_197 : i32 to index
      %swap3A_208 = tpu.vector_load %arg9[%swap3A] {strides = array<i32>} : memref<16384xf32, #tpu.memory_space<vmem>>, vector<16xf32>,
      %swap3A_209 = vector.shape_cast %swap3A_208 : vector<16xf32> to vector<16xf32>
      %swap3A_210 = vector.shape_cast %add3A_207 : vector<16xf32> to vector<16xf32>
      tpu.vector_store %arg9[%swap3A], %swap3A_210 {strides = array<i32>} : memref<16384xf32, #tpu.memory_space<vmem>>, vector<16xf32>,
      %add3A_211 = arith.constant 16 : i32
      %add3A_212 = arith.addi %mul3A_195, %add3A_211 : i32
      %mul3A_213 = arith.constant 128 : i32
      %mul3A_214 = arith.muli %scan3A_190, %mul3A_213 : i32
      %add3A_215 = arith.constant 16 : i32
      %add3A_216 = arith.addi %mul3A_214, %add3A_215 : i32
      %get3A_217 = arith.index_cast %add3A_212 : i32 to index
      %get3A_218 = tpu.vector_load %arg9[%get3A_217] {strides = array<i32>} : memref<16384xf32, #tpu.memory_space<vmem>>, vector<16xf32>,
      %get3A_219 = vector.shape_cast %get3A_218 : vector<16xf32> to vector<16xf32>
      %get3A_220 = arith.index_cast %add3A_216 : i32 to index
      %get3A_221 = tpu.vector_load %arg8[%get3A_220] {strides = array<i32>} : memref<12800xf32, #tpu.memory_space<vmem>>, vector<16xf32>,
      %get3A_222 = vector.shape_cast %get3A_221 : vector<16xf32> to vector<16xf32>
      %add3A_223 = arith.addf %get3A_219, %get3A_222 : vector<16xf32>
      %swap3A_224 = arith.index_cast %add3A_212 : i32 to index
      %swap3A_225 = tpu.vector_load %arg9[%swap3A_224] {strides = array<i32>} : memref<16384xf32, #tpu.memory_space<vmem>>, vector<16xf32>,
      %swap3A_226 = vector.shape_cast %swap3A_225 : vector<16xf32> to vector<16xf32>
      %swap3A_227 = vector.shape_cast %add3A_223 : vector<16xf32> to vector<16xf32>
      tpu.vector_store %arg9[%swap3A_224], %swap3A_227 {strides = array<i32>} : memref<16384xf32, #tpu.memory_space<vmem>>, vector<16xf32>,
      %add3A_228 = arith.constant 32 : i32
      %add3A_229 = arith.addi %mul3A_195, %add3A_228 : i32
      %mul3A_230 = arith.constant 128 : i32
      %mul3A_231 = arith.muli %scan3A_190, %mul3A_230 : i32
      %add3A_232 = arith.constant 32 : i32
      %add3A_233 = arith.addi %mul3A_231, %add3A_232 : i32
      %get3A_234 = arith.index_cast %add3A_229 : i32 to index
      %get3A_235 = tpu.vector_load %arg9[%get3A_234] {strides = array<i32>} : memref<16384xf32, #tpu.memory_space<vmem>>, vector<16xf32>,
      %get3A_236 = vector.shape_cast %get3A_235 : vector<16xf32> to vector<16xf32>
      %get3A_237 = arith.index_cast %add3A_233 : i32 to index
      %get3A_238 = tpu.vector_load %arg8[%get3A_237] {strides = array<i32>} : memref<12800xf32, #tpu.memory_space<vmem>>, vector<16xf32>,
      %get3A_239 = vector.shape_cast %get3A_238 : vector<16xf32> to vector<16xf32>
      %add3A_240 = arith.addf %get3A_236, %get3A_239 : vector<16xf32>
      %swap3A_241 = arith.index_cast %add3A_229 : i32 to index
      %swap3A_242 = tpu.vector_load %arg9[%swap3A_241] {strides = array<i32>} : memref<16384xf32, #tpu.memory_space<vmem>>, vector<16xf32>,
      %swap3A_243 = vector.shape_cast %swap3A_242 : vector<16xf32> to vector<16xf32>
      %swap3A_244 = vector.shape_cast %add3A_240 : vector<16xf32> to vector<16xf32>
      tpu.vector_store %arg9[%swap3A_241], %swap3A_244 {strides = array<i32>} : memref<16384xf32, #tpu.memory_space<vmem>>, vector<16xf32>,
      %add3A_245 = arith.constant 48 : i32
      %add3A_246 = arith.addi %mul3A_195, %add3A_245 : i32
      %mul3A_247 = arith.constant 128 : i32
      %mul3A_248 = arith.muli %scan3A_190, %mul3A_247 : i32
      %add3A_249 = arith.constant 48 : i32
      %add3A_250 = arith.addi %mul3A_248, %add3A_249 : i32
      %get3A_251 = arith.index_cast %add3A_246 : i32 to index
      %get3A_252 = tpu.vector_load %arg9[%get3A_251] {strides = array<i32>} : memref<16384xf32, #tpu.memory_space<vmem>>, vector<16xf32>,
      %get3A_253 = vector.shape_cast %get3A_252 : vector<16xf32> to vector<16xf32>
      %get3A_254 = arith.index_cast %add3A_250 : i32 to index
      %get3A_255 = tpu.vector_load %arg8[%get3A_254] {strides = array<i32>} : memref<12800xf32, #tpu.memory_space<vmem>>, vector<16xf32>,
      %get3A_256 = vector.shape_cast %get3A_255 : vector<16xf32> to vector<16xf32>
      %add3A_257 = arith.addf %get3A_253, %get3A_256 : vector<16xf32>
      %swap3A_258 = arith.index_cast %add3A_246 : i32 to index
      %swap3A_259 = tpu.vector_load %arg9[%swap3A_258] {strides = array<i32>} : memref<16384xf32, #tpu.memory_space<vmem>>, vector<16xf32>,
      %swap3A_260 = vector.shape_cast %swap3A_259 : vector<16xf32> to vector<16xf32>
      %swap3A_261 = vector.shape_cast %add3A_257 : vector<16xf32> to vector<16xf32>
      tpu.vector_store %arg9[%swap3A_258], %swap3A_261 {strides = array<i32>} : memref<16384xf32, #tpu.memory_space<vmem>>, vector<16xf32>,
      %add3A_262 = arith.constant 64 : i32
      %add3A_263 = arith.addi %mul3A_195, %add3A_262 : i32
      %mul3A_264 = arith.constant 128 : i32
      %mul3A_265 = arith.muli %scan3A_190, %mul3A_264 : i32
      %add3A_266 = arith.constant 64 : i32
      %add3A_267 = arith.addi %mul3A_265, %add3A_266 : i32
      %get3A_268 = arith.index_cast %add3A_263 : i32 to index
      %get3A_269 = tpu.vector_load %arg9[%get3A_268] {strides = array<i32>} : memref<16384xf32, #tpu.memory_space<vmem>>, vector<16xf32>,
      %get3A_270 = vector.shape_cast %get3A_269 : vector<16xf32> to vector<16xf32>
      %get3A_271 = arith.index_cast %add3A_267 : i32 to index
      %get3A_272 = tpu.vector_load %arg8[%get3A_271] {strides = array<i32>} : memref<12800xf32, #tpu.memory_space<vmem>>, vector<16xf32>,
      %get3A_273 = vector.shape_cast %get3A_272 : vector<16xf32> to vector<16xf32>
      %add3A_274 = arith.addf %get3A_270, %get3A_273 : vector<16xf32>
      %swap3A_275 = arith.index_cast %add3A_263 : i32 to index
      %swap3A_276 = tpu.vector_load %arg9[%swap3A_275] {strides = array<i32>} : memref<16384xf32, #tpu.memory_space<vmem>>, vector<16xf32>,
      %swap3A_277 = vector.shape_cast %swap3A_276 : vector<16xf32> to vector<16xf32>
      %swap3A_278 = vector.shape_cast %add3A_274 : vector<16xf32> to vector<16xf32>
      tpu.vector_store %arg9[%swap3A_275], %swap3A_278 {strides = array<i32>} : memref<16384xf32, #tpu.memory_space<vmem>>, vector<16xf32>,
      %add3A_279 = arith.constant 80 : i32
      %add3A_280 = arith.addi %mul3A_195, %add3A_279 : i32
      %mul3A_281 = arith.constant 128 : i32
      %mul3A_282 = arith.muli %scan3A_190, %mul3A_281 : i32
      %add3A_283 = arith.constant 80 : i32
      %add3A_284 = arith.addi %mul3A_282, %add3A_283 : i32
      %get3A_285 = arith.index_cast %add3A_280 : i32 to index
      %get3A_286 = tpu.vector_load %arg9[%get3A_285] {strides = array<i32>} : memref<16384xf32, #tpu.memory_space<vmem>>, vector<16xf32>,
      %get3A_287 = vector.shape_cast %get3A_286 : vector<16xf32> to vector<16xf32>
      %get3A_288 = arith.index_cast %add3A_284 : i32 to index
      %get3A_289 = tpu.vector_load %arg8[%get3A_288] {strides = array<i32>} : memref<12800xf32, #tpu.memory_space<vmem>>, vector<16xf32>,
      %get3A_290 = vector.shape_cast %get3A_289 : vector<16xf32> to vector<16xf32>
      %add3A_291 = arith.addf %get3A_287, %get3A_290 : vector<16xf32>
      %swap3A_292 = arith.index_cast %add3A_280 : i32 to index
      %swap3A_293 = tpu.vector_load %arg9[%swap3A_292] {strides = array<i32>} : memref<16384xf32, #tpu.memory_space<vmem>>, vector<16xf32>,
      %swap3A_294 = vector.shape_cast %swap3A_293 : vector<16xf32> to vector<16xf32>
      %swap3A_295 = vector.shape_cast %add3A_291 : vector<16xf32> to vector<16xf32>
      tpu.vector_store %arg9[%swap3A_292], %swap3A_295 {strides = array<i32>} : memref<16384xf32, #tpu.memory_space<vmem>>, vector<16xf32>,
      %add3A_296 = arith.constant 96 : i32
      %add3A_297 = arith.addi %mul3A_195, %add3A_296 : i32
      %mul3A_298 = arith.constant 128 : i32
      %mul3A_299 = arith.muli %scan3A_190, %mul3A_298 : i32
      %add3A_300 = arith.constant 96 : i32
      %add3A_301 = arith.addi %mul3A_299, %add3A_300 : i32
      %get3A_302 = arith.index_cast %add3A_297 : i32 to index
      %get3A_303 = tpu.vector_load %arg9[%get3A_302] {strides = array<i32>} : memref<16384xf32, #tpu.memory_space<vmem>>, vector<16xf32>,
      %get3A_304 = vector.shape_cast %get3A_303 : vector<16xf32> to vector<16xf32>
      %get3A_305 = arith.index_cast %add3A_301 : i32 to index
      %get3A_306 = tpu.vector_load %arg8[%get3A_305] {strides = array<i32>} : memref<12800xf32, #tpu.memory_space<vmem>>, vector<16xf32>,
      %get3A_307 = vector.shape_cast %get3A_306 : vector<16xf32> to vector<16xf32>
      %add3A_308 = arith.addf %get3A_304, %get3A_307 : vector<16xf32>
      %swap3A_309 = arith.index_cast %add3A_297 : i32 to index
      %swap3A_310 = tpu.vector_load %arg9[%swap3A_309] {strides = array<i32>} : memref<16384xf32, #tpu.memory_space<vmem>>, vector<16xf32>,
      %swap3A_311 = vector.shape_cast %swap3A_310 : vector<16xf32> to vector<16xf32>
      %swap3A_312 = vector.shape_cast %add3A_308 : vector<16xf32> to vector<16xf32>
      tpu.vector_store %arg9[%swap3A_309], %swap3A_312 {strides = array<i32>} : memref<16384xf32, #tpu.memory_space<vmem>>, vector<16xf32>,
      %add3A_313 = arith.constant 112 : i32
      %add3A_314 = arith.addi %mul3A_195, %add3A_313 : i32
      %mul3A_315 = arith.constant 128 : i32
      %mul3A_316 = arith.muli %scan3A_190, %mul3A_315 : i32
      %add3A_317 = arith.constant 112 : i32
      %add3A_318 = arith.addi %mul3A_316, %add3A_317 : i32
      %get3A_319 = arith.index_cast %add3A_314 : i32 to index
      %get3A_320 = tpu.vector_load %arg9[%get3A_319] {strides = array<i32>} : memref<16384xf32, #tpu.memory_space<vmem>>, vector<16xf32>,
      %get3A_321 = vector.shape_cast %get3A_320 : vector<16xf32> to vector<16xf32>
      %get3A_322 = arith.index_cast %add3A_318 : i32 to index
      %get3A_323 = tpu.vector_load %arg8[%get3A_322] {strides = array<i32>} : memref<12800xf32, #tpu.memory_space<vmem>>, vector<16xf32>,
      %get3A_324 = vector.shape_cast %get3A_323 : vector<16xf32> to vector<16xf32>
      %add3A_325 = arith.addf %get3A_321, %get3A_324 : vector<16xf32>
      %swap3A_326 = arith.index_cast %add3A_314 : i32 to index
      %swap3A_327 = tpu.vector_load %arg9[%swap3A_326] {strides = array<i32>} : memref<16384xf32, #tpu.memory_space<vmem>>, vector<16xf32>,
      %swap3A_328 = vector.shape_cast %swap3A_327 : vector<16xf32> to vector<16xf32>
      %swap3A_329 = vector.shape_cast %add3A_325 : vector<16xf32> to vector<16xf32>
      tpu.vector_store %arg9[%swap3A_326], %swap3A_329 {strides = array<i32>} : memref<16384xf32, #tpu.memory_space<vmem>>, vector<16xf32>,
    }
    %scan3A_117 = arith.constant 100 : i32
    %mul3A_118 = arith.constant 800 : i32
    %mul3A_119 = arith.muli %add3A, %mul3A_118 : i32
    %add3A_120 = arith.constant 500 : i32
    %add3A_121 = arith.addi %mul3A_119, %add3A_120 : i32
    %mul3A_122 = arith.constant 128 : i32
    %mul3A_123 = arith.muli %add3A_121, %mul3A_122 : i32
    "tpu.region"() ({
      %run_scoped3A = tpu.sem_alloc : memref<!tpu.dma_semaphore, #tpu.memory_space<semaphore_mem>>
      %dma_start3A_190 = tpu.memref_slice %arg2[%mul3A_123] : memref<3276800xi32, #tpu.memory_space<hbm>> -> memref<12800xi32, #tpu.memory_space<hbm>>
      %dma_start3A_191 = tpu.memref_slice %arg2[%mul3A_123] : memref<3276800xi32, #tpu.memory_space<hbm>> -> memref<12800xi32, #tpu.memory_space<hbm>>
      tpu.enqueue_dma source(%dma_start3A_191 : memref<12800xi32, #tpu.memory_space<hbm>>) target(%arg7 : memref<12800xi32, #tpu.memory_space<vmem>>) target_semaphore(%run_scoped3A : memref<!tpu.dma_semaphore, #tpu.memory_space<semaphore_mem>>)
      %dma_wait3A_192 = tpu.memref_slice %arg2[%mul3A_123] : memref<3276800xi32, #tpu.memory_space<hbm>> -> memref<12800xi32, #tpu.memory_space<hbm>>
      %dma_wait3A_193 = tpu.memref_slice %arg2[%mul3A_123] : memref<3276800xi32, #tpu.memory_space<hbm>> -> memref<12800xi32, #tpu.memory_space<hbm>>
      tpu.wait_dma2 semaphore(%run_scoped3A : memref<!tpu.dma_semaphore, #tpu.memory_space<semaphore_mem>>) src(%dma_wait3A_193 : memref<12800xi32, #tpu.memory_space<hbm>>) dst(%arg7 : memref<12800xi32, #tpu.memory_space<vmem>>)
      tpu.yield
    }) : () -> ()
    %dma_start3A_124 = arith.constant 0 : i32
    %dma_start3A_125 = tpu.memref_slice %arg10[%dma_start3A_124] : memref<1000000xf32, #tpu.memory_space<vmem_shared>> -> memref<1000000xf32, #tpu.memory_space<vmem_shared>>
    tpu.enqueue_indirect_dma source(%dma_start3A_125 : memref<1000000xf32, #tpu.memory_space<vmem_shared>>) target(%arg8 : memref<12800xf32, #tpu.memory_space<vmem>>) offsets(%arg7 : memref<12800xi32, #tpu.memory_space<vmem>>) semaphore(%arg12 : memref<!tpu.dma_semaphore, #tpu.memory_space<semaphore_mem>>)
    %dma_wait3A_126 = arith.constant 0 : i32
    %dma_wait3A_127 = tpu.memref_slice %arg10[%dma_wait3A_126] : memref<1000000xf32, #tpu.memory_space<vmem_shared>> -> memref<1000000xf32, #tpu.memory_space<vmem_shared>>
    tpu.wait_indirect_dma semaphore(%arg11 : memref<!tpu.dma_semaphore, #tpu.memory_space<semaphore_mem>>) src(%dma_wait3A_127 : memref<1000000xf32, #tpu.memory_space<vmem_shared>>) dst(%arg6 : memref<12800xf32, #tpu.memory_space<vmem>>)
    %mul3A_128 = arith.constant 800 : i32
    %mul3A_129 = arith.muli %add3A, %mul3A_128 : i32
    %add3A_130 = arith.constant 400 : i32
    %add3A_131 = arith.addi %mul3A_129, %add3A_130 : i32
    %scan3A_132 = arith.constant 0 : i32
    %scan3A_133 = arith.constant 0 : i32
    %scan3A_134 = arith.constant 100 : i32
    %scan3A_135 = arith.addi %scan3A_133, %scan3A_134 : i32
    %scan3A_136 = arith.constant 1 : i32
    scf.for %scan3A_190 = %scan3A_133 to %scan3A_135 step %scan3A_136  : i32 {
      %add3A_191 = arith.addi %add3A_131, %scan3A_190 : i32
      %div3A = arith.constant 8 : i32
      %div3A_192 = arith.divsi %add3A_191, %div3A : i32
      %rem3A = arith.constant 128 : i32
      %rem3A_193 = arith.remsi %div3A_192, %rem3A : i32
      %mul3A_194 = arith.constant 128 : i32
      %mul3A_195 = arith.muli %rem3A_193, %mul3A_194 : i32
      %add3A_196 = arith.constant 0 : i32
      %add3A_197 = arith.addi %mul3A_195, %add3A_196 : i32
      %mul3A_198 = arith.constant 128 : i32
      %mul3A_199 = arith.muli %scan3A_190, %mul3A_198 : i32
      %add3A_200 = arith.constant 0 : i32
      %add3A_201 = arith.addi %mul3A_199, %add3A_200 : i32
      %get3A = arith.index_cast %add3A_197 : i32 to index
      %get3A_202 = tpu.vector_load %arg9[%get3A] {strides = array<i32>} : memref<16384xf32, #tpu.memory_space<vmem>>, vector<16xf32>,
      %get3A_203 = vector.shape_cast %get3A_202 : vector<16xf32> to vector<16xf32>
      %get3A_204 = arith.index_cast %add3A_201 : i32 to index
      %get3A_205 = tpu.vector_load %arg6[%get3A_204] {strides = array<i32>} : memref<12800xf32, #tpu.memory_space<vmem>>, vector<16xf32>,
      %get3A_206 = vector.shape_cast %get3A_205 : vector<16xf32> to vector<16xf32>
      %add3A_207 = arith.addf %get3A_203, %get3A_206 : vector<16xf32>
      %swap3A = arith.index_cast %add3A_197 : i32 to index
      %swap3A_208 = tpu.vector_load %arg9[%swap3A] {strides = array<i32>} : memref<16384xf32, #tpu.memory_space<vmem>>, vector<16xf32>,
      %swap3A_209 = vector.shape_cast %swap3A_208 : vector<16xf32> to vector<16xf32>
      %swap3A_210 = vector.shape_cast %add3A_207 : vector<16xf32> to vector<16xf32>
      tpu.vector_store %arg9[%swap3A], %swap3A_210 {strides = array<i32>} : memref<16384xf32, #tpu.memory_space<vmem>>, vector<16xf32>,
      %add3A_211 = arith.constant 16 : i32
      %add3A_212 = arith.addi %mul3A_195, %add3A_211 : i32
      %mul3A_213 = arith.constant 128 : i32
      %mul3A_214 = arith.muli %scan3A_190, %mul3A_213 : i32
      %add3A_215 = arith.constant 16 : i32
      %add3A_216 = arith.addi %mul3A_214, %add3A_215 : i32
      %get3A_217 = arith.index_cast %add3A_212 : i32 to index
      %get3A_218 = tpu.vector_load %arg9[%get3A_217] {strides = array<i32>} : memref<16384xf32, #tpu.memory_space<vmem>>, vector<16xf32>,
      %get3A_219 = vector.shape_cast %get3A_218 : vector<16xf32> to vector<16xf32>
      %get3A_220 = arith.index_cast %add3A_216 : i32 to index
      %get3A_221 = tpu.vector_load %arg6[%get3A_220] {strides = array<i32>} : memref<12800xf32, #tpu.memory_space<vmem>>, vector<16xf32>,
      %get3A_222 = vector.shape_cast %get3A_221 : vector<16xf32> to vector<16xf32>
      %add3A_223 = arith.addf %get3A_219, %get3A_222 : vector<16xf32>
      %swap3A_224 = arith.index_cast %add3A_212 : i32 to index
      %swap3A_225 = tpu.vector_load %arg9[%swap3A_224] {strides = array<i32>} : memref<16384xf32, #tpu.memory_space<vmem>>, vector<16xf32>,
      %swap3A_226 = vector.shape_cast %swap3A_225 : vector<16xf32> to vector<16xf32>
      %swap3A_227 = vector.shape_cast %add3A_223 : vector<16xf32> to vector<16xf32>
      tpu.vector_store %arg9[%swap3A_224], %swap3A_227 {strides = array<i32>} : memref<16384xf32, #tpu.memory_space<vmem>>, vector<16xf32>,
      %add3A_228 = arith.constant 32 : i32
      %add3A_229 = arith.addi %mul3A_195, %add3A_228 : i32
      %mul3A_230 = arith.constant 128 : i32
      %mul3A_231 = arith.muli %scan3A_190, %mul3A_230 : i32
      %add3A_232 = arith.constant 32 : i32
      %add3A_233 = arith.addi %mul3A_231, %add3A_232 : i32
      %get3A_234 = arith.index_cast %add3A_229 : i32 to index
      %get3A_235 = tpu.vector_load %arg9[%get3A_234] {strides = array<i32>} : memref<16384xf32, #tpu.memory_space<vmem>>, vector<16xf32>,
      %get3A_236 = vector.shape_cast %get3A_235 : vector<16xf32> to vector<16xf32>
      %get3A_237 = arith.index_cast %add3A_233 : i32 to index
      %get3A_238 = tpu.vector_load %arg6[%get3A_237] {strides = array<i32>} : memref<12800xf32, #tpu.memory_space<vmem>>, vector<16xf32>,
      %get3A_239 = vector.shape_cast %get3A_238 : vector<16xf32> to vector<16xf32>
      %add3A_240 = arith.addf %get3A_236, %get3A_239 : vector<16xf32>
      %swap3A_241 = arith.index_cast %add3A_229 : i32 to index
      %swap3A_242 = tpu.vector_load %arg9[%swap3A_241] {strides = array<i32>} : memref<16384xf32, #tpu.memory_space<vmem>>, vector<16xf32>,
      %swap3A_243 = vector.shape_cast %swap3A_242 : vector<16xf32> to vector<16xf32>
      %swap3A_244 = vector.shape_cast %add3A_240 : vector<16xf32> to vector<16xf32>
      tpu.vector_store %arg9[%swap3A_241], %swap3A_244 {strides = array<i32>} : memref<16384xf32, #tpu.memory_space<vmem>>, vector<16xf32>,
      %add3A_245 = arith.constant 48 : i32
      %add3A_246 = arith.addi %mul3A_195, %add3A_245 : i32
      %mul3A_247 = arith.constant 128 : i32
      %mul3A_248 = arith.muli %scan3A_190, %mul3A_247 : i32
      %add3A_249 = arith.constant 48 : i32
      %add3A_250 = arith.addi %mul3A_248, %add3A_249 : i32
      %get3A_251 = arith.index_cast %add3A_246 : i32 to index
      %get3A_252 = tpu.vector_load %arg9[%get3A_251] {strides = array<i32>} : memref<16384xf32, #tpu.memory_space<vmem>>, vector<16xf32>,
      %get3A_253 = vector.shape_cast %get3A_252 : vector<16xf32> to vector<16xf32>
      %get3A_254 = arith.index_cast %add3A_250 : i32 to index
      %get3A_255 = tpu.vector_load %arg6[%get3A_254] {strides = array<i32>} : memref<12800xf32, #tpu.memory_space<vmem>>, vector<16xf32>,
      %get3A_256 = vector.shape_cast %get3A_255 : vector<16xf32> to vector<16xf32>
      %add3A_257 = arith.addf %get3A_253, %get3A_256 : vector<16xf32>
      %swap3A_258 = arith.index_cast %add3A_246 : i32 to index
      %swap3A_259 = tpu.vector_load %arg9[%swap3A_258] {strides = array<i32>} : memref<16384xf32, #tpu.memory_space<vmem>>, vector<16xf32>,
      %swap3A_260 = vector.shape_cast %swap3A_259 : vector<16xf32> to vector<16xf32>
      %swap3A_261 = vector.shape_cast %add3A_257 : vector<16xf32> to vector<16xf32>
      tpu.vector_store %arg9[%swap3A_258], %swap3A_261 {strides = array<i32>} : memref<16384xf32, #tpu.memory_space<vmem>>, vector<16xf32>,
      %add3A_262 = arith.constant 64 : i32
      %add3A_263 = arith.addi %mul3A_195, %add3A_262 : i32
      %mul3A_264 = arith.constant 128 : i32
      %mul3A_265 = arith.muli %scan3A_190, %mul3A_264 : i32
      %add3A_266 = arith.constant 64 : i32
      %add3A_267 = arith.addi %mul3A_265, %add3A_266 : i32
      %get3A_268 = arith.index_cast %add3A_263 : i32 to index
      %get3A_269 = tpu.vector_load %arg9[%get3A_268] {strides = array<i32>} : memref<16384xf32, #tpu.memory_space<vmem>>, vector<16xf32>,
      %get3A_270 = vector.shape_cast %get3A_269 : vector<16xf32> to vector<16xf32>
      %get3A_271 = arith.index_cast %add3A_267 : i32 to index
      %get3A_272 = tpu.vector_load %arg6[%get3A_271] {strides = array<i32>} : memref<12800xf32, #tpu.memory_space<vmem>>, vector<16xf32>,
      %get3A_273 = vector.shape_cast %get3A_272 : vector<16xf32> to vector<16xf32>
      %add3A_274 = arith.addf %get3A_270, %get3A_273 : vector<16xf32>
      %swap3A_275 = arith.index_cast %add3A_263 : i32 to index
      %swap3A_276 = tpu.vector_load %arg9[%swap3A_275] {strides = array<i32>} : memref<16384xf32, #tpu.memory_space<vmem>>, vector<16xf32>,
      %swap3A_277 = vector.shape_cast %swap3A_276 : vector<16xf32> to vector<16xf32>
      %swap3A_278 = vector.shape_cast %add3A_274 : vector<16xf32> to vector<16xf32>
      tpu.vector_store %arg9[%swap3A_275], %swap3A_278 {strides = array<i32>} : memref<16384xf32, #tpu.memory_space<vmem>>, vector<16xf32>,
      %add3A_279 = arith.constant 80 : i32
      %add3A_280 = arith.addi %mul3A_195, %add3A_279 : i32
      %mul3A_281 = arith.constant 128 : i32
      %mul3A_282 = arith.muli %scan3A_190, %mul3A_281 : i32
      %add3A_283 = arith.constant 80 : i32
      %add3A_284 = arith.addi %mul3A_282, %add3A_283 : i32
      %get3A_285 = arith.index_cast %add3A_280 : i32 to index
      %get3A_286 = tpu.vector_load %arg9[%get3A_285] {strides = array<i32>} : memref<16384xf32, #tpu.memory_space<vmem>>, vector<16xf32>,
      %get3A_287 = vector.shape_cast %get3A_286 : vector<16xf32> to vector<16xf32>
      %get3A_288 = arith.index_cast %add3A_284 : i32 to index
      %get3A_289 = tpu.vector_load %arg6[%get3A_288] {strides = array<i32>} : memref<12800xf32, #tpu.memory_space<vmem>>, vector<16xf32>,
      %get3A_290 = vector.shape_cast %get3A_289 : vector<16xf32> to vector<16xf32>
      %add3A_291 = arith.addf %get3A_287, %get3A_290 : vector<16xf32>
      %swap3A_292 = arith.index_cast %add3A_280 : i32 to index
      %swap3A_293 = tpu.vector_load %arg9[%swap3A_292] {strides = array<i32>} : memref<16384xf32, #tpu.memory_space<vmem>>, vector<16xf32>,
      %swap3A_294 = vector.shape_cast %swap3A_293 : vector<16xf32> to vector<16xf32>
      %swap3A_295 = vector.shape_cast %add3A_291 : vector<16xf32> to vector<16xf32>
      tpu.vector_store %arg9[%swap3A_292], %swap3A_295 {strides = array<i32>} : memref<16384xf32, #tpu.memory_space<vmem>>, vector<16xf32>,
      %add3A_296 = arith.constant 96 : i32
      %add3A_297 = arith.addi %mul3A_195, %add3A_296 : i32
      %mul3A_298 = arith.constant 128 : i32
      %mul3A_299 = arith.muli %scan3A_190, %mul3A_298 : i32
      %add3A_300 = arith.constant 96 : i32
      %add3A_301 = arith.addi %mul3A_299, %add3A_300 : i32
      %get3A_302 = arith.index_cast %add3A_297 : i32 to index
      %get3A_303 = tpu.vector_load %arg9[%get3A_302] {strides = array<i32>} : memref<16384xf32, #tpu.memory_space<vmem>>, vector<16xf32>,
      %get3A_304 = vector.shape_cast %get3A_303 : vector<16xf32> to vector<16xf32>
      %get3A_305 = arith.index_cast %add3A_301 : i32 to index
      %get3A_306 = tpu.vector_load %arg6[%get3A_305] {strides = array<i32>} : memref<12800xf32, #tpu.memory_space<vmem>>, vector<16xf32>,
      %get3A_307 = vector.shape_cast %get3A_306 : vector<16xf32> to vector<16xf32>
      %add3A_308 = arith.addf %get3A_304, %get3A_307 : vector<16xf32>
      %swap3A_309 = arith.index_cast %add3A_297 : i32 to index
      %swap3A_310 = tpu.vector_load %arg9[%swap3A_309] {strides = array<i32>} : memref<16384xf32, #tpu.memory_space<vmem>>, vector<16xf32>,
      %swap3A_311 = vector.shape_cast %swap3A_310 : vector<16xf32> to vector<16xf32>
      %swap3A_312 = vector.shape_cast %add3A_308 : vector<16xf32> to vector<16xf32>
      tpu.vector_store %arg9[%swap3A_309], %swap3A_312 {strides = array<i32>} : memref<16384xf32, #tpu.memory_space<vmem>>, vector<16xf32>,
      %add3A_313 = arith.constant 112 : i32
      %add3A_314 = arith.addi %mul3A_195, %add3A_313 : i32
      %mul3A_315 = arith.constant 128 : i32
      %mul3A_316 = arith.muli %scan3A_190, %mul3A_315 : i32
      %add3A_317 = arith.constant 112 : i32
      %add3A_318 = arith.addi %mul3A_316, %add3A_317 : i32
      %get3A_319 = arith.index_cast %add3A_314 : i32 to index
      %get3A_320 = tpu.vector_load %arg9[%get3A_319] {strides = array<i32>} : memref<16384xf32, #tpu.memory_space<vmem>>, vector<16xf32>,
      %get3A_321 = vector.shape_cast %get3A_320 : vector<16xf32> to vector<16xf32>
      %get3A_322 = arith.index_cast %add3A_318 : i32 to index
      %get3A_323 = tpu.vector_load %arg6[%get3A_322] {strides = array<i32>} : memref<12800xf32, #tpu.memory_space<vmem>>, vector<16xf32>,
      %get3A_324 = vector.shape_cast %get3A_323 : vector<16xf32> to vector<16xf32>
      %add3A_325 = arith.addf %get3A_321, %get3A_324 : vector<16xf32>
      %swap3A_326 = arith.index_cast %add3A_314 : i32 to index
      %swap3A_327 = tpu.vector_load %arg9[%swap3A_326] {strides = array<i32>} : memref<16384xf32, #tpu.memory_space<vmem>>, vector<16xf32>,
      %swap3A_328 = vector.shape_cast %swap3A_327 : vector<16xf32> to vector<16xf32>
      %swap3A_329 = vector.shape_cast %add3A_325 : vector<16xf32> to vector<16xf32>
      tpu.vector_store %arg9[%swap3A_326], %swap3A_329 {strides = array<i32>} : memref<16384xf32, #tpu.memory_space<vmem>>, vector<16xf32>,
    }
    %scan3A_137 = arith.constant 100 : i32
    %mul3A_138 = arith.constant 800 : i32
    %mul3A_139 = arith.muli %add3A, %mul3A_138 : i32
    %add3A_140 = arith.constant 600 : i32
    %add3A_141 = arith.addi %mul3A_139, %add3A_140 : i32
    %mul3A_142 = arith.constant 128 : i32
    %mul3A_143 = arith.muli %add3A_141, %mul3A_142 : i32
    "tpu.region"() ({
      %run_scoped3A = tpu.sem_alloc : memref<!tpu.dma_semaphore, #tpu.memory_space<semaphore_mem>>
      %dma_start3A_190 = tpu.memref_slice %arg2[%mul3A_143] : memref<3276800xi32, #tpu.memory_space<hbm>> -> memref<12800xi32, #tpu.memory_space<hbm>>
      %dma_start3A_191 = tpu.memref_slice %arg2[%mul3A_143] : memref<3276800xi32, #tpu.memory_space<hbm>> -> memref<12800xi32, #tpu.memory_space<hbm>>
      tpu.enqueue_dma source(%dma_start3A_191 : memref<12800xi32, #tpu.memory_space<hbm>>) target(%arg5 : memref<12800xi32, #tpu.memory_space<vmem>>) target_semaphore(%run_scoped3A : memref<!tpu.dma_semaphore, #tpu.memory_space<semaphore_mem>>)
      %dma_wait3A_192 = tpu.memref_slice %arg2[%mul3A_143] : memref<3276800xi32, #tpu.memory_space<hbm>> -> memref<12800xi32, #tpu.memory_space<hbm>>
      %dma_wait3A_193 = tpu.memref_slice %arg2[%mul3A_143] : memref<3276800xi32, #tpu.memory_space<hbm>> -> memref<12800xi32, #tpu.memory_space<hbm>>
      tpu.wait_dma2 semaphore(%run_scoped3A : memref<!tpu.dma_semaphore, #tpu.memory_space<semaphore_mem>>) src(%dma_wait3A_193 : memref<12800xi32, #tpu.memory_space<hbm>>) dst(%arg5 : memref<12800xi32, #tpu.memory_space<vmem>>)
      tpu.yield
    }) : () -> ()
    %dma_start3A_144 = arith.constant 0 : i32
    %dma_start3A_145 = tpu.memref_slice %arg10[%dma_start3A_144] : memref<1000000xf32, #tpu.memory_space<vmem_shared>> -> memref<1000000xf32, #tpu.memory_space<vmem_shared>>
    tpu.enqueue_indirect_dma source(%dma_start3A_145 : memref<1000000xf32, #tpu.memory_space<vmem_shared>>) target(%arg6 : memref<12800xf32, #tpu.memory_space<vmem>>) offsets(%arg5 : memref<12800xi32, #tpu.memory_space<vmem>>) semaphore(%arg11 : memref<!tpu.dma_semaphore, #tpu.memory_space<semaphore_mem>>)
    %dma_wait3A_146 = arith.constant 0 : i32
    %dma_wait3A_147 = tpu.memref_slice %arg10[%dma_wait3A_146] : memref<1000000xf32, #tpu.memory_space<vmem_shared>> -> memref<1000000xf32, #tpu.memory_space<vmem_shared>>
    tpu.wait_indirect_dma semaphore(%arg12 : memref<!tpu.dma_semaphore, #tpu.memory_space<semaphore_mem>>) src(%dma_wait3A_147 : memref<1000000xf32, #tpu.memory_space<vmem_shared>>) dst(%arg8 : memref<12800xf32, #tpu.memory_space<vmem>>)
    %mul3A_148 = arith.constant 800 : i32
    %mul3A_149 = arith.muli %add3A, %mul3A_148 : i32
    %add3A_150 = arith.constant 500 : i32
    %add3A_151 = arith.addi %mul3A_149, %add3A_150 : i32
    %scan3A_152 = arith.constant 0 : i32
    %scan3A_153 = arith.constant 0 : i32
    %scan3A_154 = arith.constant 100 : i32
    %scan3A_155 = arith.addi %scan3A_153, %scan3A_154 : i32
    %scan3A_156 = arith.constant 1 : i32
    scf.for %scan3A_190 = %scan3A_153 to %scan3A_155 step %scan3A_156  : i32 {
      %add3A_191 = arith.addi %add3A_151, %scan3A_190 : i32
      %div3A = arith.constant 8 : i32
      %div3A_192 = arith.divsi %add3A_191, %div3A : i32
      %rem3A = arith.constant 128 : i32
      %rem3A_193 = arith.remsi %div3A_192, %rem3A : i32
      %mul3A_194 = arith.constant 128 : i32
      %mul3A_195 = arith.muli %rem3A_193, %mul3A_194 : i32
      %add3A_196 = arith.constant 0 : i32
      %add3A_197 = arith.addi %mul3A_195, %add3A_196 : i32
      %mul3A_198 = arith.constant 128 : i32
      %mul3A_199 = arith.muli %scan3A_190, %mul3A_198 : i32
      %add3A_200 = arith.constant 0 : i32
      %add3A_201 = arith.addi %mul3A_199, %add3A_200 : i32
      %get3A = arith.index_cast %add3A_197 : i32 to index
      %get3A_202 = tpu.vector_load %arg9[%get3A] {strides = array<i32>} : memref<16384xf32, #tpu.memory_space<vmem>>, vector<16xf32>,
      %get3A_203 = vector.shape_cast %get3A_202 : vector<16xf32> to vector<16xf32>
      %get3A_204 = arith.index_cast %add3A_201 : i32 to index
      %get3A_205 = tpu.vector_load %arg8[%get3A_204] {strides = array<i32>} : memref<12800xf32, #tpu.memory_space<vmem>>, vector<16xf32>,
      %get3A_206 = vector.shape_cast %get3A_205 : vector<16xf32> to vector<16xf32>
      %add3A_207 = arith.addf %get3A_203, %get3A_206 : vector<16xf32>
      %swap3A = arith.index_cast %add3A_197 : i32 to index
      %swap3A_208 = tpu.vector_load %arg9[%swap3A] {strides = array<i32>} : memref<16384xf32, #tpu.memory_space<vmem>>, vector<16xf32>,
      %swap3A_209 = vector.shape_cast %swap3A_208 : vector<16xf32> to vector<16xf32>
      %swap3A_210 = vector.shape_cast %add3A_207 : vector<16xf32> to vector<16xf32>
      tpu.vector_store %arg9[%swap3A], %swap3A_210 {strides = array<i32>} : memref<16384xf32, #tpu.memory_space<vmem>>, vector<16xf32>,
      %add3A_211 = arith.constant 16 : i32
      %add3A_212 = arith.addi %mul3A_195, %add3A_211 : i32
      %mul3A_213 = arith.constant 128 : i32
      %mul3A_214 = arith.muli %scan3A_190, %mul3A_213 : i32
      %add3A_215 = arith.constant 16 : i32
      %add3A_216 = arith.addi %mul3A_214, %add3A_215 : i32
      %get3A_217 = arith.index_cast %add3A_212 : i32 to index
      %get3A_218 = tpu.vector_load %arg9[%get3A_217] {strides = array<i32>} : memref<16384xf32, #tpu.memory_space<vmem>>, vector<16xf32>,
      %get3A_219 = vector.shape_cast %get3A_218 : vector<16xf32> to vector<16xf32>
      %get3A_220 = arith.index_cast %add3A_216 : i32 to index
      %get3A_221 = tpu.vector_load %arg8[%get3A_220] {strides = array<i32>} : memref<12800xf32, #tpu.memory_space<vmem>>, vector<16xf32>,
      %get3A_222 = vector.shape_cast %get3A_221 : vector<16xf32> to vector<16xf32>
      %add3A_223 = arith.addf %get3A_219, %get3A_222 : vector<16xf32>
      %swap3A_224 = arith.index_cast %add3A_212 : i32 to index
      %swap3A_225 = tpu.vector_load %arg9[%swap3A_224] {strides = array<i32>} : memref<16384xf32, #tpu.memory_space<vmem>>, vector<16xf32>,
      %swap3A_226 = vector.shape_cast %swap3A_225 : vector<16xf32> to vector<16xf32>
      %swap3A_227 = vector.shape_cast %add3A_223 : vector<16xf32> to vector<16xf32>
      tpu.vector_store %arg9[%swap3A_224], %swap3A_227 {strides = array<i32>} : memref<16384xf32, #tpu.memory_space<vmem>>, vector<16xf32>,
      %add3A_228 = arith.constant 32 : i32
      %add3A_229 = arith.addi %mul3A_195, %add3A_228 : i32
      %mul3A_230 = arith.constant 128 : i32
      %mul3A_231 = arith.muli %scan3A_190, %mul3A_230 : i32
      %add3A_232 = arith.constant 32 : i32
      %add3A_233 = arith.addi %mul3A_231, %add3A_232 : i32
      %get3A_234 = arith.index_cast %add3A_229 : i32 to index
      %get3A_235 = tpu.vector_load %arg9[%get3A_234] {strides = array<i32>} : memref<16384xf32, #tpu.memory_space<vmem>>, vector<16xf32>,
      %get3A_236 = vector.shape_cast %get3A_235 : vector<16xf32> to vector<16xf32>
      %get3A_237 = arith.index_cast %add3A_233 : i32 to index
      %get3A_238 = tpu.vector_load %arg8[%get3A_237] {strides = array<i32>} : memref<12800xf32, #tpu.memory_space<vmem>>, vector<16xf32>,
      %get3A_239 = vector.shape_cast %get3A_238 : vector<16xf32> to vector<16xf32>
      %add3A_240 = arith.addf %get3A_236, %get3A_239 : vector<16xf32>
      %swap3A_241 = arith.index_cast %add3A_229 : i32 to index
      %swap3A_242 = tpu.vector_load %arg9[%swap3A_241] {strides = array<i32>} : memref<16384xf32, #tpu.memory_space<vmem>>, vector<16xf32>,
      %swap3A_243 = vector.shape_cast %swap3A_242 : vector<16xf32> to vector<16xf32>
      %swap3A_244 = vector.shape_cast %add3A_240 : vector<16xf32> to vector<16xf32>
      tpu.vector_store %arg9[%swap3A_241], %swap3A_244 {strides = array<i32>} : memref<16384xf32, #tpu.memory_space<vmem>>, vector<16xf32>,
      %add3A_245 = arith.constant 48 : i32
      %add3A_246 = arith.addi %mul3A_195, %add3A_245 : i32
      %mul3A_247 = arith.constant 128 : i32
      %mul3A_248 = arith.muli %scan3A_190, %mul3A_247 : i32
      %add3A_249 = arith.constant 48 : i32
      %add3A_250 = arith.addi %mul3A_248, %add3A_249 : i32
      %get3A_251 = arith.index_cast %add3A_246 : i32 to index
      %get3A_252 = tpu.vector_load %arg9[%get3A_251] {strides = array<i32>} : memref<16384xf32, #tpu.memory_space<vmem>>, vector<16xf32>,
      %get3A_253 = vector.shape_cast %get3A_252 : vector<16xf32> to vector<16xf32>
      %get3A_254 = arith.index_cast %add3A_250 : i32 to index
      %get3A_255 = tpu.vector_load %arg8[%get3A_254] {strides = array<i32>} : memref<12800xf32, #tpu.memory_space<vmem>>, vector<16xf32>,
      %get3A_256 = vector.shape_cast %get3A_255 : vector<16xf32> to vector<16xf32>
      %add3A_257 = arith.addf %get3A_253, %get3A_256 : vector<16xf32>
      %swap3A_258 = arith.index_cast %add3A_246 : i32 to index
      %swap3A_259 = tpu.vector_load %arg9[%swap3A_258] {strides = array<i32>} : memref<16384xf32, #tpu.memory_space<vmem>>, vector<16xf32>,
      %swap3A_260 = vector.shape_cast %swap3A_259 : vector<16xf32> to vector<16xf32>
      %swap3A_261 = vector.shape_cast %add3A_257 : vector<16xf32> to vector<16xf32>
      tpu.vector_store %arg9[%swap3A_258], %swap3A_261 {strides = array<i32>} : memref<16384xf32, #tpu.memory_space<vmem>>, vector<16xf32>,
      %add3A_262 = arith.constant 64 : i32
      %add3A_263 = arith.addi %mul3A_195, %add3A_262 : i32
      %mul3A_264 = arith.constant 128 : i32
      %mul3A_265 = arith.muli %scan3A_190, %mul3A_264 : i32
      %add3A_266 = arith.constant 64 : i32
      %add3A_267 = arith.addi %mul3A_265, %add3A_266 : i32
      %get3A_268 = arith.index_cast %add3A_263 : i32 to index
      %get3A_269 = tpu.vector_load %arg9[%get3A_268] {strides = array<i32>} : memref<16384xf32, #tpu.memory_space<vmem>>, vector<16xf32>,
      %get3A_270 = vector.shape_cast %get3A_269 : vector<16xf32> to vector<16xf32>
      %get3A_271 = arith.index_cast %add3A_267 : i32 to index
      %get3A_272 = tpu.vector_load %arg8[%get3A_271] {strides = array<i32>} : memref<12800xf32, #tpu.memory_space<vmem>>, vector<16xf32>,
      %get3A_273 = vector.shape_cast %get3A_272 : vector<16xf32> to vector<16xf32>
      %add3A_274 = arith.addf %get3A_270, %get3A_273 : vector<16xf32>
      %swap3A_275 = arith.index_cast %add3A_263 : i32 to index
      %swap3A_276 = tpu.vector_load %arg9[%swap3A_275] {strides = array<i32>} : memref<16384xf32, #tpu.memory_space<vmem>>, vector<16xf32>,
      %swap3A_277 = vector.shape_cast %swap3A_276 : vector<16xf32> to vector<16xf32>
      %swap3A_278 = vector.shape_cast %add3A_274 : vector<16xf32> to vector<16xf32>
      tpu.vector_store %arg9[%swap3A_275], %swap3A_278 {strides = array<i32>} : memref<16384xf32, #tpu.memory_space<vmem>>, vector<16xf32>,
      %add3A_279 = arith.constant 80 : i32
      %add3A_280 = arith.addi %mul3A_195, %add3A_279 : i32
      %mul3A_281 = arith.constant 128 : i32
      %mul3A_282 = arith.muli %scan3A_190, %mul3A_281 : i32
      %add3A_283 = arith.constant 80 : i32
      %add3A_284 = arith.addi %mul3A_282, %add3A_283 : i32
      %get3A_285 = arith.index_cast %add3A_280 : i32 to index
      %get3A_286 = tpu.vector_load %arg9[%get3A_285] {strides = array<i32>} : memref<16384xf32, #tpu.memory_space<vmem>>, vector<16xf32>,
      %get3A_287 = vector.shape_cast %get3A_286 : vector<16xf32> to vector<16xf32>
      %get3A_288 = arith.index_cast %add3A_284 : i32 to index
      %get3A_289 = tpu.vector_load %arg8[%get3A_288] {strides = array<i32>} : memref<12800xf32, #tpu.memory_space<vmem>>, vector<16xf32>,
      %get3A_290 = vector.shape_cast %get3A_289 : vector<16xf32> to vector<16xf32>
      %add3A_291 = arith.addf %get3A_287, %get3A_290 : vector<16xf32>
      %swap3A_292 = arith.index_cast %add3A_280 : i32 to index
      %swap3A_293 = tpu.vector_load %arg9[%swap3A_292] {strides = array<i32>} : memref<16384xf32, #tpu.memory_space<vmem>>, vector<16xf32>,
      %swap3A_294 = vector.shape_cast %swap3A_293 : vector<16xf32> to vector<16xf32>
      %swap3A_295 = vector.shape_cast %add3A_291 : vector<16xf32> to vector<16xf32>
      tpu.vector_store %arg9[%swap3A_292], %swap3A_295 {strides = array<i32>} : memref<16384xf32, #tpu.memory_space<vmem>>, vector<16xf32>,
      %add3A_296 = arith.constant 96 : i32
      %add3A_297 = arith.addi %mul3A_195, %add3A_296 : i32
      %mul3A_298 = arith.constant 128 : i32
      %mul3A_299 = arith.muli %scan3A_190, %mul3A_298 : i32
      %add3A_300 = arith.constant 96 : i32
      %add3A_301 = arith.addi %mul3A_299, %add3A_300 : i32
      %get3A_302 = arith.index_cast %add3A_297 : i32 to index
      %get3A_303 = tpu.vector_load %arg9[%get3A_302] {strides = array<i32>} : memref<16384xf32, #tpu.memory_space<vmem>>, vector<16xf32>,
      %get3A_304 = vector.shape_cast %get3A_303 : vector<16xf32> to vector<16xf32>
      %get3A_305 = arith.index_cast %add3A_301 : i32 to index
      %get3A_306 = tpu.vector_load %arg8[%get3A_305] {strides = array<i32>} : memref<12800xf32, #tpu.memory_space<vmem>>, vector<16xf32>,
      %get3A_307 = vector.shape_cast %get3A_306 : vector<16xf32> to vector<16xf32>
      %add3A_308 = arith.addf %get3A_304, %get3A_307 : vector<16xf32>
      %swap3A_309 = arith.index_cast %add3A_297 : i32 to index
      %swap3A_310 = tpu.vector_load %arg9[%swap3A_309] {strides = array<i32>} : memref<16384xf32, #tpu.memory_space<vmem>>, vector<16xf32>,
      %swap3A_311 = vector.shape_cast %swap3A_310 : vector<16xf32> to vector<16xf32>
      %swap3A_312 = vector.shape_cast %add3A_308 : vector<16xf32> to vector<16xf32>
      tpu.vector_store %arg9[%swap3A_309], %swap3A_312 {strides = array<i32>} : memref<16384xf32, #tpu.memory_space<vmem>>, vector<16xf32>,
      %add3A_313 = arith.constant 112 : i32
      %add3A_314 = arith.addi %mul3A_195, %add3A_313 : i32
      %mul3A_315 = arith.constant 128 : i32
      %mul3A_316 = arith.muli %scan3A_190, %mul3A_315 : i32
      %add3A_317 = arith.constant 112 : i32
      %add3A_318 = arith.addi %mul3A_316, %add3A_317 : i32
      %get3A_319 = arith.index_cast %add3A_314 : i32 to index
      %get3A_320 = tpu.vector_load %arg9[%get3A_319] {strides = array<i32>} : memref<16384xf32, #tpu.memory_space<vmem>>, vector<16xf32>,
      %get3A_321 = vector.shape_cast %get3A_320 : vector<16xf32> to vector<16xf32>
      %get3A_322 = arith.index_cast %add3A_318 : i32 to index
      %get3A_323 = tpu.vector_load %arg8[%get3A_322] {strides = array<i32>} : memref<12800xf32, #tpu.memory_space<vmem>>, vector<16xf32>,
      %get3A_324 = vector.shape_cast %get3A_323 : vector<16xf32> to vector<16xf32>
      %add3A_325 = arith.addf %get3A_321, %get3A_324 : vector<16xf32>
      %swap3A_326 = arith.index_cast %add3A_314 : i32 to index
      %swap3A_327 = tpu.vector_load %arg9[%swap3A_326] {strides = array<i32>} : memref<16384xf32, #tpu.memory_space<vmem>>, vector<16xf32>,
      %swap3A_328 = vector.shape_cast %swap3A_327 : vector<16xf32> to vector<16xf32>
      %swap3A_329 = vector.shape_cast %add3A_325 : vector<16xf32> to vector<16xf32>
      tpu.vector_store %arg9[%swap3A_326], %swap3A_329 {strides = array<i32>} : memref<16384xf32, #tpu.memory_space<vmem>>, vector<16xf32>,
    }
    %scan3A_157 = arith.constant 100 : i32
    %mul3A_158 = arith.constant 800 : i32
    %mul3A_159 = arith.muli %add3A, %mul3A_158 : i32
    %add3A_160 = arith.constant 700 : i32
    %add3A_161 = arith.addi %mul3A_159, %add3A_160 : i32
    %mul3A_162 = arith.constant 128 : i32
    %mul3A_163 = arith.muli %add3A_161, %mul3A_162 : i32
    "tpu.region"() ({
      %run_scoped3A = tpu.sem_alloc : memref<!tpu.dma_semaphore, #tpu.memory_space<semaphore_mem>>
      %dma_start3A_190 = tpu.memref_slice %arg2[%mul3A_163] : memref<3276800xi32, #tpu.memory_space<hbm>> -> memref<12800xi32, #tpu.memory_space<hbm>>
      %dma_start3A_191 = tpu.memref_slice %arg2[%mul3A_163] : memref<3276800xi32, #tpu.memory_space<hbm>> -> memref<12800xi32, #tpu.memory_space<hbm>>
      tpu.enqueue_dma source(%dma_start3A_191 : memref<12800xi32, #tpu.memory_space<hbm>>) target(%arg7 : memref<12800xi32, #tpu.memory_space<vmem>>) target_semaphore(%run_scoped3A : memref<!tpu.dma_semaphore, #tpu.memory_space<semaphore_mem>>)
      %dma_wait3A_192 = tpu.memref_slice %arg2[%mul3A_163] : memref<3276800xi32, #tpu.memory_space<hbm>> -> memref<12800xi32, #tpu.memory_space<hbm>>
      %dma_wait3A_193 = tpu.memref_slice %arg2[%mul3A_163] : memref<3276800xi32, #tpu.memory_space<hbm>> -> memref<12800xi32, #tpu.memory_space<hbm>>
      tpu.wait_dma2 semaphore(%run_scoped3A : memref<!tpu.dma_semaphore, #tpu.memory_space<semaphore_mem>>) src(%dma_wait3A_193 : memref<12800xi32, #tpu.memory_space<hbm>>) dst(%arg7 : memref<12800xi32, #tpu.memory_space<vmem>>)
      tpu.yield
    }) : () -> ()
    %dma_start3A_164 = arith.constant 0 : i32
    %dma_start3A_165 = tpu.memref_slice %arg10[%dma_start3A_164] : memref<1000000xf32, #tpu.memory_space<vmem_shared>> -> memref<1000000xf32, #tpu.memory_space<vmem_shared>>
    tpu.enqueue_indirect_dma source(%dma_start3A_165 : memref<1000000xf32, #tpu.memory_space<vmem_shared>>) target(%arg8 : memref<12800xf32, #tpu.memory_space<vmem>>) offsets(%arg7 : memref<12800xi32, #tpu.memory_space<vmem>>) semaphore(%arg12 : memref<!tpu.dma_semaphore, #tpu.memory_space<semaphore_mem>>)
    %dma_wait3A_166 = arith.constant 0 : i32
    %dma_wait3A_167 = tpu.memref_slice %arg10[%dma_wait3A_166] : memref<1000000xf32, #tpu.memory_space<vmem_shared>> -> memref<1000000xf32, #tpu.memory_space<vmem_shared>>
    tpu.wait_indirect_dma semaphore(%arg11 : memref<!tpu.dma_semaphore, #tpu.memory_space<semaphore_mem>>) src(%dma_wait3A_167 : memref<1000000xf32, #tpu.memory_space<vmem_shared>>) dst(%arg6 : memref<12800xf32, #tpu.memory_space<vmem>>)
    %mul3A_168 = arith.constant 800 : i32
    %mul3A_169 = arith.muli %add3A, %mul3A_168 : i32
    %add3A_170 = arith.constant 600 : i32
    %add3A_171 = arith.addi %mul3A_169, %add3A_170 : i32
    %scan3A_172 = arith.constant 0 : i32
    %scan3A_173 = arith.constant 0 : i32
    %scan3A_174 = arith.constant 100 : i32
    %scan3A_175 = arith.addi %scan3A_173, %scan3A_174 : i32
    %scan3A_176 = arith.constant 1 : i32
    scf.for %scan3A_190 = %scan3A_173 to %scan3A_175 step %scan3A_176  : i32 {
      %add3A_191 = arith.addi %add3A_171, %scan3A_190 : i32
      %div3A = arith.constant 8 : i32
      %div3A_192 = arith.divsi %add3A_191, %div3A : i32
      %rem3A = arith.constant 128 : i32
      %rem3A_193 = arith.remsi %div3A_192, %rem3A : i32
      %mul3A_194 = arith.constant 128 : i32
      %mul3A_195 = arith.muli %rem3A_193, %mul3A_194 : i32
      %add3A_196 = arith.constant 0 : i32
      %add3A_197 = arith.addi %mul3A_195, %add3A_196 : i32
      %mul3A_198 = arith.constant 128 : i32
      %mul3A_199 = arith.muli %scan3A_190, %mul3A_198 : i32
      %add3A_200 = arith.constant 0 : i32
      %add3A_201 = arith.addi %mul3A_199, %add3A_200 : i32
      %get3A = arith.index_cast %add3A_197 : i32 to index
      %get3A_202 = tpu.vector_load %arg9[%get3A] {strides = array<i32>} : memref<16384xf32, #tpu.memory_space<vmem>>, vector<16xf32>,
      %get3A_203 = vector.shape_cast %get3A_202 : vector<16xf32> to vector<16xf32>
      %get3A_204 = arith.index_cast %add3A_201 : i32 to index
      %get3A_205 = tpu.vector_load %arg6[%get3A_204] {strides = array<i32>} : memref<12800xf32, #tpu.memory_space<vmem>>, vector<16xf32>,
      %get3A_206 = vector.shape_cast %get3A_205 : vector<16xf32> to vector<16xf32>
      %add3A_207 = arith.addf %get3A_203, %get3A_206 : vector<16xf32>
      %swap3A = arith.index_cast %add3A_197 : i32 to index
      %swap3A_208 = tpu.vector_load %arg9[%swap3A] {strides = array<i32>} : memref<16384xf32, #tpu.memory_space<vmem>>, vector<16xf32>,
      %swap3A_209 = vector.shape_cast %swap3A_208 : vector<16xf32> to vector<16xf32>
      %swap3A_210 = vector.shape_cast %add3A_207 : vector<16xf32> to vector<16xf32>
      tpu.vector_store %arg9[%swap3A], %swap3A_210 {strides = array<i32>} : memref<16384xf32, #tpu.memory_space<vmem>>, vector<16xf32>,
      %add3A_211 = arith.constant 16 : i32
      %add3A_212 = arith.addi %mul3A_195, %add3A_211 : i32
      %mul3A_213 = arith.constant 128 : i32
      %mul3A_214 = arith.muli %scan3A_190, %mul3A_213 : i32
      %add3A_215 = arith.constant 16 : i32
      %add3A_216 = arith.addi %mul3A_214, %add3A_215 : i32
      %get3A_217 = arith.index_cast %add3A_212 : i32 to index
      %get3A_218 = tpu.vector_load %arg9[%get3A_217] {strides = array<i32>} : memref<16384xf32, #tpu.memory_space<vmem>>, vector<16xf32>,
      %get3A_219 = vector.shape_cast %get3A_218 : vector<16xf32> to vector<16xf32>
      %get3A_220 = arith.index_cast %add3A_216 : i32 to index
      %get3A_221 = tpu.vector_load %arg6[%get3A_220] {strides = array<i32>} : memref<12800xf32, #tpu.memory_space<vmem>>, vector<16xf32>,
      %get3A_222 = vector.shape_cast %get3A_221 : vector<16xf32> to vector<16xf32>
      %add3A_223 = arith.addf %get3A_219, %get3A_222 : vector<16xf32>
      %swap3A_224 = arith.index_cast %add3A_212 : i32 to index
      %swap3A_225 = tpu.vector_load %arg9[%swap3A_224] {strides = array<i32>} : memref<16384xf32, #tpu.memory_space<vmem>>, vector<16xf32>,
      %swap3A_226 = vector.shape_cast %swap3A_225 : vector<16xf32> to vector<16xf32>
      %swap3A_227 = vector.shape_cast %add3A_223 : vector<16xf32> to vector<16xf32>
      tpu.vector_store %arg9[%swap3A_224], %swap3A_227 {strides = array<i32>} : memref<16384xf32, #tpu.memory_space<vmem>>, vector<16xf32>,
      %add3A_228 = arith.constant 32 : i32
      %add3A_229 = arith.addi %mul3A_195, %add3A_228 : i32
      %mul3A_230 = arith.constant 128 : i32
      %mul3A_231 = arith.muli %scan3A_190, %mul3A_230 : i32
      %add3A_232 = arith.constant 32 : i32
      %add3A_233 = arith.addi %mul3A_231, %add3A_232 : i32
      %get3A_234 = arith.index_cast %add3A_229 : i32 to index
      %get3A_235 = tpu.vector_load %arg9[%get3A_234] {strides = array<i32>} : memref<16384xf32, #tpu.memory_space<vmem>>, vector<16xf32>,
      %get3A_236 = vector.shape_cast %get3A_235 : vector<16xf32> to vector<16xf32>
      %get3A_237 = arith.index_cast %add3A_233 : i32 to index
      %get3A_238 = tpu.vector_load %arg6[%get3A_237] {strides = array<i32>} : memref<12800xf32, #tpu.memory_space<vmem>>, vector<16xf32>,
      %get3A_239 = vector.shape_cast %get3A_238 : vector<16xf32> to vector<16xf32>
      %add3A_240 = arith.addf %get3A_236, %get3A_239 : vector<16xf32>
      %swap3A_241 = arith.index_cast %add3A_229 : i32 to index
      %swap3A_242 = tpu.vector_load %arg9[%swap3A_241] {strides = array<i32>} : memref<16384xf32, #tpu.memory_space<vmem>>, vector<16xf32>,
      %swap3A_243 = vector.shape_cast %swap3A_242 : vector<16xf32> to vector<16xf32>
      %swap3A_244 = vector.shape_cast %add3A_240 : vector<16xf32> to vector<16xf32>
      tpu.vector_store %arg9[%swap3A_241], %swap3A_244 {strides = array<i32>} : memref<16384xf32, #tpu.memory_space<vmem>>, vector<16xf32>,
      %add3A_245 = arith.constant 48 : i32
      %add3A_246 = arith.addi %mul3A_195, %add3A_245 : i32
      %mul3A_247 = arith.constant 128 : i32
      %mul3A_248 = arith.muli %scan3A_190, %mul3A_247 : i32
      %add3A_249 = arith.constant 48 : i32
      %add3A_250 = arith.addi %mul3A_248, %add3A_249 : i32
      %get3A_251 = arith.index_cast %add3A_246 : i32 to index
      %get3A_252 = tpu.vector_load %arg9[%get3A_251] {strides = array<i32>} : memref<16384xf32, #tpu.memory_space<vmem>>, vector<16xf32>,
      %get3A_253 = vector.shape_cast %get3A_252 : vector<16xf32> to vector<16xf32>
      %get3A_254 = arith.index_cast %add3A_250 : i32 to index
      %get3A_255 = tpu.vector_load %arg6[%get3A_254] {strides = array<i32>} : memref<12800xf32, #tpu.memory_space<vmem>>, vector<16xf32>,
      %get3A_256 = vector.shape_cast %get3A_255 : vector<16xf32> to vector<16xf32>
      %add3A_257 = arith.addf %get3A_253, %get3A_256 : vector<16xf32>
      %swap3A_258 = arith.index_cast %add3A_246 : i32 to index
      %swap3A_259 = tpu.vector_load %arg9[%swap3A_258] {strides = array<i32>} : memref<16384xf32, #tpu.memory_space<vmem>>, vector<16xf32>,
      %swap3A_260 = vector.shape_cast %swap3A_259 : vector<16xf32> to vector<16xf32>
      %swap3A_261 = vector.shape_cast %add3A_257 : vector<16xf32> to vector<16xf32>
      tpu.vector_store %arg9[%swap3A_258], %swap3A_261 {strides = array<i32>} : memref<16384xf32, #tpu.memory_space<vmem>>, vector<16xf32>,
      %add3A_262 = arith.constant 64 : i32
      %add3A_263 = arith.addi %mul3A_195, %add3A_262 : i32
      %mul3A_264 = arith.constant 128 : i32
      %mul3A_265 = arith.muli %scan3A_190, %mul3A_264 : i32
      %add3A_266 = arith.constant 64 : i32
      %add3A_267 = arith.addi %mul3A_265, %add3A_266 : i32
      %get3A_268 = arith.index_cast %add3A_263 : i32 to index
      %get3A_269 = tpu.vector_load %arg9[%get3A_268] {strides = array<i32>} : memref<16384xf32, #tpu.memory_space<vmem>>, vector<16xf32>,
      %get3A_270 = vector.shape_cast %get3A_269 : vector<16xf32> to vector<16xf32>
      %get3A_271 = arith.index_cast %add3A_267 : i32 to index
      %get3A_272 = tpu.vector_load %arg6[%get3A_271] {strides = array<i32>} : memref<12800xf32, #tpu.memory_space<vmem>>, vector<16xf32>,
      %get3A_273 = vector.shape_cast %get3A_272 : vector<16xf32> to vector<16xf32>
      %add3A_274 = arith.addf %get3A_270, %get3A_273 : vector<16xf32>
      %swap3A_275 = arith.index_cast %add3A_263 : i32 to index
      %swap3A_276 = tpu.vector_load %arg9[%swap3A_275] {strides = array<i32>} : memref<16384xf32, #tpu.memory_space<vmem>>, vector<16xf32>,
      %swap3A_277 = vector.shape_cast %swap3A_276 : vector<16xf32> to vector<16xf32>
      %swap3A_278 = vector.shape_cast %add3A_274 : vector<16xf32> to vector<16xf32>
      tpu.vector_store %arg9[%swap3A_275], %swap3A_278 {strides = array<i32>} : memref<16384xf32, #tpu.memory_space<vmem>>, vector<16xf32>,
      %add3A_279 = arith.constant 80 : i32
      %add3A_280 = arith.addi %mul3A_195, %add3A_279 : i32
      %mul3A_281 = arith.constant 128 : i32
      %mul3A_282 = arith.muli %scan3A_190, %mul3A_281 : i32
      %add3A_283 = arith.constant 80 : i32
      %add3A_284 = arith.addi %mul3A_282, %add3A_283 : i32
      %get3A_285 = arith.index_cast %add3A_280 : i32 to index
      %get3A_286 = tpu.vector_load %arg9[%get3A_285] {strides = array<i32>} : memref<16384xf32, #tpu.memory_space<vmem>>, vector<16xf32>,
      %get3A_287 = vector.shape_cast %get3A_286 : vector<16xf32> to vector<16xf32>
      %get3A_288 = arith.index_cast %add3A_284 : i32 to index
      %get3A_289 = tpu.vector_load %arg6[%get3A_288] {strides = array<i32>} : memref<12800xf32, #tpu.memory_space<vmem>>, vector<16xf32>,
      %get3A_290 = vector.shape_cast %get3A_289 : vector<16xf32> to vector<16xf32>
      %add3A_291 = arith.addf %get3A_287, %get3A_290 : vector<16xf32>
      %swap3A_292 = arith.index_cast %add3A_280 : i32 to index
      %swap3A_293 = tpu.vector_load %arg9[%swap3A_292] {strides = array<i32>} : memref<16384xf32, #tpu.memory_space<vmem>>, vector<16xf32>,
      %swap3A_294 = vector.shape_cast %swap3A_293 : vector<16xf32> to vector<16xf32>
      %swap3A_295 = vector.shape_cast %add3A_291 : vector<16xf32> to vector<16xf32>
      tpu.vector_store %arg9[%swap3A_292], %swap3A_295 {strides = array<i32>} : memref<16384xf32, #tpu.memory_space<vmem>>, vector<16xf32>,
      %add3A_296 = arith.constant 96 : i32
      %add3A_297 = arith.addi %mul3A_195, %add3A_296 : i32
      %mul3A_298 = arith.constant 128 : i32
      %mul3A_299 = arith.muli %scan3A_190, %mul3A_298 : i32
      %add3A_300 = arith.constant 96 : i32
      %add3A_301 = arith.addi %mul3A_299, %add3A_300 : i32
      %get3A_302 = arith.index_cast %add3A_297 : i32 to index
      %get3A_303 = tpu.vector_load %arg9[%get3A_302] {strides = array<i32>} : memref<16384xf32, #tpu.memory_space<vmem>>, vector<16xf32>,
      %get3A_304 = vector.shape_cast %get3A_303 : vector<16xf32> to vector<16xf32>
      %get3A_305 = arith.index_cast %add3A_301 : i32 to index
      %get3A_306 = tpu.vector_load %arg6[%get3A_305] {strides = array<i32>} : memref<12800xf32, #tpu.memory_space<vmem>>, vector<16xf32>,
      %get3A_307 = vector.shape_cast %get3A_306 : vector<16xf32> to vector<16xf32>
      %add3A_308 = arith.addf %get3A_304, %get3A_307 : vector<16xf32>
      %swap3A_309 = arith.index_cast %add3A_297 : i32 to index
      %swap3A_310 = tpu.vector_load %arg9[%swap3A_309] {strides = array<i32>} : memref<16384xf32, #tpu.memory_space<vmem>>, vector<16xf32>,
      %swap3A_311 = vector.shape_cast %swap3A_310 : vector<16xf32> to vector<16xf32>
      %swap3A_312 = vector.shape_cast %add3A_308 : vector<16xf32> to vector<16xf32>
      tpu.vector_store %arg9[%swap3A_309], %swap3A_312 {strides = array<i32>} : memref<16384xf32, #tpu.memory_space<vmem>>, vector<16xf32>,
      %add3A_313 = arith.constant 112 : i32
      %add3A_314 = arith.addi %mul3A_195, %add3A_313 : i32
      %mul3A_315 = arith.constant 128 : i32
      %mul3A_316 = arith.muli %scan3A_190, %mul3A_315 : i32
      %add3A_317 = arith.constant 112 : i32
      %add3A_318 = arith.addi %mul3A_316, %add3A_317 : i32
      %get3A_319 = arith.index_cast %add3A_314 : i32 to index
      %get3A_320 = tpu.vector_load %arg9[%get3A_319] {strides = array<i32>} : memref<16384xf32, #tpu.memory_space<vmem>>, vector<16xf32>,
      %get3A_321 = vector.shape_cast %get3A_320 : vector<16xf32> to vector<16xf32>
      %get3A_322 = arith.index_cast %add3A_318 : i32 to index
      %get3A_323 = tpu.vector_load %arg6[%get3A_322] {strides = array<i32>} : memref<12800xf32, #tpu.memory_space<vmem>>, vector<16xf32>,
      %get3A_324 = vector.shape_cast %get3A_323 : vector<16xf32> to vector<16xf32>
      %add3A_325 = arith.addf %get3A_321, %get3A_324 : vector<16xf32>
      %swap3A_326 = arith.index_cast %add3A_314 : i32 to index
      %swap3A_327 = tpu.vector_load %arg9[%swap3A_326] {strides = array<i32>} : memref<16384xf32, #tpu.memory_space<vmem>>, vector<16xf32>,
      %swap3A_328 = vector.shape_cast %swap3A_327 : vector<16xf32> to vector<16xf32>
      %swap3A_329 = vector.shape_cast %add3A_325 : vector<16xf32> to vector<16xf32>
      tpu.vector_store %arg9[%swap3A_326], %swap3A_329 {strides = array<i32>} : memref<16384xf32, #tpu.memory_space<vmem>>, vector<16xf32>,
    }
    %scan3A_177 = arith.constant 100 : i32
    %dma_wait3A_178 = arith.constant 0 : i32
    %dma_wait3A_179 = tpu.memref_slice %arg10[%dma_wait3A_178] : memref<1000000xf32, #tpu.memory_space<vmem_shared>> -> memref<1000000xf32, #tpu.memory_space<vmem_shared>>
    tpu.wait_indirect_dma semaphore(%arg12 : memref<!tpu.dma_semaphore, #tpu.memory_space<semaphore_mem>>) src(%dma_wait3A_179 : memref<1000000xf32, #tpu.memory_space<vmem_shared>>) dst(%arg8 : memref<12800xf32, #tpu.memory_space<vmem>>)
    %mul3A_180 = arith.constant 800 : i32
    %mul3A_181 = arith.muli %add3A, %mul3A_180 : i32
    %add3A_182 = arith.constant 700 : i32
    %add3A_183 = arith.addi %mul3A_181, %add3A_182 : i32
    %scan3A_184 = arith.constant 0 : i32
    %scan3A_185 = arith.constant 0 : i32
    %scan3A_186 = arith.constant 100 : i32
    %scan3A_187 = arith.addi %scan3A_185, %scan3A_186 : i32
    %scan3A_188 = arith.constant 1 : i32
    scf.for %scan3A_190 = %scan3A_185 to %scan3A_187 step %scan3A_188  : i32 {
      %add3A_191 = arith.addi %add3A_183, %scan3A_190 : i32
      %div3A = arith.constant 8 : i32
      %div3A_192 = arith.divsi %add3A_191, %div3A : i32
      %rem3A = arith.constant 128 : i32
      %rem3A_193 = arith.remsi %div3A_192, %rem3A : i32
      %mul3A_194 = arith.constant 128 : i32
      %mul3A_195 = arith.muli %rem3A_193, %mul3A_194 : i32
      %add3A_196 = arith.constant 0 : i32
      %add3A_197 = arith.addi %mul3A_195, %add3A_196 : i32
      %mul3A_198 = arith.constant 128 : i32
      %mul3A_199 = arith.muli %scan3A_190, %mul3A_198 : i32
      %add3A_200 = arith.constant 0 : i32
      %add3A_201 = arith.addi %mul3A_199, %add3A_200 : i32
      %get3A = arith.index_cast %add3A_197 : i32 to index
      %get3A_202 = tpu.vector_load %arg9[%get3A] {strides = array<i32>} : memref<16384xf32, #tpu.memory_space<vmem>>, vector<16xf32>,
      %get3A_203 = vector.shape_cast %get3A_202 : vector<16xf32> to vector<16xf32>
      %get3A_204 = arith.index_cast %add3A_201 : i32 to index
      %get3A_205 = tpu.vector_load %arg8[%get3A_204] {strides = array<i32>} : memref<12800xf32, #tpu.memory_space<vmem>>, vector<16xf32>,
      %get3A_206 = vector.shape_cast %get3A_205 : vector<16xf32> to vector<16xf32>
      %add3A_207 = arith.addf %get3A_203, %get3A_206 : vector<16xf32>
      %swap3A = arith.index_cast %add3A_197 : i32 to index
      %swap3A_208 = tpu.vector_load %arg9[%swap3A] {strides = array<i32>} : memref<16384xf32, #tpu.memory_space<vmem>>, vector<16xf32>,
      %swap3A_209 = vector.shape_cast %swap3A_208 : vector<16xf32> to vector<16xf32>
      %swap3A_210 = vector.shape_cast %add3A_207 : vector<16xf32> to vector<16xf32>
      tpu.vector_store %arg9[%swap3A], %swap3A_210 {strides = array<i32>} : memref<16384xf32, #tpu.memory_space<vmem>>, vector<16xf32>,
      %add3A_211 = arith.constant 16 : i32
      %add3A_212 = arith.addi %mul3A_195, %add3A_211 : i32
      %mul3A_213 = arith.constant 128 : i32
      %mul3A_214 = arith.muli %scan3A_190, %mul3A_213 : i32
      %add3A_215 = arith.constant 16 : i32
      %add3A_216 = arith.addi %mul3A_214, %add3A_215 : i32
      %get3A_217 = arith.index_cast %add3A_212 : i32 to index
      %get3A_218 = tpu.vector_load %arg9[%get3A_217] {strides = array<i32>} : memref<16384xf32, #tpu.memory_space<vmem>>, vector<16xf32>,
      %get3A_219 = vector.shape_cast %get3A_218 : vector<16xf32> to vector<16xf32>
      %get3A_220 = arith.index_cast %add3A_216 : i32 to index
      %get3A_221 = tpu.vector_load %arg8[%get3A_220] {strides = array<i32>} : memref<12800xf32, #tpu.memory_space<vmem>>, vector<16xf32>,
      %get3A_222 = vector.shape_cast %get3A_221 : vector<16xf32> to vector<16xf32>
      %add3A_223 = arith.addf %get3A_219, %get3A_222 : vector<16xf32>
      %swap3A_224 = arith.index_cast %add3A_212 : i32 to index
      %swap3A_225 = tpu.vector_load %arg9[%swap3A_224] {strides = array<i32>} : memref<16384xf32, #tpu.memory_space<vmem>>, vector<16xf32>,
      %swap3A_226 = vector.shape_cast %swap3A_225 : vector<16xf32> to vector<16xf32>
      %swap3A_227 = vector.shape_cast %add3A_223 : vector<16xf32> to vector<16xf32>
      tpu.vector_store %arg9[%swap3A_224], %swap3A_227 {strides = array<i32>} : memref<16384xf32, #tpu.memory_space<vmem>>, vector<16xf32>,
      %add3A_228 = arith.constant 32 : i32
      %add3A_229 = arith.addi %mul3A_195, %add3A_228 : i32
      %mul3A_230 = arith.constant 128 : i32
      %mul3A_231 = arith.muli %scan3A_190, %mul3A_230 : i32
      %add3A_232 = arith.constant 32 : i32
      %add3A_233 = arith.addi %mul3A_231, %add3A_232 : i32
      %get3A_234 = arith.index_cast %add3A_229 : i32 to index
      %get3A_235 = tpu.vector_load %arg9[%get3A_234] {strides = array<i32>} : memref<16384xf32, #tpu.memory_space<vmem>>, vector<16xf32>,
      %get3A_236 = vector.shape_cast %get3A_235 : vector<16xf32> to vector<16xf32>
      %get3A_237 = arith.index_cast %add3A_233 : i32 to index
      %get3A_238 = tpu.vector_load %arg8[%get3A_237] {strides = array<i32>} : memref<12800xf32, #tpu.memory_space<vmem>>, vector<16xf32>,
      %get3A_239 = vector.shape_cast %get3A_238 : vector<16xf32> to vector<16xf32>
      %add3A_240 = arith.addf %get3A_236, %get3A_239 : vector<16xf32>
      %swap3A_241 = arith.index_cast %add3A_229 : i32 to index
      %swap3A_242 = tpu.vector_load %arg9[%swap3A_241] {strides = array<i32>} : memref<16384xf32, #tpu.memory_space<vmem>>, vector<16xf32>,
      %swap3A_243 = vector.shape_cast %swap3A_242 : vector<16xf32> to vector<16xf32>
      %swap3A_244 = vector.shape_cast %add3A_240 : vector<16xf32> to vector<16xf32>
      tpu.vector_store %arg9[%swap3A_241], %swap3A_244 {strides = array<i32>} : memref<16384xf32, #tpu.memory_space<vmem>>, vector<16xf32>,
      %add3A_245 = arith.constant 48 : i32
      %add3A_246 = arith.addi %mul3A_195, %add3A_245 : i32
      %mul3A_247 = arith.constant 128 : i32
      %mul3A_248 = arith.muli %scan3A_190, %mul3A_247 : i32
      %add3A_249 = arith.constant 48 : i32
      %add3A_250 = arith.addi %mul3A_248, %add3A_249 : i32
      %get3A_251 = arith.index_cast %add3A_246 : i32 to index
      %get3A_252 = tpu.vector_load %arg9[%get3A_251] {strides = array<i32>} : memref<16384xf32, #tpu.memory_space<vmem>>, vector<16xf32>,
      %get3A_253 = vector.shape_cast %get3A_252 : vector<16xf32> to vector<16xf32>
      %get3A_254 = arith.index_cast %add3A_250 : i32 to index
      %get3A_255 = tpu.vector_load %arg8[%get3A_254] {strides = array<i32>} : memref<12800xf32, #tpu.memory_space<vmem>>, vector<16xf32>,
      %get3A_256 = vector.shape_cast %get3A_255 : vector<16xf32> to vector<16xf32>
      %add3A_257 = arith.addf %get3A_253, %get3A_256 : vector<16xf32>
      %swap3A_258 = arith.index_cast %add3A_246 : i32 to index
      %swap3A_259 = tpu.vector_load %arg9[%swap3A_258] {strides = array<i32>} : memref<16384xf32, #tpu.memory_space<vmem>>, vector<16xf32>,
      %swap3A_260 = vector.shape_cast %swap3A_259 : vector<16xf32> to vector<16xf32>
      %swap3A_261 = vector.shape_cast %add3A_257 : vector<16xf32> to vector<16xf32>
      tpu.vector_store %arg9[%swap3A_258], %swap3A_261 {strides = array<i32>} : memref<16384xf32, #tpu.memory_space<vmem>>, vector<16xf32>,
      %add3A_262 = arith.constant 64 : i32
      %add3A_263 = arith.addi %mul3A_195, %add3A_262 : i32
      %mul3A_264 = arith.constant 128 : i32
      %mul3A_265 = arith.muli %scan3A_190, %mul3A_264 : i32
      %add3A_266 = arith.constant 64 : i32
      %add3A_267 = arith.addi %mul3A_265, %add3A_266 : i32
      %get3A_268 = arith.index_cast %add3A_263 : i32 to index
      %get3A_269 = tpu.vector_load %arg9[%get3A_268] {strides = array<i32>} : memref<16384xf32, #tpu.memory_space<vmem>>, vector<16xf32>,
      %get3A_270 = vector.shape_cast %get3A_269 : vector<16xf32> to vector<16xf32>
      %get3A_271 = arith.index_cast %add3A_267 : i32 to index
      %get3A_272 = tpu.vector_load %arg8[%get3A_271] {strides = array<i32>} : memref<12800xf32, #tpu.memory_space<vmem>>, vector<16xf32>,
      %get3A_273 = vector.shape_cast %get3A_272 : vector<16xf32> to vector<16xf32>
      %add3A_274 = arith.addf %get3A_270, %get3A_273 : vector<16xf32>
      %swap3A_275 = arith.index_cast %add3A_263 : i32 to index
      %swap3A_276 = tpu.vector_load %arg9[%swap3A_275] {strides = array<i32>} : memref<16384xf32, #tpu.memory_space<vmem>>, vector<16xf32>,
      %swap3A_277 = vector.shape_cast %swap3A_276 : vector<16xf32> to vector<16xf32>
      %swap3A_278 = vector.shape_cast %add3A_274 : vector<16xf32> to vector<16xf32>
      tpu.vector_store %arg9[%swap3A_275], %swap3A_278 {strides = array<i32>} : memref<16384xf32, #tpu.memory_space<vmem>>, vector<16xf32>,
      %add3A_279 = arith.constant 80 : i32
      %add3A_280 = arith.addi %mul3A_195, %add3A_279 : i32
      %mul3A_281 = arith.constant 128 : i32
      %mul3A_282 = arith.muli %scan3A_190, %mul3A_281 : i32
      %add3A_283 = arith.constant 80 : i32
      %add3A_284 = arith.addi %mul3A_282, %add3A_283 : i32
      %get3A_285 = arith.index_cast %add3A_280 : i32 to index
      %get3A_286 = tpu.vector_load %arg9[%get3A_285] {strides = array<i32>} : memref<16384xf32, #tpu.memory_space<vmem>>, vector<16xf32>,
      %get3A_287 = vector.shape_cast %get3A_286 : vector<16xf32> to vector<16xf32>
      %get3A_288 = arith.index_cast %add3A_284 : i32 to index
      %get3A_289 = tpu.vector_load %arg8[%get3A_288] {strides = array<i32>} : memref<12800xf32, #tpu.memory_space<vmem>>, vector<16xf32>,
      %get3A_290 = vector.shape_cast %get3A_289 : vector<16xf32> to vector<16xf32>
      %add3A_291 = arith.addf %get3A_287, %get3A_290 : vector<16xf32>
      %swap3A_292 = arith.index_cast %add3A_280 : i32 to index
      %swap3A_293 = tpu.vector_load %arg9[%swap3A_292] {strides = array<i32>} : memref<16384xf32, #tpu.memory_space<vmem>>, vector<16xf32>,
      %swap3A_294 = vector.shape_cast %swap3A_293 : vector<16xf32> to vector<16xf32>
      %swap3A_295 = vector.shape_cast %add3A_291 : vector<16xf32> to vector<16xf32>
      tpu.vector_store %arg9[%swap3A_292], %swap3A_295 {strides = array<i32>} : memref<16384xf32, #tpu.memory_space<vmem>>, vector<16xf32>,
      %add3A_296 = arith.constant 96 : i32
      %add3A_297 = arith.addi %mul3A_195, %add3A_296 : i32
      %mul3A_298 = arith.constant 128 : i32
      %mul3A_299 = arith.muli %scan3A_190, %mul3A_298 : i32
      %add3A_300 = arith.constant 96 : i32
      %add3A_301 = arith.addi %mul3A_299, %add3A_300 : i32
      %get3A_302 = arith.index_cast %add3A_297 : i32 to index
      %get3A_303 = tpu.vector_load %arg9[%get3A_302] {strides = array<i32>} : memref<16384xf32, #tpu.memory_space<vmem>>, vector<16xf32>,
      %get3A_304 = vector.shape_cast %get3A_303 : vector<16xf32> to vector<16xf32>
      %get3A_305 = arith.index_cast %add3A_301 : i32 to index
      %get3A_306 = tpu.vector_load %arg8[%get3A_305] {strides = array<i32>} : memref<12800xf32, #tpu.memory_space<vmem>>, vector<16xf32>,
      %get3A_307 = vector.shape_cast %get3A_306 : vector<16xf32> to vector<16xf32>
      %add3A_308 = arith.addf %get3A_304, %get3A_307 : vector<16xf32>
      %swap3A_309 = arith.index_cast %add3A_297 : i32 to index
      %swap3A_310 = tpu.vector_load %arg9[%swap3A_309] {strides = array<i32>} : memref<16384xf32, #tpu.memory_space<vmem>>, vector<16xf32>,
      %swap3A_311 = vector.shape_cast %swap3A_310 : vector<16xf32> to vector<16xf32>
      %swap3A_312 = vector.shape_cast %add3A_308 : vector<16xf32> to vector<16xf32>
      tpu.vector_store %arg9[%swap3A_309], %swap3A_312 {strides = array<i32>} : memref<16384xf32, #tpu.memory_space<vmem>>, vector<16xf32>,
      %add3A_313 = arith.constant 112 : i32
      %add3A_314 = arith.addi %mul3A_195, %add3A_313 : i32
      %mul3A_315 = arith.constant 128 : i32
      %mul3A_316 = arith.muli %scan3A_190, %mul3A_315 : i32
      %add3A_317 = arith.constant 112 : i32
      %add3A_318 = arith.addi %mul3A_316, %add3A_317 : i32
      %get3A_319 = arith.index_cast %add3A_314 : i32 to index
      %get3A_320 = tpu.vector_load %arg9[%get3A_319] {strides = array<i32>} : memref<16384xf32, #tpu.memory_space<vmem>>, vector<16xf32>,
      %get3A_321 = vector.shape_cast %get3A_320 : vector<16xf32> to vector<16xf32>
      %get3A_322 = arith.index_cast %add3A_318 : i32 to index
      %get3A_323 = tpu.vector_load %arg8[%get3A_322] {strides = array<i32>} : memref<12800xf32, #tpu.memory_space<vmem>>, vector<16xf32>,
      %get3A_324 = vector.shape_cast %get3A_323 : vector<16xf32> to vector<16xf32>
      %add3A_325 = arith.addf %get3A_321, %get3A_324 : vector<16xf32>
      %swap3A_326 = arith.index_cast %add3A_314 : i32 to index
      %swap3A_327 = tpu.vector_load %arg9[%swap3A_326] {strides = array<i32>} : memref<16384xf32, #tpu.memory_space<vmem>>, vector<16xf32>,
      %swap3A_328 = vector.shape_cast %swap3A_327 : vector<16xf32> to vector<16xf32>
      %swap3A_329 = vector.shape_cast %add3A_325 : vector<16xf32> to vector<16xf32>
      tpu.vector_store %arg9[%swap3A_326], %swap3A_329 {strides = array<i32>} : memref<16384xf32, #tpu.memory_space<vmem>>, vector<16xf32>,
    }
    %scan3A_189 = arith.constant 100 : i32
    "tpu.region"() ({
      %run_scoped3A = tpu.sem_alloc : memref<!tpu.dma_semaphore, #tpu.memory_space<semaphore_mem>>
      %dma_start3A_190 = arith.constant 0 : i32
      %dma_start3A_191 = tpu.memref_slice %arg4[%add3A, %dma_start3A_190] : memref<32x65536xf32, #tpu.memory_space<hbm>> -> memref<1x16384xf32, #tpu.memory_space<hbm>>
      %dma_start3A_192 = tpu.memref_squeeze %dma_start3A_191 : memref<1x16384xf32, #tpu.memory_space<hbm>> -> memref<16384xf32, #tpu.memory_space<hbm>>
      %dma_start3A_193 = arith.constant 0 : i32
      %dma_start3A_194 = tpu.memref_slice %arg4[%add3A, %dma_start3A_193] : memref<32x65536xf32, #tpu.memory_space<hbm>> -> memref<1x16384xf32, #tpu.memory_space<hbm>>
      %dma_start3A_195 = tpu.memref_squeeze %dma_start3A_194 : memref<1x16384xf32, #tpu.memory_space<hbm>> -> memref<16384xf32, #tpu.memory_space<hbm>>
      tpu.enqueue_dma source(%arg9 : memref<16384xf32, #tpu.memory_space<vmem>>) target(%dma_start3A_195 : memref<16384xf32, #tpu.memory_space<hbm>>) target_semaphore(%run_scoped3A : memref<!tpu.dma_semaphore, #tpu.memory_space<semaphore_mem>>)
      %dma_wait3A_196 = arith.constant 0 : i32
      %dma_wait3A_197 = tpu.memref_slice %arg4[%add3A, %dma_wait3A_196] : memref<32x65536xf32, #tpu.memory_space<hbm>> -> memref<1x16384xf32, #tpu.memory_space<hbm>>
      %dma_wait3A_198 = tpu.memref_squeeze %dma_wait3A_197 : memref<1x16384xf32, #tpu.memory_space<hbm>> -> memref<16384xf32, #tpu.memory_space<hbm>>
      %dma_wait3A_199 = arith.constant 0 : i32
      %dma_wait3A_200 = tpu.memref_slice %arg4[%add3A, %dma_wait3A_199] : memref<32x65536xf32, #tpu.memory_space<hbm>> -> memref<1x16384xf32, #tpu.memory_space<hbm>>
      %dma_wait3A_201 = tpu.memref_squeeze %dma_wait3A_200 : memref<1x16384xf32, #tpu.memory_space<hbm>> -> memref<16384xf32, #tpu.memory_space<hbm>>
      tpu.wait_dma2 semaphore(%run_scoped3A : memref<!tpu.dma_semaphore, #tpu.memory_space<semaphore_mem>>) src(%arg9 : memref<16384xf32, #tpu.memory_space<vmem>>) dst(%dma_wait3A_201 : memref<16384xf32, #tpu.memory_space<hbm>>)
      tpu.yield
    }) : () -> ()
    return
  }
}

module attributes {stable_mosaic.version = 14 : i64} {
  func.func @_count_body(%arg0: i32, %arg1: memref<200x4096xi32, #tpu.memory_space<vmem>>, %arg2: memref<4096xf32, #tpu.memory_space<vmem>>) attributes {dimension_semantics = [#tpu.dimension_semantics<arbitrary>], iteration_bounds = array<i64: 4>, scalar_prefetch = 0 : i64, scratch_operands = 0 : i64, tpu.core_type = #tpu.core_type<tc>, window_params = [{transform_indices = @transform_0, window_bounds = array<i64: 200, 4096>}, {transform_indices = @transform_1, window_bounds = array<i64: 4096>}]} {
    %get3A = arith.constant 0 : index
    %get3A_0 = arith.constant 0 : index
    %get3A_1 = vector.load %arg1[%get3A, %get3A_0] : memref<200x4096xi32, #tpu.memory_space<vmem>>, vector<200x4096xi32>
    %ne3A = arith.constant 0 : i32
    %ne3A_2 = vector.broadcast %ne3A : i32 to vector<200x4096xi32>
    %ne3A_3 = arith.cmpi ne, %get3A_1, %ne3A_2 : vector<200x4096xi32>
    %convert_element_type3A = arith.extui %ne3A_3 : vector<200x4096xi1> to vector<200x4096xi32>
    %convert_element_type3A_4 = arith.sitofp %convert_element_type3A : vector<200x4096xi32> to vector<200x4096xf32>
    %reduce_sum3A = arith.constant dense<0.000000e+00> : vector<4096xf32>
    %reduce_sum3A_5 = vector.multi_reduction <add>, %convert_element_type3A_4, %reduce_sum3A [0] : vector<200x4096xf32> to vector<4096xf32>
    %swap3A = arith.constant 0 : index
    %swap3A_6 = vector.load %arg2[%swap3A] : memref<4096xf32, #tpu.memory_space<vmem>>, vector<4096xf32>
    tpu.vector_store %arg2[%swap3A], %reduce_sum3A_5 {strides = array<i32>} : memref<4096xf32, #tpu.memory_space<vmem>>, vector<4096xf32>,
    return
  }
  func.func @transform_0(%arg0: i32) -> (i32, i32) {
    %c0_i32 = arith.constant 0 : i32
    %c0_i32_0 = arith.constant 0 : i32
    return %c0_i32, %arg0 : i32, i32
  }
  func.func @transform_1(%arg0: i32) -> i32 {
    %c0_i32 = arith.constant 0 : i32
    return %arg0 : i32
  }
}

module attributes {stable_mosaic.version = 14 : i64} {
  func.func @_tv_body(%arg0: i32, %arg1: memref<16x65536xf32, #tpu.memory_space<vmem>>, %arg2: memref<1x16xf32, #tpu.memory_space<vmem>>, %arg3: memref<65536xf32, #tpu.memory_space<vmem>>) attributes {dimension_semantics = [#tpu.dimension_semantics<arbitrary>], iteration_bounds = array<i64: 16>, scalar_prefetch = 0 : i64, scratch_operands = 0 : i64, tpu.core_type = #tpu.core_type<tc>, window_params = [{transform_indices = @transform_0, window_bounds = array<i64: 16, 65536>}, {pipeline_mode = #tpu.pipeline_mode<synchronous>, transform_indices = @transform_1, window_bounds = array<i64: 1, 16>}, {transform_indices = @transform_2, window_bounds = array<i64: 65536>}]} {
    %get3A = arith.constant 0 : index
    %get3A_0 = arith.constant 0 : index
    %get3A_1 = vector.load %arg2[%get3A, %get3A_0] : memref<1x16xf32, #tpu.memory_space<vmem>>, vector<1x16xf32>
    %get3A_2 = arith.constant 0 : index
    %get3A_3 = arith.constant 0 : index
    %get3A_4 = vector.load %arg1[%get3A_2, %get3A_3] : memref<16x65536xf32, #tpu.memory_space<vmem>>, vector<16x65536xf32>
    %dot_general3A = arith.constant dense<0.000000e+00> : vector<1x65536xf32>
    %dot_general3A_5 = tpu.matmul %get3A_1, %get3A_4, %dot_general3A {dimension_numbers = #tpu.dot_dimension_numbers<[1], [0], [0], [1], [0, 0, 1, 1], [], []>, transpose_lhs_hint = false} : vector<1x16xf32>, vector<16x65536xf32>, vector<1x65536xf32> -> vector<1x65536xf32>
    %squeeze3A = vector.shape_cast %dot_general3A_5 : vector<1x65536xf32> to vector<65536xf32>
    %swap3A = arith.constant 0 : index
    %swap3A_6 = vector.load %arg3[%swap3A] : memref<65536xf32, #tpu.memory_space<vmem>>, vector<65536xf32>
    tpu.vector_store %arg3[%swap3A], %squeeze3A {strides = array<i32>} : memref<65536xf32, #tpu.memory_space<vmem>>, vector<65536xf32>,
    return
  }
  func.func @transform_0(%arg0: i32) -> (i32, i32) {
    %c0_i32 = arith.constant 0 : i32
    %c0_i32_0 = arith.constant 0 : i32
    return %c0_i32, %arg0 : i32, i32
  }
  func.func @transform_1(%arg0: i32) -> (i32, i32) {
    %c0_i32 = arith.constant 0 : i32
    %c0_i32_0 = arith.constant 0 : i32
    %c0_i32_1 = arith.constant 0 : i32
    return %c0_i32, %c0_i32_0 : i32, i32
  }
  func.func @transform_2(%arg0: i32) -> i32 {
    %c0_i32 = arith.constant 0 : i32
    return %arg0 : i32
  }
}

module attributes {stable_mosaic.version = 14 : i64} {
  func.func @_head_body(%arg0: i32, %arg1: memref<32x4096xf32, #tpu.memory_space<vmem>>, %arg2: memref<4096xf32, #tpu.memory_space<vmem>>, %arg3: memref<1xf32, #tpu.memory_space<smem>>, %arg4: memref<1x4096xf32, #tpu.memory_space<vmem>>) attributes {dimension_semantics = [#tpu.dimension_semantics<arbitrary>], iteration_bounds = array<i64: 4>, scalar_prefetch = 0 : i64, scratch_operands = 0 : i64, tpu.core_type = #tpu.core_type<tc>, window_params = [{transform_indices = @transform_0, window_bounds = array<i64: 32, 4096>}, {transform_indices = @transform_1, window_bounds = array<i64: 4096>}, {transform_indices = @transform_2, window_bounds = array<i64: 1>}, {transform_indices = @transform_3, window_bounds = array<i64: 1, 4096>}]} {
    %get3A = arith.constant 0 : index
    %get3A_0 = arith.constant 0 : index
    %get3A_1 = vector.load %arg1[%get3A, %get3A_0] : memref<32x4096xf32, #tpu.memory_space<vmem>>, vector<32x4096xf32>
    %reduce_sum3A = arith.constant dense<0.000000e+00> : vector<4096xf32>
    %reduce_sum3A_2 = vector.multi_reduction <add>, %get3A_1, %reduce_sum3A [0] : vector<32x4096xf32> to vector<4096xf32>
    %get3A_3 = arith.constant 0 : index
    %get3A_4 = vector.load %arg2[%get3A_3] : memref<4096xf32, #tpu.memory_space<vmem>>, vector<4096xf32>
    %add3A = arith.constant 9.99999971E-10 : f32
    %add3A_5 = vector.broadcast %add3A : f32 to vector<4096xf32>
    %add3A_6 = arith.addf %get3A_4, %add3A_5 : vector<4096xf32>
    %div3A = arith.divf %reduce_sum3A_2, %add3A_6 : vector<4096xf32>
    %get3A_7 = arith.constant 0 : index
    %get3A_8 = memref.load %arg3[%get3A_7] : memref<1xf32, #tpu.memory_space<smem>>
    %add3A_9 = vector.broadcast %get3A_8 : f32 to vector<4096xf32>
    %add3A_10 = arith.addf %div3A, %add3A_9 : vector<4096xf32>
    %neg3A = arith.constant 0.000000e+00 : f32
    %neg3A_11 = vector.broadcast %neg3A : f32 to vector<4096xf32>
    %neg3A_12 = arith.subf %neg3A_11, %add3A_10 : vector<4096xf32>
    %exp3A = math.exp %neg3A_12 : vector<4096xf32>
    %add3A_13 = arith.constant 1.000000e+00 : f32
    %add3A_14 = vector.broadcast %add3A_13 : f32 to vector<4096xf32>
    %add3A_15 = arith.addf %add3A_14, %exp3A : vector<4096xf32>
    %div3A_16 = arith.constant 1.000000e+00 : f32
    %div3A_17 = vector.broadcast %div3A_16 : f32 to vector<4096xf32>
    %div3A_18 = arith.divf %div3A_17, %add3A_15 : vector<4096xf32>
    %mul3A = arith.constant 1.000000e+04 : f32
    %mul3A_19 = vector.broadcast %mul3A : f32 to vector<4096xf32>
    %mul3A_20 = arith.mulf %div3A_18, %mul3A_19 : vector<4096xf32>
    %round3A = math.roundeven %mul3A_20 : vector<4096xf32>
    %mul3A_21 = arith.constant 9.99999974E-5 : f32
    %mul3A_22 = vector.broadcast %mul3A_21 : f32 to vector<4096xf32>
    %mul3A_23 = arith.mulf %round3A, %mul3A_22 : vector<4096xf32>
    %broadcast_in_dim3A = vector.shape_cast %mul3A_23 : vector<4096xf32> to vector<1x4096xf32>
    %swap3A = arith.constant 0 : index
    %swap3A_24 = arith.constant 0 : index
    %swap3A_25 = vector.load %arg4[%swap3A, %swap3A_24] : memref<1x4096xf32, #tpu.memory_space<vmem>>, vector<1x4096xf32>
    tpu.vector_store %arg4[%swap3A, %swap3A_24], %broadcast_in_dim3A {strides = array<i32>} : memref<1x4096xf32, #tpu.memory_space<vmem>>, vector<1x4096xf32>,
    return
  }
  func.func @transform_0(%arg0: i32) -> (i32, i32) {
    %c0_i32 = arith.constant 0 : i32
    %c0_i32_0 = arith.constant 0 : i32
    return %c0_i32, %arg0 : i32, i32
  }
  func.func @transform_1(%arg0: i32) -> i32 {
    %c0_i32 = arith.constant 0 : i32
    return %arg0 : i32
  }
  func.func @transform_2(%arg0: i32) -> i32 {
    %c0_i32 = arith.constant 0 : i32
    %c0_i32_0 = arith.constant 0 : i32
    return %c0_i32 : i32
  }
  func.func @transform_3(%arg0: i32) -> (i32, i32) {
    %c0_i32 = arith.constant 0 : i32
    %c0_i32_0 = arith.constant 0 : i32
    return %c0_i32, %arg0 : i32, i32
  }
}

</mosaic_0001>

<sc_bundles>
// kernel: kernel.6.cloned.1.call-start
scs
__scs_entry_jumppad:
0x0: {  	(pc) =	sbr.rel $0x88, $3  }
0x1: {  	(tag) =	ssettag $0x0;
	lr =	simm.s32 $0x1  }
0x2: {  	[smem:$0x3F9D] =	sst lr;
	_ =	strace $0xD0000000  }
0x3: {  	_ = 	snop  }
0x4: {  	_ = 	snop  }
0x5: {  	_ = 	snop  }
0x6: {  	_ = 	snop  }
0x7: {  	_ = 	snop  }
__scs_overlays_trampoline_lowered:
0x8: {  	[smem:$0x3FAC] =	sst s0  }
0x9: {  	[smem:$0x3FAD] =	sst s1  }
0xa: {  	[smem:$0x3FAE] =	sst s2  }
0xb: {  	[smem:$0x3FAF] =	sst s3  }
0xc: {  	[smem:$0x3FB0] =	sst s4  }
0xd: {  	[smem:$0x3FB1] =	sst s5  }
0xe: {  	[smem:$0x3FB2] =	sst s6  }
0xf: {  	[smem:$0x3FB3] =	sst s7  }
0x10: {  	[smem:$0x3FB4] =	sst s8  }
0x11: {  	[smem:$0x3FB5] =	sst s9;
	s0 =	simm.s32 @!p0 $0x0  }
0x12: {  	s1 =	sld [smem:$0x3F9B];
	s0 =	simm.s32 @p0 $0x1  }
0x13: {  	[smem:$0x3FB6] =	sst s0;
	s0 =	simm.s32 @!p1 $0x0  }
0x14: {  	s2 =	sld [smem:$0x3F9A];
	s0 =	simm.s32 @p1 $0x1  }
0x15: {  	[smem:$0x3FB7] =	sst s0;
	s0 =	simm.s32 @!p2 $0x0  }
0x16: {  	s3 =	sld [smem:$0x3FDB];
	s0 =	simm.s32 @p2 $0x1  }
0x17: {  	s4 =	simm.s32 $0x1BF5;
	[smem:$0x3FB9] =	sst s0  }
0x18: {  	s0 =	sld [smem:$0x3F9C];
	_ =	swait.ge [sflag:s4], $0x0  }
0x19: {  	s7 =	sld [smem:$0x3F9D]  }
0x1a: {  	s8 =	sadd.s32 $0xFFFFE003, lr  }
0x1b: {  	s9 =	sadd.s32 $0xFFFFFEF7, lr;
	s5 =	simm.s32 $0xFFFFFFFF;
	p2 =	slt.u32 s8, $0xFFFFF086  }
0x1c: {  	p1 =	slt.u32 s9, $0xF7A;
	s5 =	simm.s32 @!p2 $0x0  }
0x1d: {  	s5 =	simm.s32 @p1 $0x1;
	p0 =	seq.s32 s7, s2  }
0x1e: {  	s7 =	smul.u32 @!p0 $0xF7A, s2;
	p2 =	seq.s32 @!p0 s5, $0x0  }
0x1f: {  	s9 =	smul.u32 $0xF7A, s1;
	s8 =	simm.s32 @!p0 $0x1BF5;
	p2 =	por !p2, p0  }
0x20: {  	[sflag:s8] =	ssyncset.s32 @!p0 $0xFFFFF086;
	s6 =	sadd.s32 @!p0 s3, s7;
	s7 =	simm.s32 @!p0 $0x108  }
0x21: {  	s3 =	sadd.s32 s3, s9;
	s6 =	sadd.s32 @!p0 $0x88, s6;
	s7 =	simm.s32 @p2 $0x1082  }
0x22: {  	[simem:s7], [sflag:s8] =	dma.local @!p0 [hbm:s6], $0xF7A  }
0x23: {  	s9 =	sor.u32 $0xD0000000, s2;
	s6 =	simm.s32 $0x108;
	_ =	swait.ge @!p0 [sflag:s8], $0x0  }
0x24: {  	s3 =	sadd.s32 $0x88, s3;
	s6 =	simm.s32 @!p1 $0x1082;
	[sflag:s4] =	ssyncset.s32 $0xFFFFF086  }
0x25: {  	[simem:s6], [sflag:s4] =	dma.local [hbm:s3], $0xF7A  }
0x26: {  	[smem:$0x3F9D] =	sst s1;
	(tag) =	ssettag s2;
	_ =	strace s9  }
0x27: {  	s1 =	sld [smem:$0x3FAD]  }
0x28: {  	s2 =	sld [smem:$0x3FAE]  }
0x29: {  	s4 =	sld [smem:$0x3FB0]  }
0x2a: {  	p0 =	seq.s32 s5, $0x0;
	s5 =	sld [smem:$0x3FB1]  }
0x2b: {  	s6 =	sld [smem:$0x3FB2]  }
0x2c: {  	s7 =	sld [smem:$0x3FB3]  }
0x2d: {  	s3 =	simm.s32 $0x108;
	s8 =	sld [smem:$0x3FB4]  }
0x2e: {  	s3 =	simm.s32 @!p0 $0x1082;
	s9 =	sld [smem:$0x3FB5]  }
0x2f: {  	lr =	sadd.s32 s0, s3;
	s0 =	sld [smem:$0x3FAC]  }
0x30: {  	s3 =	sld [smem:$0x3FAF]  }
0x31: {  	[smem:$0x3FB8] =	sst s10  }
0x32: {  	s10 =	sld [smem:$0x3FB6];
	_ =	sdelay $0x3  }
0x33: {  	p0 =	seq.s32 s10, $0x1;
	s10 =	sld [smem:$0x3FB8];
	_ =	sdelay $0x3  }
0x34: {  	[smem:$0x3FB8] =	sst s10  }
0x35: {  	s10 =	sld [smem:$0x3FB7];
	_ =	sdelay $0x3  }
0x36: {  	p1 =	seq.s32 s10, $0x1;
	s10 =	sld [smem:$0x3FB8];
	_ =	sdelay $0x3  }
0x37: {  	[smem:$0x3FB8] =	sst s10  }
0x38: {  	s10 =	sld [smem:$0x3FB9]  }
0x39: {  	_ = 	snop;
	(pc) =	sbr.ind lr, $3  }
0x3a: {  	_ = 	snop  }
0x3b: {  	_ = 	snop  }
0x3c: {  	p2 =	seq.s32 s10, $0x1;
	s10 =	sld [smem:$0x3FB8]  }
0x3d: {  	_ =	shalt  }
0x3e: {  	_ =	shalt  }
0x3f: {  	_ =	shalt  }
0x40: {  	_ =	shalt  }
0x41: {  	_ =	shalt  }
0x42: {  	_ =	shalt  }
0x43: {  	_ =	shalt  }
0x44: {  	_ =	shalt  }
0x45: {  	_ =	shalt  }
0x46: {  	_ =	shalt  }
0x47: {  	_ =	shalt  }
0x48: {  	_ =	shalt  }
0x49: {  	_ =	shalt  }
0x4a: {  	_ =	shalt  }
0x4b: {  	_ =	shalt  }
0x4c: {  	_ =	shalt  }
0x4d: {  	_ =	shalt  }
0x4e: {  	_ =	shalt  }
0x4f: {  	_ =	shalt  }
0x50: {  	_ =	shalt  }
0x51: {  	_ =	shalt  }
0x52: {  	_ =	shalt  }
0x53: {  	_ =	shalt  }
0x54: {  	_ =	shalt  }
0x55: {  	_ =	shalt  }
0x56: {  	_ =	shalt  }
0x57: {  	_ =	shalt  }
0x58: {  	_ =	shalt  }
0x59: {  	_ =	shalt  }
0x5a: {  	_ =	shalt  }
0x5b: {  	_ =	shalt  }
0x5c: {  	_ =	shalt  }
0x5d: {  	_ =	shalt  }
0x5e: {  	_ =	shalt  }
0x5f: {  	_ =	shalt  }
0x60: {  	_ =	shalt  }
0x61: {  	_ =	shalt  }
0x62: {  	_ =	shalt  }
0x63: {  	_ =	shalt  }
0x64: {  	_ =	shalt  }
0x65: {  	_ =	shalt  }
0x66: {  	_ =	shalt  }
0x67: {  	_ =	shalt  }
0x68: {  	_ =	shalt  }
0x69: {  	_ =	shalt  }
0x6a: {  	_ =	shalt  }
0x6b: {  	_ =	shalt  }
0x6c: {  	_ =	shalt  }
0x6d: {  	_ =	shalt  }
0x6e: {  	_ =	shalt  }
0x6f: {  	_ =	shalt  }
0x70: {  	_ =	shalt  }
0x71: {  	_ =	shalt  }
0x72: {  	_ =	shalt  }
0x73: {  	_ =	shalt  }
0x74: {  	_ =	shalt  }
0x75: {  	_ =	shalt  }
0x76: {  	_ =	shalt  }
0x77: {  	_ =	shalt  }
0x78: {  	_ =	shalt  }
0x79: {  	_ =	shalt  }
0x7a: {  	_ =	shalt  }
0x7b: {  	_ =	shalt  }
0x7c: {  	_ =	shalt  }
0x7d: {  	_ =	shalt  }
0x7e: {  	_ =	shalt  }
0x7f: {  	_ =	shalt  }
0x80: {  	_ =	shalt  }
0x81: {  	_ =	shalt  }
0x82: {  	_ =	shalt  }
0x83: {  	_ =	shalt  }
0x84: {  	_ =	shalt  }
0x85: {  	_ =	shalt  }
0x86: {  	_ =	shalt  }
0x87: {  	_ =	shalt  }
.Lfunc_end0:
.L_simem_size_0:
called_computation_lowered:
.L_overlay_start_0:
0x88: {  	s2 =	sld [smem:$0x3FD9]  }
0x89: {  	s3 =	sld [smem:$0x3FFE];
	_ =	sdelay $0x1  }
0x8a: {  	s1 =	srdreg.scid  }
0x8b: {  	s0 =	sand.u32 $0x1, s1  }
0x8c: {  	s17 =	sshll.u32 s0, $0xA;
	s2 =	sadd.s32 s3, s2  }
0x8d: {  	s2 =	sadd.s32 s2, s17  }
0x8e: {  	[smem:$0x3FC4] =	sst s2  }
0x8f: {  	_ = 	snop  }
0x90: {  	s2 =	sld [smem:$0x3FC9];
	(tm) =	ssettm $0x1  }
0x91: {  	s18 =	sld [smem:$0x3FFB];
	_ =	sdelay $0x3  }
0x92: {  	_ =	strace s18  }
0x93: {  	s3 =	sld [smem:$0x3FFC];
	_ =	sdelay $0x3  }
0x94: {  	_ =	strace s3  }
0x95: {  	s3 =	sld [smem:$0x3FFD];
	_ =	sdelay $0x3  }
0x96: {  	_ =	strace s3  }
0x97: {  	_ =	strace $0x8FFFFFFF  }
0x98: {  	s19 =	sld [smem:$0x3FDB];
	_ =	sdelay $0x1  }
0x99: {  	s4 =	simm.s32 $_scs_section_size  }
0x9a: {  	s5 =	simm.s32 $_size__tile_overlayer_lowered;
	s6 =	simm.s32 $_tile_overlayer_lowered  }
0x9b: {  	s22 =	simm.s32 $0x1BFF;
	s21 =	sshll.u32 s6, $0x1;
	s3 =	sadd.s32 s4, s19  }
0x9c: {  	s7 =	simm.s32 $0x0;
	s20 =	sshll.u32 s5, $0x1;
	s5 =	sadd.s32 s21, s3  }
0x9d: {  	[timem:s7], [sflag:s22] =	dma.local [hbm:s5], s20  }
0x9e: {  	_ =	swait.ge [sflag:s22], s20  }
0x9f: {  	s4 =	ssub.s32 $0x0, s20;
	[sflag:s22] =	ssyncset.done $0x0  }
0xa0: {  	[sflag:s22] =	ssyncadd.s32 s4;
	_ =	sdelay $0x1  }
0xa1: {  	s23 =	simm.s32 $0x1B8B  }
0xa2: {  	_ =	swait.ge [sflag:s23], $0x1  }
0xa3: {  	[sflag:s23] =	ssyncset.done $0x0  }
0xa4: {  	s25 =	simm.s32 $0x1B8E;
	s24 =	sld [smem:$0x3FFE];
	[sflag:s23] =	ssyncadd.s32 $0xFFFFFFFF  }
0xa5: {  	s26 =	simm.s32 $execute0_lowered;
	[smem:$0x3FD2] =	sst s25  }
0xa6: {  	s5 =	sshll.u32 s26, $0x1;
	_ =	strace $0x80000046;
	[dreg:$0x1] =	wrdreg $0xFFFFFFFF  }
0xa7: {  	s28 =	simm.s32 $_size_execute0_lowered;
	s3 =	sadd.s32 s3, s5;
	[dreg:$0x0] =	wrdreg $0x0  }
0xa8: {  	s5 =	sshll.u32 s28, $0x1;
	[dreg:$0x2] =	wrdreg s3  }
0xa9: {  	[dreg:$0x3] =	wrdreg s5  }
0xaa: {  	[dreg:$0x4] =	wrdreg $0xC0  }
0xab: {  	_ =	task [dreg:s7], $0x5FFFF  }
0xac: {  	[dreg:$0x1] =	wrdreg $0xFFFFFFFF  }
0xad: {  	[dreg:$0x0] =	wrdreg $0x60  }
0xae: {  	[dreg:$0x2] =	wrdreg s2  }
0xaf: {  	[dreg:$0x3] =	wrdreg s24  }
0xb0: {  	[dreg:$0x4] =	wrdreg $0x108000  }
0xb1: {  	[dreg:$0x5] =	wrdreg $0x9  }
0xb2: {  	_ =	task.clear_ibuf [dreg:s7], $0x6FFFF;
	_ =	strace $0x90000046  }
0xb3: {  	s29 =	simm.s32 $0x9;
	_ =	strace $0x80000048  }
0xb4: {  	_ =	swait.ge [sflag:s29], $0x1  }
0xb5: {  	[sflag:s29] =	ssyncadd.s32 $0xFFFFFFFF  }
0xb6: {  	_ =	strace $0x90000048  }
0xb7: {  	_ =	sfence  }
0xb8: {  	s30 =	sld [smem:$0x0];
	_ =	sdelay $0x2  }
0xb9: {  	s31 =	sshll.u32 s1, $0xD;
	s1 =	sshrl.u32 s1, $0x2  }
0xba: {  	s3 =	sand.u32 $0x4000, s31;
	s1 =	sadd.s32 s1, s30  }
0xbb: {  	s0 =	sor.u32 s3, s0;
	s1 =	sshll.u32 s1, $0x11  }
0xbc: {  	s0 =	sor.u32 s1, s0  }
0xbd: {  	s0 =	sadd.s32 $0x8F2B, s0  }
0xbe: {  	[sflag:s0] =	ssyncadd.remote.s32 $0x1  }
0xbf: {  	_ =	sfence.sel $0xFFFF  }
0xc0: {  	[dreg:$0x0] =	wrdreg $0xFFFFFFFF;
	(pc) =	sbr.abs _section_cstart, $3  }
0xc1: {  	[dreg:$0x1] =	wrdreg $0xFFFFFFFF  }
0xc2: {  	_ =	task.clear_ibuf [dreg:s7], $0x2FFFF;
	_ =	strace $0x9FFFFFFF  }
0xc3: {  	(tm) =	ssettm $0x7FFFFFFF  }
tec
execute0_lowered:
.L_overlay_start_1:
0x0: {  	(tag) =	ssettag $0x1  }
0x1: {  	s0 =	rddreg [dreg:$0x0]  }
0x2: {  	s2 =	rddreg [dreg:$0x1]  }
0x3: {  	s1 =	rddreg [dreg:$0x2];
	s3 =	simm.s32 $0x0;
	s4 =	srdreg.scid  }
0x4: {  	s26 =	stileid.u32;
	s31 =	simm.s32 $0x9600;
	[smem:$0x7FF] =	sst s3  }
0x5: {  	s4 =	sand.u32 $0x1, s4;
	s5 =	sadd.s32 $0x1A00, s2;
	s9 =	smul.u32 $0x4E20, s26  }
0x6: {  	s6 =	sshll.u32 s26, $0xE;
	s15 =	sshll.u32 s26, $0x1;
	s25 =	smul.u32 $0x19000, s26  }
0x7: {  	p0 =	sgt.u32 s26, $0x1;
	s7 =	ssub.s32 $0x2, s4;
	s6 =	sand.u32 $0x30000, s6  }
0x8: {  	_ =	strace $0x80000047;
	s8 =	sshrl.u32 s7, $0x1;
	s2 =	sadd.s32 s6, s2  }
0x9: {  	s16 =	sshrl.u32 s9, $0x3;
	s10 =	sadd.s32 $0x4E200, s9;
	s17 =	sadd.s32 s9, s1  }
0xa: {  	s20 =	sadd.s32 $0x9C400, s9;
	s9 =	sadd.s32 $0xEA600, s9;
	s6 =	ssub.s32 s7, s8  }
0xb: {  	s7 =	sor.u32 s4, s15;
	s8 =	sadd.s32 s5, s16;
	[dreg:$0x5] =	wrdreg s17  }
0xc: {  	s18 =	sshrl.u32 s10, $0x3;
	s19 =	sadd.s32 s10, s1;
	s21 =	sshrl.u32 s20, $0x3  }
0xd: {  	s22 =	sshrl.u32 s9, $0x3;
	s23 =	sadd.s32 s9, s1;
	[dreg:$0x4] =	wrdreg s8  }
0xe: {  	s4 =	smul.u32 $0xC800, s4;
	s8 =	sadd.s32 s5, s18;
	[dreg:$0x7] =	wrdreg s19  }
0xf: {  	s11 =	smul.u32 $0x3200, s7;
	s10 =	sadd.s32 s5, s21;
	[dreg:$0xb] =	wrdreg s23  }
0x10: {  	s5 =	sadd.s32 s5, s22;
	s24 =	sshll.u32 s7, $0x4;
	[dreg:$0x6] =	wrdreg s8  }
0x11: {  	s21 =	smax.u32 s6, $0x1;
	s6 =	simm.s32 $0x2;
	[dreg:$0x8] =	wrdreg s10  }
0x12: {  	s7 =	simm.s32 $0x0;
	s8 =	sadd.s32 s20, s1;
	[dreg:$0xa] =	wrdreg s5  }
0x13: {  	s22 =	sadd.s32 s4, s25;
	s4 =	simm.s32 $0x6400;
	s5 =	simm.s32 $0x1  }
0x14: {  	[dreg:$0x9] =	wrdreg s8;
	s12 =	sadd.s32 s0, s11;
	s0 =	sand.u32 $0x70, s24  }
0x15: {  	s23 =	sadd.s32 $0x1900, s22;
	s24 =	sadd.s32 $0x3200, s22;
	s25 =	sadd.s32 $0x4B00, s22  }
0x16: {  	s26 =	sadd.s32 $0x6400, s22;
	s28 =	sadd.s32 $0x7D00, s22;
	s29 =	sadd.s32 $0x9600, s22  }
0x17: {  	s30 =	sadd.s32 $0xAF00, s22;
	s13 =	sadd.s32 $0x640, s12;
	s14 =	sadd.s32 $0xC80, s12  }
0x18: {  	s15 =	sadd.s32 $0x12C0, s12;
	s16 =	sadd.s32 $0x1900, s12;
	s17 =	sadd.s32 $0x1F40, s12  }
0x19: {  	s18 =	sadd.s32 $0x2580, s12;
	s19 =	sadd.s32 $0x2BC0, s12;
	s0 =	sadd.s32 s0, s2  }
0x1a: {  	v0 =	vimm.f32 $0.0e+00;
	s2 =	simm.s32 $0x3200;
	s20 =	sadd.s32 $0x81A00, s0;
	s0 =	simm.s32 $0x3  }
.LBB2_1:
0x1b: {  	s8 =	rddreg [dreg:$0x4]  }
0x1c: {  	[tilespmem:s31], [sflag:$0x3] =	stream.linear.gather [hbm4b:s8+s3], $0x4E20, $0x38;
	[tilespmem:$0x1FC28] =	vst v63  }
0x1d: {  	_ =	swait.ge [sflag:s0], $0x4E20  }
0x1e: {  	[sflag:s0] =	ssyncset.done $0x0  }
0x1f: {  	s10 =	rddreg [dreg:$0x5];
	[sflag:s0] =	ssyncadd.s32 $0xFFFFB1E0  }
0x20: {  	[spmem:s10] =	stream.linear.scatter [tilespmem:s31], [sflag:$0x3], $0x4E20, $0x38;
	[tilespmem:$0x1FC28] =	vst v63  }
0x21: {  	_ =	swait.ge [sflag:s0], $0x4E20  }
0x22: {  	[sflag:s0] =	ssyncset.done $0x0  }
0x23: {  	s11 =	rddreg [dreg:$0x6];
	[sflag:s0] =	ssyncadd.s32 $0xFFFFB1E0  }
0x24: {  	[tilespmem:s31], [sflag:$0x3] =	stream.linear.gather [hbm4b:s11+s3], $0x4E20, $0x38;
	[tilespmem:$0x1FC28] =	vst v63  }
0x25: {  	_ =	swait.ge [sflag:s0], $0x4E20  }
0x26: {  	[sflag:s0] =	ssyncset.done $0x0  }
0x27: {  	s9 =	rddreg [dreg:$0x7];
	[sflag:s0] =	ssyncadd.s32 $0xFFFFB1E0  }
0x28: {  	[spmem:s9] =	stream.linear.scatter [tilespmem:s31], [sflag:$0x3], $0x4E20, $0x38;
	[tilespmem:$0x1FC28] =	vst v63  }
0x29: {  	_ =	swait.ge [sflag:s0], $0x4E20  }
0x2a: {  	[sflag:s0] =	ssyncset.done $0x0  }
0x2b: {  	s10 =	rddreg [dreg:$0x8];
	[sflag:s0] =	ssyncadd.s32 $0xFFFFB1E0  }
0x2c: {  	[tilespmem:s31], [sflag:$0x3] =	stream.linear.gather [hbm4b:s10+s3], $0x4E20, $0x38;
	[tilespmem:$0x1FC28] =	vst v63  }
0x2d: {  	_ =	swait.ge [sflag:s0], $0x4E20  }
0x2e: {  	[sflag:s0] =	ssyncset.done $0x0  }
0x2f: {  	s11 =	rddreg [dreg:$0x9];
	[sflag:s0] =	ssyncadd.s32 $0xFFFFB1E0  }
0x30: {  	[spmem:s11] =	stream.linear.scatter [tilespmem:s31], [sflag:$0x3], $0x4E20, $0x38;
	[tilespmem:$0x1FC28] =	vst v63  }
0x31: {  	_ =	swait.ge [sflag:s0], $0x4E20  }
0x32: {  	s8 =	simm.s32 @!p0 $0x0;
	[sflag:s0] =	ssyncset.done $0x0  }
0x33: {  	s9 =	simm.s32 @!p0 $0x9600;
	s10 =	rddreg [dreg:$0xa];
	[sflag:s0] =	ssyncadd.s32 $0xFFFFB1E0  }
0x34: {  	[tilespmem:s9], [sflag:$0x3] =	stream.linear.gather @!p0 [hbm4b:s10+s8], $0x4E20, $0x38;
	[tilespmem:$0x1FC28] =	vst v63  }
0x35: {  	s8 =	simm.s32 @!p0 $0x3  }
0x36: {  	_ =	swait.ge @!p0 [sflag:s8], $0x4E20  }
0x37: {  	[sflag:s8] =	ssyncset.done @!p0 $0x0  }
0x38: {  	s10 =	rddreg [dreg:$0xb];
	[sflag:s8] =	ssyncadd.s32 @!p0 $0xFFFFB1E0  }
0x39: {  	[spmem:s10] =	stream.linear.scatter @!p0 [tilespmem:s9], [sflag:$0x3], $0x4E20, $0x38;
	[tilespmem:$0x1FC28] =	vst v63  }
0x3a: {  	_ =	swait.ge @!p0 [sflag:s8], $0x4E20  }
0x3b: {  	[sflag:s8] =	ssyncset.done @!p0 $0x0  }
0x3c: {  	[sflag:s8] =	ssyncadd.s32 @!p0 $0xFFFFB1E0  }
0x3d: {  	[tilespmem:s3], [sflag:$0x3] =	stream.linear.gather [hbm4b:s12+s3], $0x3200, $0x38;
	[tilespmem:$0x1FC28] =	vst v63  }
0x3e: {  	_ =	swait.ge [sflag:s0], $0x3200  }
0x3f: {  	[sflag:s0] =	ssyncset.done $0x0  }
0x40: {  	s9 =	simm.s32 $0x0;
	s8 =	simm.s32 $0x40;
	[sflag:s0] =	ssyncadd.s32 $0xFFFFCE00  }
.LBB2_2:
0x41: {  	p1 =	sne.s32 s8, $0xFFC0;
	[tilespmem:s9+$0xC800] =	vst v0;
	s9 =	smov.u32 s8;
	s8 =	sadd.s32 $0x40, s8  }
.Ltmp0:
0x42: {  	(pc) =	sbr.rel @p1 .LBB2_2-.Ltmp0, $2  }
0x43: {  	_ =	sdelay $0x2  }
0x44: {  	s9 =	sshra.s32 s9, $0x2  }
0x45: {  	[tilespmem:s9+$0xC800] =	vst v0  }
0x46: {  	s8 =	simm.s32 $0x0;
	[bflag:$0x0] =	sbarrier.arrive $0xFFFF  }
0x47: {  	[tilespmem:s2], [sflag:$0x1] =	stream.indirect.gather [spmem:s1], $0x1, s8, s2, $0xb8;
	[tilespmem:$0x1FC28] =	vst v63  }
0x48: {  	_ = 	snop  }
0x49: {  	[tilespmem:s4], [sflag:$0x3] =	stream.linear.gather [hbm4b:s13+s8], $0x3200, $0x38;
	[tilespmem:$0x1FC28] =	vst v63  }
0x4a: {  	_ =	swait.ge [sflag:s0], $0x3200  }
0x4b: {  	[sflag:s0] =	ssyncset.done $0x0  }
0x4c: {  	[sflag:s0] =	ssyncadd.s32 $0xFFFFCE00  }
0x4d: {  	[tilespmem:s31], [sflag:$0x2] =	stream.indirect.gather [spmem:s1], $0x1, s4, s2, $0xb8;
	[tilespmem:$0x1FC28] =	vst v63  }
0x4e: {  	s11 =	sadd.s32 $0x0, s22;
	_ =	swait.ge [sflag:s5], $0x3200  }
0x4f: {  	s8 =	sand.u32 $0xFE00, s11;
	[sflag:s5] =	ssyncset.done $0x0  }
0x50: {  	s9 =	sshrl.u32 s8, $0x2;
	[sflag:s5] =	ssyncadd.s32 $0xFFFFCE00  }
0x51: {  	s8 =	simm.s32 $0x3240;
	v1 =	vld [tilespmem:s9+$0xC800]  }
0x52: {  	v2 =	vld [tilespmem:s8+$0xFFFFFFC0];
	_ =	sdelay $0x4  }
0x53: {  	v1 =	vadd.f32 v2, v1;
	_ =	sdelay $0x1  }
0x54: {  	[tilespmem:s9+$0xC800] =	vst v1;
	v1 =	vld [tilespmem:s9+$0xC810]  }
0x55: {  	v2 =	vld [tilespmem:s8+$0xFFFFFFD0];
	_ =	sdelay $0x4  }
0x56: {  	v1 =	vadd.f32 v2, v1;
	_ =	sdelay $0x1  }
0x57: {  	[tilespmem:s9+$0xC810] =	vst v1;
	v1 =	vld [tilespmem:s9+$0xC820]  }
0x58: {  	v2 =	vld [tilespmem:s8+$0xFFFFFFE0];
	_ =	sdelay $0x4  }
0x59: {  	v1 =	vadd.f32 v2, v1;
	_ =	sdelay $0x1  }
0x5a: {  	[tilespmem:s9+$0xC820] =	vst v1;
	v1 =	vld [tilespmem:s9+$0xC830]  }
0x5b: {  	v2 =	vld [tilespmem:s8+$0xFFFFFFF0];
	_ =	sdelay $0x4  }
0x5c: {  	v1 =	vadd.f32 v2, v1;
	_ =	sdelay $0x1  }
0x5d: {  	[tilespmem:s9+$0xC830] =	vst v1;
	v1 =	vld [tilespmem:s9+$0xC840]  }
0x5e: {  	v2 =	vld [tilespmem:s8+$0x0];
	_ =	sdelay $0x4  }
0x5f: {  	v1 =	vadd.f32 v2, v1;
	_ =	sdelay $0x1  }
0x60: {  	[tilespmem:s9+$0xC840] =	vst v1;
	v1 =	vld [tilespmem:s9+$0xC850]  }
0x61: {  	v2 =	vld [tilespmem:s8+$0x10];
	_ =	sdelay $0x4  }
0x62: {  	v1 =	vadd.f32 v2, v1;
	_ =	sdelay $0x1  }
0x63: {  	[tilespmem:s9+$0xC850] =	vst v1;
	v1 =	vld [tilespmem:s9+$0xC860]  }
0x64: {  	v2 =	vld [tilespmem:s8+$0x20];
	_ =	sdelay $0x4  }
0x65: {  	v1 =	vadd.f32 v2, v1;
	_ =	sdelay $0x1  }
0x66: {  	[tilespmem:s9+$0xC860] =	vst v1;
	v1 =	vld [tilespmem:s9+$0xC870]  }
0x67: {  	v2 =	vld [tilespmem:s8+$0x30];
	_ =	sdelay $0x3  }
0x68: {  	s10 =	sadd.s32 $0x40, s22  }
0x69: {  	s11 =	sand.u32 $0xFE00, s10;
	s10 =	simm.s32 $0x80;
	v1 =	vadd.f32 v2, v1  }
.LBB2_4:
0x6a: {  	p1 =	sne.s32 s10, $0x18C0;
	s11 =	sshrl.u32 s11, $0x2  }
0x6b: {  	s8 =	sadd.s32 $0x80, s8;
	v2 =	vld [tilespmem:s11+$0xC800];
	[tilespmem:s9+$0xC870] =	vst v1;
	s9 =	smov.u32 s11  }
0x6c: {  	v1 =	vld [tilespmem:s8+$0xFFFFFFC0];
	_ =	sdelay $0x4  }
0x6d: {  	v1 =	vadd.f32 v1, v2;
	_ =	sdelay $0x1  }
0x6e: {  	[tilespmem:s9+$0xC800] =	vst v1;
	v1 =	vld [tilespmem:s9+$0xC810]  }
0x6f: {  	v2 =	vld [tilespmem:s8+$0xFFFFFFD0];
	_ =	sdelay $0x4  }
0x70: {  	v1 =	vadd.f32 v2, v1;
	_ =	sdelay $0x1  }
0x71: {  	[tilespmem:s9+$0xC810] =	vst v1;
	v1 =	vld [tilespmem:s9+$0xC820]  }
0x72: {  	v2 =	vld [tilespmem:s8+$0xFFFFFFE0];
	_ =	sdelay $0x4  }
0x73: {  	v1 =	vadd.f32 v2, v1;
	_ =	sdelay $0x1  }
0x74: {  	[tilespmem:s9+$0xC820] =	vst v1;
	v1 =	vld [tilespmem:s9+$0xC830]  }
0x75: {  	v2 =	vld [tilespmem:s8+$0xFFFFFFF0];
	_ =	sdelay $0x4  }
0x76: {  	v1 =	vadd.f32 v2, v1;
	_ =	sdelay $0x1  }
0x77: {  	[tilespmem:s9+$0xC830] =	vst v1;
	v1 =	vld [tilespmem:s9+$0xC840]  }
0x78: {  	v2 =	vld [tilespmem:s8+$0x0];
	_ =	sdelay $0x4  }
0x79: {  	v1 =	vadd.f32 v2, v1;
	_ =	sdelay $0x1  }
0x7a: {  	[tilespmem:s9+$0xC840] =	vst v1;
	v1 =	vld [tilespmem:s9+$0xC850]  }
0x7b: {  	v2 =	vld [tilespmem:s8+$0x10];
	_ =	sdelay $0x4  }
0x7c: {  	v1 =	vadd.f32 v2, v1;
	_ =	sdelay $0x1  }
0x7d: {  	[tilespmem:s9+$0xC850] =	vst v1;
	v1 =	vld [tilespmem:s9+$0xC860]  }
0x7e: {  	v2 =	vld [tilespmem:s8+$0x20];
	_ =	sdelay $0x4  }
0x7f: {  	v1 =	vadd.f32 v2, v1;
	_ =	sdelay $0x1  }
0x80: {  	[tilespmem:s9+$0xC860] =	vst v1;
	v1 =	vld [tilespmem:s9+$0xC870]  }
0x81: {  	v2 =	vld [tilespmem:s8+$0x30]  }
.Ltmp1:
0x82: {  	(pc) =	sbr.rel @p1 .LBB2_4-.Ltmp1, $3  }
0x83: {  	_ =	sdelay $0x1  }
0x84: {  	s11 =	sadd.s32 s10, s22  }
0x85: {  	s10 =	sadd.s32 $0x40, s10;
	s11 =	sand.u32 $0xFE00, s11;
	v1 =	vadd.f32 v2, v1  }
0x86: {  	s10 =	sshrl.u32 s11, $0x2  }
0x87: {  	s8 =	sadd.s32 $0x80, s8;
	v2 =	vld [tilespmem:s10+$0xC800];
	[tilespmem:s9+$0xC870] =	vst v1  }
0x88: {  	v1 =	vld [tilespmem:s8+$0xFFFFFFC0];
	_ =	sdelay $0x4  }
0x89: {  	v1 =	vadd.f32 v1, v2;
	_ =	sdelay $0x1  }
0x8a: {  	[tilespmem:s10+$0xC800] =	vst v1;
	v1 =	vld [tilespmem:s10+$0xC810]  }
0x8b: {  	v2 =	vld [tilespmem:s8+$0xFFFFFFD0];
	_ =	sdelay $0x4  }
0x8c: {  	v1 =	vadd.f32 v2, v1;
	_ =	sdelay $0x1  }
0x8d: {  	[tilespmem:s10+$0xC810] =	vst v1;
	v1 =	vld [tilespmem:s10+$0xC820]  }
0x8e: {  	v2 =	vld [tilespmem:s8+$0xFFFFFFE0];
	_ =	sdelay $0x4  }
0x8f: {  	v1 =	vadd.f32 v2, v1;
	_ =	sdelay $0x1  }
0x90: {  	[tilespmem:s10+$0xC820] =	vst v1;
	v1 =	vld [tilespmem:s10+$0xC830]  }
0x91: {  	v2 =	vld [tilespmem:s8+$0xFFFFFFF0];
	_ =	sdelay $0x4  }
0x92: {  	v1 =	vadd.f32 v2, v1;
	_ =	sdelay $0x1  }
0x93: {  	[tilespmem:s10+$0xC830] =	vst v1;
	v1 =	vld [tilespmem:s10+$0xC840]  }
0x94: {  	v2 =	vld [tilespmem:s8+$0x0];
	_ =	sdelay $0x4  }
0x95: {  	v1 =	vadd.f32 v2, v1;
	_ =	sdelay $0x1  }
0x96: {  	[tilespmem:s10+$0xC840] =	vst v1;
	v1 =	vld [tilespmem:s10+$0xC850]  }
0x97: {  	v2 =	vld [tilespmem:s8+$0x10];
	_ =	sdelay $0x4  }
0x98: {  	v1 =	vadd.f32 v2, v1;
	_ =	sdelay $0x1  }
0x99: {  	[tilespmem:s10+$0xC850] =	vst v1;
	v1 =	vld [tilespmem:s10+$0xC860]  }
0x9a: {  	v2 =	vld [tilespmem:s8+$0x20];
	_ =	sdelay $0x4  }
0x9b: {  	v1 =	vadd.f32 v2, v1;
	_ =	sdelay $0x1  }
0x9c: {  	[tilespmem:s10+$0xC860] =	vst v1;
	v1 =	vld [tilespmem:s10+$0xC870]  }
0x9d: {  	v2 =	vld [tilespmem:s8+$0x30];
	_ =	sdelay $0x4  }
0x9e: {  	v1 =	vadd.f32 v2, v1;
	_ =	sdelay $0x1  }
0x9f: {  	s9 =	simm.s32 $0x0;
	[tilespmem:s10+$0xC870] =	vst v1  }
0xa0: {  	[tilespmem:s9], [sflag:$0x3] =	stream.linear.gather [hbm4b:s14+s9], $0x3200, $0x38;
	[tilespmem:$0x1FC28] =	vst v63  }
0xa1: {  	_ =	swait.ge [sflag:s0], $0x3200  }
0xa2: {  	[sflag:s0] =	ssyncset.done $0x0  }
0xa3: {  	[sflag:s0] =	ssyncadd.s32 $0xFFFFCE00  }
0xa4: {  	[tilespmem:s2], [sflag:$0x1] =	stream.indirect.gather [spmem:s1], $0x1, s9, s2, $0xb8;
	[tilespmem:$0x1FC28] =	vst v63  }
0xa5: {  	s10 =	sadd.s32 $0x0, s23;
	_ =	swait.ge [sflag:s6], $0x3200  }
0xa6: {  	s8 =	sand.u32 $0xFE00, s10;
	[sflag:s6] =	ssyncset.done $0x0  }
0xa7: {  	s9 =	sshrl.u32 s8, $0x2;
	[sflag:s6] =	ssyncadd.s32 $0xFFFFCE00  }
0xa8: {  	s8 =	simm.s32 $0x9640;
	v1 =	vld [tilespmem:s9+$0xC800]  }
0xa9: {  	v2 =	vld [tilespmem:s8+$0xFFFFFFC0];
	_ =	sdelay $0x4  }
0xaa: {  	v1 =	vadd.f32 v2, v1;
	_ =	sdelay $0x1  }
0xab: {  	[tilespmem:s9+$0xC800] =	vst v1;
	v1 =	vld [tilespmem:s9+$0xC810]  }
0xac: {  	v2 =	vld [tilespmem:s8+$0xFFFFFFD0];
	_ =	sdelay $0x4  }
0xad: {  	v1 =	vadd.f32 v2, v1;
	_ =	sdelay $0x1  }
0xae: {  	[tilespmem:s9+$0xC810] =	vst v1;
	v1 =	vld [tilespmem:s9+$0xC820]  }
0xaf: {  	v2 =	vld [tilespmem:s8+$0xFFFFFFE0];
	_ =	sdelay $0x4  }
0xb0: {  	v1 =	vadd.f32 v2, v1;
	_ =	sdelay $0x1  }
0xb1: {  	[tilespmem:s9+$0xC820] =	vst v1;
	v1 =	vld [tilespmem:s9+$0xC830]  }
0xb2: {  	v2 =	vld [tilespmem:s8+$0xFFFFFFF0];
	_ =	sdelay $0x4  }
0xb3: {  	v1 =	vadd.f32 v2, v1;
	_ =	sdelay $0x1  }
0xb4: {  	[tilespmem:s9+$0xC830] =	vst v1;
	v1 =	vld [tilespmem:s9+$0xC840]  }
0xb5: {  	v2 =	vld [tilespmem:s8+$0x0];
	_ =	sdelay $0x4  }
0xb6: {  	v1 =	vadd.f32 v2, v1;
	_ =	sdelay $0x1  }
0xb7: {  	[tilespmem:s9+$0xC840] =	vst v1;
	v1 =	vld [tilespmem:s9+$0xC850]  }
0xb8: {  	v2 =	vld [tilespmem:s8+$0x10];
	_ =	sdelay $0x4  }
0xb9: {  	v1 =	vadd.f32 v2, v1;
	_ =	sdelay $0x1  }
0xba: {  	[tilespmem:s9+$0xC850] =	vst v1;
	v1 =	vld [tilespmem:s9+$0xC860]  }
0xbb: {  	v2 =	vld [tilespmem:s8+$0x20];
	_ =	sdelay $0x4  }
0xbc: {  	v1 =	vadd.f32 v2, v1;
	_ =	sdelay $0x1  }
0xbd: {  	[tilespmem:s9+$0xC860] =	vst v1;
	v1 =	vld [tilespmem:s9+$0xC870]  }
0xbe: {  	v2 =	vld [tilespmem:s8+$0x30];
	_ =	sdelay $0x3  }
0xbf: {  	s11 =	sadd.s32 $0x40, s23  }
0xc0: {  	s11 =	sand.u32 $0xFE00, s11;
	s10 =	simm.s32 $0x80;
	v1 =	vadd.f32 v2, v1  }
.LBB2_6:
0xc1: {  	p1 =	sne.s32 s10, $0x18C0;
	s11 =	sshrl.u32 s11, $0x2  }
0xc2: {  	s8 =	sadd.s32 $0x80, s8;
	v2 =	vld [tilespmem:s11+$0xC800];
	[tilespmem:s9+$0xC870] =	vst v1;
	s9 =	smov.u32 s11  }
0xc3: {  	v1 =	vld [tilespmem:s8+$0xFFFFFFC0];
	_ =	sdelay $0x4  }
0xc4: {  	v1 =	vadd.f32 v1, v2;
	_ =	sdelay $0x1  }
0xc5: {  	[tilespmem:s9+$0xC800] =	vst v1;
	v1 =	vld [tilespmem:s9+$0xC810]  }
0xc6: {  	v2 =	vld [tilespmem:s8+$0xFFFFFFD0];
	_ =	sdelay $0x4  }
0xc7: {  	v1 =	vadd.f32 v2, v1;
	_ =	sdelay $0x1  }
0xc8: {  	[tilespmem:s9+$0xC810] =	vst v1;
	v1 =	vld [tilespmem:s9+$0xC820]  }
0xc9: {  	v2 =	vld [tilespmem:s8+$0xFFFFFFE0];
	_ =	sdelay $0x4  }
0xca: {  	v1 =	vadd.f32 v2, v1;
	_ =	sdelay $0x1  }
0xcb: {  	[tilespmem:s9+$0xC820] =	vst v1;
	v1 =	vld [tilespmem:s9+$0xC830]  }
0xcc: {  	v2 =	vld [tilespmem:s8+$0xFFFFFFF0];
	_ =	sdelay $0x4  }
0xcd: {  	v1 =	vadd.f32 v2, v1;
	_ =	sdelay $0x1  }
0xce: {  	[tilespmem:s9+$0xC830] =	vst v1;
	v1 =	vld [tilespmem:s9+$0xC840]  }
0xcf: {  	v2 =	vld [tilespmem:s8+$0x0];
	_ =	sdelay $0x4  }
0xd0: {  	v1 =	vadd.f32 v2, v1;
	_ =	sdelay $0x1  }
0xd1: {  	[tilespmem:s9+$0xC840] =	vst v1;
	v1 =	vld [tilespmem:s9+$0xC850]  }
0xd2: {  	v2 =	vld [tilespmem:s8+$0x10];
	_ =	sdelay $0x4  }
0xd3: {  	v1 =	vadd.f32 v2, v1;
	_ =	sdelay $0x1  }
0xd4: {  	[tilespmem:s9+$0xC850] =	vst v1;
	v1 =	vld [tilespmem:s9+$0xC860]  }
0xd5: {  	v2 =	vld [tilespmem:s8+$0x20];
	_ =	sdelay $0x4  }
0xd6: {  	v1 =	vadd.f32 v2, v1;
	_ =	sdelay $0x1  }
0xd7: {  	[tilespmem:s9+$0xC860] =	vst v1;
	v1 =	vld [tilespmem:s9+$0xC870]  }
0xd8: {  	v2 =	vld [tilespmem:s8+$0x30]  }
.Ltmp2:
0xd9: {  	(pc) =	sbr.rel @p1 .LBB2_6-.Ltmp2, $3  }
0xda: {  	_ =	sdelay $0x1  }
0xdb: {  	s11 =	sadd.s32 s10, s23  }
0xdc: {  	s10 =	sadd.s32 $0x40, s10;
	s11 =	sand.u32 $0xFE00, s11;
	v1 =	vadd.f32 v2, v1  }
0xdd: {  	s10 =	sshrl.u32 s11, $0x2  }
0xde: {  	s8 =	sadd.s32 $0x80, s8;
	v2 =	vld [tilespmem:s10+$0xC800];
	[tilespmem:s9+$0xC870] =	vst v1  }
0xdf: {  	v1 =	vld [tilespmem:s8+$0xFFFFFFC0];
	_ =	sdelay $0x4  }
0xe0: {  	v1 =	vadd.f32 v1, v2;
	_ =	sdelay $0x1  }
0xe1: {  	[tilespmem:s10+$0xC800] =	vst v1;
	v1 =	vld [tilespmem:s10+$0xC810]  }
0xe2: {  	v2 =	vld [tilespmem:s8+$0xFFFFFFD0];
	_ =	sdelay $0x4  }
0xe3: {  	v1 =	vadd.f32 v2, v1;
	_ =	sdelay $0x1  }
0xe4: {  	[tilespmem:s10+$0xC810] =	vst v1;
	v1 =	vld [tilespmem:s10+$0xC820]  }
0xe5: {  	v2 =	vld [tilespmem:s8+$0xFFFFFFE0];
	_ =	sdelay $0x4  }
0xe6: {  	v1 =	vadd.f32 v2, v1;
	_ =	sdelay $0x1  }
0xe7: {  	[tilespmem:s10+$0xC820] =	vst v1;
	v1 =	vld [tilespmem:s10+$0xC830]  }
0xe8: {  	v2 =	vld [tilespmem:s8+$0xFFFFFFF0];
	_ =	sdelay $0x4  }
0xe9: {  	v1 =	vadd.f32 v2, v1;
	_ =	sdelay $0x1  }
0xea: {  	[tilespmem:s10+$0xC830] =	vst v1;
	v1 =	vld [tilespmem:s10+$0xC840]  }
0xeb: {  	v2 =	vld [tilespmem:s8+$0x0];
	_ =	sdelay $0x4  }
0xec: {  	v1 =	vadd.f32 v2, v1;
	_ =	sdelay $0x1  }
0xed: {  	[tilespmem:s10+$0xC840] =	vst v1;
	v1 =	vld [tilespmem:s10+$0xC850]  }
0xee: {  	v2 =	vld [tilespmem:s8+$0x10];
	_ =	sdelay $0x4  }
0xef: {  	v1 =	vadd.f32 v2, v1;
	_ =	sdelay $0x1  }
0xf0: {  	[tilespmem:s10+$0xC850] =	vst v1;
	v1 =	vld [tilespmem:s10+$0xC860]  }
0xf1: {  	v2 =	vld [tilespmem:s8+$0x20];
	_ =	sdelay $0x4  }
0xf2: {  	v1 =	vadd.f32 v2, v1;
	_ =	sdelay $0x1  }
0xf3: {  	[tilespmem:s10+$0xC860] =	vst v1;
	v1 =	vld [tilespmem:s10+$0xC870]  }
0xf4: {  	v2 =	vld [tilespmem:s8+$0x30];
	_ =	sdelay $0x4  }
0xf5: {  	v1 =	vadd.f32 v2, v1;
	_ =	sdelay $0x1  }
0xf6: {  	s9 =	simm.s32 $0x0;
	[tilespmem:s10+$0xC870] =	vst v1  }
0xf7: {  	[tilespmem:s4], [sflag:$0x3] =	stream.linear.gather [hbm4b:s15+s9], $0x3200, $0x38;
	[tilespmem:$0x1FC28] =	vst v63  }
0xf8: {  	_ =	swait.ge [sflag:s0], $0x3200  }
0xf9: {  	[sflag:s0] =	ssyncset.done $0x0  }
0xfa: {  	[sflag:s0] =	ssyncadd.s32 $0xFFFFCE00  }
0xfb: {  	[tilespmem:s31], [sflag:$0x2] =	stream.indirect.gather [spmem:s1], $0x1, s4, s2, $0xb8;
	[tilespmem:$0x1FC28] =	vst v63  }
0xfc: {  	s10 =	sadd.s32 $0x0, s24;
	_ =	swait.ge [sflag:s5], $0x3200  }
0xfd: {  	s8 =	sand.u32 $0xFE00, s10;
	[sflag:s5] =	ssyncset.done $0x0  }
0xfe: {  	s9 =	sshrl.u32 s8, $0x2;
	[sflag:s5] =	ssyncadd.s32 $0xFFFFCE00  }
0xff: {  	s8 =	simm.s32 $0x3240;
	v1 =	vld [tilespmem:s9+$0xC800]  }
0x100: {  	v2 =	vld [tilespmem:s8+$0xFFFFFFC0];
	_ =	sdelay $0x4  }
0x101: {  	v1 =	vadd.f32 v2, v1;
	_ =	sdelay $0x1  }
0x102: {  	[tilespmem:s9+$0xC800] =	vst v1;
	v1 =	vld [tilespmem:s9+$0xC810]  }
0x103: {  	v2 =	vld [tilespmem:s8+$0xFFFFFFD0];
	_ =	sdelay $0x4  }
0x104: {  	v1 =	vadd.f32 v2, v1;
	_ =	sdelay $0x1  }
0x105: {  	[tilespmem:s9+$0xC810] =	vst v1;
	v1 =	vld [tilespmem:s9+$0xC820]  }
0x106: {  	v2 =	vld [tilespmem:s8+$0xFFFFFFE0];
	_ =	sdelay $0x4  }
0x107: {  	v1 =	vadd.f32 v2, v1;
	_ =	sdelay $0x1  }
0x108: {  	[tilespmem:s9+$0xC820] =	vst v1;
	v1 =	vld [tilespmem:s9+$0xC830]  }
0x109: {  	v2 =	vld [tilespmem:s8+$0xFFFFFFF0];
	_ =	sdelay $0x4  }
0x10a: {  	v1 =	vadd.f32 v2, v1;
	_ =	sdelay $0x1  }
0x10b: {  	[tilespmem:s9+$0xC830] =	vst v1;
	v1 =	vld [tilespmem:s9+$0xC840]  }
0x10c: {  	v2 =	vld [tilespmem:s8+$0x0];
	_ =	sdelay $0x4  }
0x10d: {  	v1 =	vadd.f32 v2, v1;
	_ =	sdelay $0x1  }
0x10e: {  	[tilespmem:s9+$0xC840] =	vst v1;
	v1 =	vld [tilespmem:s9+$0xC850]  }
0x10f: {  	v2 =	vld [tilespmem:s8+$0x10];
	_ =	sdelay $0x4  }
0x110: {  	v1 =	vadd.f32 v2, v1;
	_ =	sdelay $0x1  }
0x111: {  	[tilespmem:s9+$0xC850] =	vst v1;
	v1 =	vld [tilespmem:s9+$0xC860]  }
0x112: {  	v2 =	vld [tilespmem:s8+$0x20];
	_ =	sdelay $0x4  }
0x113: {  	v1 =	vadd.f32 v2, v1;
	_ =	sdelay $0x1  }
0x114: {  	[tilespmem:s9+$0xC860] =	vst v1;
	v1 =	vld [tilespmem:s9+$0xC870]  }
0x115: {  	v2 =	vld [tilespmem:s8+$0x30];
	_ =	sdelay $0x3  }
0x116: {  	s11 =	sadd.s32 $0x40, s24  }
0x117: {  	s11 =	sand.u32 $0xFE00, s11;
	s10 =	simm.s32 $0x80;
	v1 =	vadd.f32 v2, v1  }
.LBB2_8:
0x118: {  	p1 =	sne.s32 s10, $0x18C0;
	s11 =	sshrl.u32 s11, $0x2  }
0x119: {  	s8 =	sadd.s32 $0x80, s8;
	v2 =	vld [tilespmem:s11+$0xC800];
	[tilespmem:s9+$0xC870] =	vst v1;
	s9 =	smov.u32 s11  }
0x11a: {  	v1 =	vld [tilespmem:s8+$0xFFFFFFC0];
	_ =	sdelay $0x4  }
0x11b: {  	v1 =	vadd.f32 v1, v2;
	_ =	sdelay $0x1  }
0x11c: {  	[tilespmem:s9+$0xC800] =	vst v1;
	v1 =	vld [tilespmem:s9+$0xC810]  }
0x11d: {  	v2 =	vld [tilespmem:s8+$0xFFFFFFD0];
	_ =	sdelay $0x4  }
0x11e: {  	v1 =	vadd.f32 v2, v1;
	_ =	sdelay $0x1  }
0x11f: {  	[tilespmem:s9+$0xC810] =	vst v1;
	v1 =	vld [tilespmem:s9+$0xC820]  }
0x120: {  	v2 =	vld [tilespmem:s8+$0xFFFFFFE0];
	_ =	sdelay $0x4  }
0x121: {  	v1 =	vadd.f32 v2, v1;
	_ =	sdelay $0x1  }
0x122: {  	[tilespmem:s9+$0xC820] =	vst v1;
	v1 =	vld [tilespmem:s9+$0xC830]  }
0x123: {  	v2 =	vld [tilespmem:s8+$0xFFFFFFF0];
	_ =	sdelay $0x4  }
0x124: {  	v1 =	vadd.f32 v2, v1;
	_ =	sdelay $0x1  }
0x125: {  	[tilespmem:s9+$0xC830] =	vst v1;
	v1 =	vld [tilespmem:s9+$0xC840]  }
0x126: {  	v2 =	vld [tilespmem:s8+$0x0];
	_ =	sdelay $0x4  }
0x127: {  	v1 =	vadd.f32 v2, v1;
	_ =	sdelay $0x1  }
0x128: {  	[tilespmem:s9+$0xC840] =	vst v1;
	v1 =	vld [tilespmem:s9+$0xC850]  }
0x129: {  	v2 =	vld [tilespmem:s8+$0x10];
	_ =	sdelay $0x4  }
0x12a: {  	v1 =	vadd.f32 v2, v1;
	_ =	sdelay $0x1  }
0x12b: {  	[tilespmem:s9+$0xC850] =	vst v1;
	v1 =	vld [tilespmem:s9+$0xC860]  }
0x12c: {  	v2 =	vld [tilespmem:s8+$0x20];
	_ =	sdelay $0x4  }
0x12d: {  	v1 =	vadd.f32 v2, v1;
	_ =	sdelay $0x1  }
0x12e: {  	[tilespmem:s9+$0xC860] =	vst v1;
	v1 =	vld [tilespmem:s9+$0xC870]  }
0x12f: {  	v2 =	vld [tilespmem:s8+$0x30]  }
.Ltmp3:
0x130: {  	(pc) =	sbr.rel @p1 .LBB2_8-.Ltmp3, $3  }
0x131: {  	_ =	sdelay $0x1  }
0x132: {  	s11 =	sadd.s32 s10, s24  }
0x133: {  	s10 =	sadd.s32 $0x40, s10;
	s11 =	sand.u32 $0xFE00, s11;
	v1 =	vadd.f32 v2, v1  }
0x134: {  	s10 =	sshrl.u32 s11, $0x2  }
0x135: {  	s8 =	sadd.s32 $0x80, s8;
	v2 =	vld [tilespmem:s10+$0xC800];
	[tilespmem:s9+$0xC870] =	vst v1  }
0x136: {  	v1 =	vld [tilespmem:s8+$0xFFFFFFC0];
	_ =	sdelay $0x4  }
0x137: {  	v1 =	vadd.f32 v1, v2;
	_ =	sdelay $0x1  }
0x138: {  	[tilespmem:s10+$0xC800] =	vst v1;
	v1 =	vld [tilespmem:s10+$0xC810]  }
0x139: {  	v2 =	vld [tilespmem:s8+$0xFFFFFFD0];
	_ =	sdelay $0x4  }
0x13a: {  	v1 =	vadd.f32 v2, v1;
	_ =	sdelay $0x1  }
0x13b: {  	[tilespmem:s10+$0xC810] =	vst v1;
	v1 =	vld [tilespmem:s10+$0xC820]  }
0x13c: {  	v2 =	vld [tilespmem:s8+$0xFFFFFFE0];
	_ =	sdelay $0x4  }
0x13d: {  	v1 =	vadd.f32 v2, v1;
	_ =	sdelay $0x1  }
0x13e: {  	[tilespmem:s10+$0xC820] =	vst v1;
	v1 =	vld [tilespmem:s10+$0xC830]  }
0x13f: {  	v2 =	vld [tilespmem:s8+$0xFFFFFFF0];
	_ =	sdelay $0x4  }
0x140: {  	v1 =	vadd.f32 v2, v1;
	_ =	sdelay $0x1  }
0x141: {  	[tilespmem:s10+$0xC830] =	vst v1;
	v1 =	vld [tilespmem:s10+$0xC840]  }
0x142: {  	v2 =	vld [tilespmem:s8+$0x0];
	_ =	sdelay $0x4  }
0x143: {  	v1 =	vadd.f32 v2, v1;
	_ =	sdelay $0x1  }
0x144: {  	[tilespmem:s10+$0xC840] =	vst v1;
	v1 =	vld [tilespmem:s10+$0xC850]  }
0x145: {  	v2 =	vld [tilespmem:s8+$0x10];
	_ =	sdelay $0x4  }
0x146: {  	v1 =	vadd.f32 v2, v1;
	_ =	sdelay $0x1  }
0x147: {  	[tilespmem:s10+$0xC850] =	vst v1;
	v1 =	vld [tilespmem:s10+$0xC860]  }
0x148: {  	v2 =	vld [tilespmem:s8+$0x20];
	_ =	sdelay $0x4  }
0x149: {  	v1 =	vadd.f32 v2, v1;
	_ =	sdelay $0x1  }
0x14a: {  	[tilespmem:s10+$0xC860] =	vst v1;
	v1 =	vld [tilespmem:s10+$0xC870]  }
0x14b: {  	v2 =	vld [tilespmem:s8+$0x30];
	_ =	sdelay $0x4  }
0x14c: {  	v1 =	vadd.f32 v2, v1;
	_ =	sdelay $0x1  }
0x14d: {  	s9 =	simm.s32 $0x0;
	[tilespmem:s10+$0xC870] =	vst v1  }
0x14e: {  	[tilespmem:s9], [sflag:$0x3] =	stream.linear.gather [hbm4b:s16+s9], $0x3200, $0x38;
	[tilespmem:$0x1FC28] =	vst v63  }
0x14f: {  	_ =	swait.ge [sflag:s0], $0x3200  }
0x150: {  	[sflag:s0] =	ssyncset.done $0x0  }
0x151: {  	[sflag:s0] =	ssyncadd.s32 $0xFFFFCE00  }
0x152: {  	[tilespmem:s2], [sflag:$0x1] =	stream.indirect.gather [spmem:s1], $0x1, s9, s2, $0xb8;
	[tilespmem:$0x1FC28] =	vst v63  }
0x153: {  	s10 =	sadd.s32 $0x0, s25;
	_ =	swait.ge [sflag:s6], $0x3200  }
0x154: {  	s8 =	sand.u32 $0xFE00, s10;
	[sflag:s6] =	ssyncset.done $0x0  }
0x155: {  	s9 =	sshrl.u32 s8, $0x2;
	[sflag:s6] =	ssyncadd.s32 $0xFFFFCE00  }
0x156: {  	s8 =	simm.s32 $0x9640;
	v1 =	vld [tilespmem:s9+$0xC800]  }
0x157: {  	v2 =	vld [tilespmem:s8+$0xFFFFFFC0];
	_ =	sdelay $0x4  }
0x158: {  	v1 =	vadd.f32 v2, v1;
	_ =	sdelay $0x1  }
0x159: {  	[tilespmem:s9+$0xC800] =	vst v1;
	v1 =	vld [tilespmem:s9+$0xC810]  }
0x15a: {  	v2 =	vld [tilespmem:s8+$0xFFFFFFD0];
	_ =	sdelay $0x4  }
0x15b: {  	v1 =	vadd.f32 v2, v1;
	_ =	sdelay $0x1  }
0x15c: {  	[tilespmem:s9+$0xC810] =	vst v1;
	v1 =	vld [tilespmem:s9+$0xC820]  }
0x15d: {  	v2 =	vld [tilespmem:s8+$0xFFFFFFE0];
	_ =	sdelay $0x4  }
0x15e: {  	v1 =	vadd.f32 v2, v1;
	_ =	sdelay $0x1  }
0x15f: {  	[tilespmem:s9+$0xC820] =	vst v1;
	v1 =	vld [tilespmem:s9+$0xC830]  }
0x160: {  	v2 =	vld [tilespmem:s8+$0xFFFFFFF0];
	_ =	sdelay $0x4  }
0x161: {  	v1 =	vadd.f32 v2, v1;
	_ =	sdelay $0x1  }
0x162: {  	[tilespmem:s9+$0xC830] =	vst v1;
	v1 =	vld [tilespmem:s9+$0xC840]  }
0x163: {  	v2 =	vld [tilespmem:s8+$0x0];
	_ =	sdelay $0x4  }
0x164: {  	v1 =	vadd.f32 v2, v1;
	_ =	sdelay $0x1  }
0x165: {  	[tilespmem:s9+$0xC840] =	vst v1;
	v1 =	vld [tilespmem:s9+$0xC850]  }
0x166: {  	v2 =	vld [tilespmem:s8+$0x10];
	_ =	sdelay $0x4  }
0x167: {  	v1 =	vadd.f32 v2, v1;
	_ =	sdelay $0x1  }
0x168: {  	[tilespmem:s9+$0xC850] =	vst v1;
	v1 =	vld [tilespmem:s9+$0xC860]  }
0x169: {  	v2 =	vld [tilespmem:s8+$0x20];
	_ =	sdelay $0x4  }
0x16a: {  	v1 =	vadd.f32 v2, v1;
	_ =	sdelay $0x1  }
0x16b: {  	[tilespmem:s9+$0xC860] =	vst v1;
	v1 =	vld [tilespmem:s9+$0xC870]  }
0x16c: {  	v2 =	vld [tilespmem:s8+$0x30];
	_ =	sdelay $0x3  }
0x16d: {  	s11 =	sadd.s32 $0x40, s25  }
0x16e: {  	s11 =	sand.u32 $0xFE00, s11;
	s10 =	simm.s32 $0x80;
	v1 =	vadd.f32 v2, v1  }
.LBB2_10:
0x16f: {  	p1 =	sne.s32 s10, $0x18C0;
	s11 =	sshrl.u32 s11, $0x2  }
0x170: {  	s8 =	sadd.s32 $0x80, s8;
	v2 =	vld [tilespmem:s11+$0xC800];
	[tilespmem:s9+$0xC870] =	vst v1;
	s9 =	smov.u32 s11  }
0x171: {  	v1 =	vld [tilespmem:s8+$0xFFFFFFC0];
	_ =	sdelay $0x4  }
0x172: {  	v1 =	vadd.f32 v1, v2;
	_ =	sdelay $0x1  }
0x173: {  	[tilespmem:s9+$0xC800] =	vst v1;
	v1 =	vld [tilespmem:s9+$0xC810]  }
0x174: {  	v2 =	vld [tilespmem:s8+$0xFFFFFFD0];
	_ =	sdelay $0x4  }
0x175: {  	v1 =	vadd.f32 v2, v1;
	_ =	sdelay $0x1  }
0x176: {  	[tilespmem:s9+$0xC810] =	vst v1;
	v1 =	vld [tilespmem:s9+$0xC820]  }
0x177: {  	v2 =	vld [tilespmem:s8+$0xFFFFFFE0];
	_ =	sdelay $0x4  }
0x178: {  	v1 =	vadd.f32 v2, v1;
	_ =	sdelay $0x1  }
0x179: {  	[tilespmem:s9+$0xC820] =	vst v1;
	v1 =	vld [tilespmem:s9+$0xC830]  }
0x17a: {  	v2 =	vld [tilespmem:s8+$0xFFFFFFF0];
	_ =	sdelay $0x4  }
0x17b: {  	v1 =	vadd.f32 v2, v1;
	_ =	sdelay $0x1  }
0x17c: {  	[tilespmem:s9+$0xC830] =	vst v1;
	v1 =	vld [tilespmem:s9+$0xC840]  }
0x17d: {  	v2 =	vld [tilespmem:s8+$0x0];
	_ =	sdelay $0x4  }
0x17e: {  	v1 =	vadd.f32 v2, v1;
	_ =	sdelay $0x1  }
0x17f: {  	[tilespmem:s9+$0xC840] =	vst v1;
	v1 =	vld [tilespmem:s9+$0xC850]  }
0x180: {  	v2 =	vld [tilespmem:s8+$0x10];
	_ =	sdelay $0x4  }
0x181: {  	v1 =	vadd.f32 v2, v1;
	_ =	sdelay $0x1  }
0x182: {  	[tilespmem:s9+$0xC850] =	vst v1;
	v1 =	vld [tilespmem:s9+$0xC860]  }
0x183: {  	v2 =	vld [tilespmem:s8+$0x20];
	_ =	sdelay $0x4  }
0x184: {  	v1 =	vadd.f32 v2, v1;
	_ =	sdelay $0x1  }
0x185: {  	[tilespmem:s9+$0xC860] =	vst v1;
	v1 =	vld [tilespmem:s9+$0xC870]  }
0x186: {  	v2 =	vld [tilespmem:s8+$0x30]  }
.Ltmp4:
0x187: {  	(pc) =	sbr.rel @p1 .LBB2_10-.Ltmp4, $3  }
0x188: {  	_ =	sdelay $0x1  }
0x189: {  	s11 =	sadd.s32 s10, s25  }
0x18a: {  	s10 =	sadd.s32 $0x40, s10;
	s11 =	sand.u32 $0xFE00, s11;
	v1 =	vadd.f32 v2, v1  }
0x18b: {  	s10 =	sshrl.u32 s11, $0x2  }
0x18c: {  	s8 =	sadd.s32 $0x80, s8;
	v2 =	vld [tilespmem:s10+$0xC800];
	[tilespmem:s9+$0xC870] =	vst v1  }
0x18d: {  	v1 =	vld [tilespmem:s8+$0xFFFFFFC0];
	_ =	sdelay $0x4  }
0x18e: {  	v1 =	vadd.f32 v1, v2;
	_ =	sdelay $0x1  }
0x18f: {  	[tilespmem:s10+$0xC800] =	vst v1;
	v1 =	vld [tilespmem:s10+$0xC810]  }
0x190: {  	v2 =	vld [tilespmem:s8+$0xFFFFFFD0];
	_ =	sdelay $0x4  }
0x191: {  	v1 =	vadd.f32 v2, v1;
	_ =	sdelay $0x1  }
0x192: {  	[tilespmem:s10+$0xC810] =	vst v1;
	v1 =	vld [tilespmem:s10+$0xC820]  }
0x193: {  	v2 =	vld [tilespmem:s8+$0xFFFFFFE0];
	_ =	sdelay $0x4  }
0x194: {  	v1 =	vadd.f32 v2, v1;
	_ =	sdelay $0x1  }
0x195: {  	[tilespmem:s10+$0xC820] =	vst v1;
	v1 =	vld [tilespmem:s10+$0xC830]  }
0x196: {  	v2 =	vld [tilespmem:s8+$0xFFFFFFF0];
	_ =	sdelay $0x4  }
0x197: {  	v1 =	vadd.f32 v2, v1;
	_ =	sdelay $0x1  }
0x198: {  	[tilespmem:s10+$0xC830] =	vst v1;
	v1 =	vld [tilespmem:s10+$0xC840]  }
0x199: {  	v2 =	vld [tilespmem:s8+$0x0];
	_ =	sdelay $0x4  }
0x19a: {  	v1 =	vadd.f32 v2, v1;
	_ =	sdelay $0x1  }
0x19b: {  	[tilespmem:s10+$0xC840] =	vst v1;
	v1 =	vld [tilespmem:s10+$0xC850]  }
0x19c: {  	v2 =	vld [tilespmem:s8+$0x10];
	_ =	sdelay $0x4  }
0x19d: {  	v1 =	vadd.f32 v2, v1;
	_ =	sdelay $0x1  }
0x19e: {  	[tilespmem:s10+$0xC850] =	vst v1;
	v1 =	vld [tilespmem:s10+$0xC860]  }
0x19f: {  	v2 =	vld [tilespmem:s8+$0x20];
	_ =	sdelay $0x4  }
0x1a0: {  	v1 =	vadd.f32 v2, v1;
	_ =	sdelay $0x1  }
0x1a1: {  	[tilespmem:s10+$0xC860] =	vst v1;
	v1 =	vld [tilespmem:s10+$0xC870]  }
0x1a2: {  	v2 =	vld [tilespmem:s8+$0x30];
	_ =	sdelay $0x4  }
0x1a3: {  	v1 =	vadd.f32 v2, v1;
	_ =	sdelay $0x1  }
0x1a4: {  	s9 =	simm.s32 $0x0;
	[tilespmem:s10+$0xC870] =	vst v1  }
0x1a5: {  	[tilespmem:s4], [sflag:$0x3] =	stream.linear.gather [hbm4b:s17+s9], $0x3200, $0x38;
	[tilespmem:$0x1FC28] =	vst v63  }
0x1a6: {  	_ =	swait.ge [sflag:s0], $0x3200  }
0x1a7: {  	[sflag:s0] =	ssyncset.done $0x0  }
0x1a8: {  	[sflag:s0] =	ssyncadd.s32 $0xFFFFCE00  }
0x1a9: {  	[tilespmem:s31], [sflag:$0x2] =	stream.indirect.gather [spmem:s1], $0x1, s4, s2, $0xb8;
	[tilespmem:$0x1FC28] =	vst v63  }
0x1aa: {  	s10 =	sadd.s32 $0x0, s26;
	_ =	swait.ge [sflag:s5], $0x3200  }
0x1ab: {  	s8 =	sand.u32 $0xFE00, s10;
	[sflag:s5] =	ssyncset.done $0x0  }
0x1ac: {  	s9 =	sshrl.u32 s8, $0x2;
	[sflag:s5] =	ssyncadd.s32 $0xFFFFCE00  }
0x1ad: {  	s8 =	simm.s32 $0x3240;
	v1 =	vld [tilespmem:s9+$0xC800]  }
0x1ae: {  	v2 =	vld [tilespmem:s8+$0xFFFFFFC0];
	_ =	sdelay $0x4  }
0x1af: {  	v1 =	vadd.f32 v2, v1;
	_ =	sdelay $0x1  }
0x1b0: {  	[tilespmem:s9+$0xC800] =	vst v1;
	v1 =	vld [tilespmem:s9+$0xC810]  }
0x1b1: {  	v2 =	vld [tilespmem:s8+$0xFFFFFFD0];
	_ =	sdelay $0x4  }
0x1b2: {  	v1 =	vadd.f32 v2, v1;
	_ =	sdelay $0x1  }
0x1b3: {  	[tilespmem:s9+$0xC810] =	vst v1;
	v1 =	vld [tilespmem:s9+$0xC820]  }
0x1b4: {  	v2 =	vld [tilespmem:s8+$0xFFFFFFE0];
	_ =	sdelay $0x4  }
0x1b5: {  	v1 =	vadd.f32 v2, v1;
	_ =	sdelay $0x1  }
0x1b6: {  	[tilespmem:s9+$0xC820] =	vst v1;
	v1 =	vld [tilespmem:s9+$0xC830]  }
0x1b7: {  	v2 =	vld [tilespmem:s8+$0xFFFFFFF0];
	_ =	sdelay $0x4  }
0x1b8: {  	v1 =	vadd.f32 v2, v1;
	_ =	sdelay $0x1  }
0x1b9: {  	[tilespmem:s9+$0xC830] =	vst v1;
	v1 =	vld [tilespmem:s9+$0xC840]  }
0x1ba: {  	v2 =	vld [tilespmem:s8+$0x0];
	_ =	sdelay $0x4  }
0x1bb: {  	v1 =	vadd.f32 v2, v1;
	_ =	sdelay $0x1  }
0x1bc: {  	[tilespmem:s9+$0xC840] =	vst v1;
	v1 =	vld [tilespmem:s9+$0xC850]  }
0x1bd: {  	v2 =	vld [tilespmem:s8+$0x10];
	_ =	sdelay $0x4  }
0x1be: {  	v1 =	vadd.f32 v2, v1;
	_ =	sdelay $0x1  }
0x1bf: {  	[tilespmem:s9+$0xC850] =	vst v1;
	v1 =	vld [tilespmem:s9+$0xC860]  }
0x1c0: {  	v2 =	vld [tilespmem:s8+$0x20];
	_ =	sdelay $0x4  }
0x1c1: {  	v1 =	vadd.f32 v2, v1;
	_ =	sdelay $0x1  }
0x1c2: {  	[tilespmem:s9+$0xC860] =	vst v1;
	v1 =	vld [tilespmem:s9+$0xC870]  }
0x1c3: {  	v2 =	vld [tilespmem:s8+$0x30];
	_ =	sdelay $0x3  }
0x1c4: {  	s11 =	sadd.s32 $0x40, s26  }
0x1c5: {  	s11 =	sand.u32 $0xFE00, s11;
	s10 =	simm.s32 $0x80;
	v1 =	vadd.f32 v2, v1  }
.LBB2_12:
0x1c6: {  	p1 =	sne.s32 s10, $0x18C0;
	s11 =	sshrl.u32 s11, $0x2  }
0x1c7: {  	s8 =	sadd.s32 $0x80, s8;
	v2 =	vld [tilespmem:s11+$0xC800];
	[tilespmem:s9+$0xC870] =	vst v1;
	s9 =	smov.u32 s11  }
0x1c8: {  	v1 =	vld [tilespmem:s8+$0xFFFFFFC0];
	_ =	sdelay $0x4  }
0x1c9: {  	v1 =	vadd.f32 v1, v2;
	_ =	sdelay $0x1  }
0x1ca: {  	[tilespmem:s9+$0xC800] =	vst v1;
	v1 =	vld [tilespmem:s9+$0xC810]  }
0x1cb: {  	v2 =	vld [tilespmem:s8+$0xFFFFFFD0];
	_ =	sdelay $0x4  }
0x1cc: {  	v1 =	vadd.f32 v2, v1;
	_ =	sdelay $0x1  }
0x1cd: {  	[tilespmem:s9+$0xC810] =	vst v1;
	v1 =	vld [tilespmem:s9+$0xC820]  }
0x1ce: {  	v2 =	vld [tilespmem:s8+$0xFFFFFFE0];
	_ =	sdelay $0x4  }
0x1cf: {  	v1 =	vadd.f32 v2, v1;
	_ =	sdelay $0x1  }
0x1d0: {  	[tilespmem:s9+$0xC820] =	vst v1;
	v1 =	vld [tilespmem:s9+$0xC830]  }
0x1d1: {  	v2 =	vld [tilespmem:s8+$0xFFFFFFF0];
	_ =	sdelay $0x4  }
0x1d2: {  	v1 =	vadd.f32 v2, v1;
	_ =	sdelay $0x1  }
0x1d3: {  	[tilespmem:s9+$0xC830] =	vst v1;
	v1 =	vld [tilespmem:s9+$0xC840]  }
0x1d4: {  	v2 =	vld [tilespmem:s8+$0x0];
	_ =	sdelay $0x4  }
0x1d5: {  	v1 =	vadd.f32 v2, v1;
	_ =	sdelay $0x1  }
0x1d6: {  	[tilespmem:s9+$0xC840] =	vst v1;
	v1 =	vld [tilespmem:s9+$0xC850]  }
0x1d7: {  	v2 =	vld [tilespmem:s8+$0x10];
	_ =	sdelay $0x4  }
0x1d8: {  	v1 =	vadd.f32 v2, v1;
	_ =	sdelay $0x1  }
0x1d9: {  	[tilespmem:s9+$0xC850] =	vst v1;
	v1 =	vld [tilespmem:s9+$0xC860]  }
0x1da: {  	v2 =	vld [tilespmem:s8+$0x20];
	_ =	sdelay $0x4  }
0x1db: {  	v1 =	vadd.f32 v2, v1;
	_ =	sdelay $0x1  }
0x1dc: {  	[tilespmem:s9+$0xC860] =	vst v1;
	v1 =	vld [tilespmem:s9+$0xC870]  }
0x1dd: {  	v2 =	vld [tilespmem:s8+$0x30]  }
.Ltmp5:
0x1de: {  	(pc) =	sbr.rel @p1 .LBB2_12-.Ltmp5, $3  }
0x1df: {  	_ =	sdelay $0x1  }
0x1e0: {  	s11 =	sadd.s32 s10, s26  }
0x1e1: {  	s10 =	sadd.s32 $0x40, s10;
	s11 =	sand.u32 $0xFE00, s11;
	v1 =	vadd.f32 v2, v1  }
0x1e2: {  	s10 =	sshrl.u32 s11, $0x2  }
0x1e3: {  	s8 =	sadd.s32 $0x80, s8;
	v2 =	vld [tilespmem:s10+$0xC800];
	[tilespmem:s9+$0xC870] =	vst v1  }
0x1e4: {  	v1 =	vld [tilespmem:s8+$0xFFFFFFC0];
	_ =	sdelay $0x4  }
0x1e5: {  	v1 =	vadd.f32 v1, v2;
	_ =	sdelay $0x1  }
0x1e6: {  	[tilespmem:s10+$0xC800] =	vst v1;
	v1 =	vld [tilespmem:s10+$0xC810]  }
0x1e7: {  	v2 =	vld [tilespmem:s8+$0xFFFFFFD0];
	_ =	sdelay $0x4  }
0x1e8: {  	v1 =	vadd.f32 v2, v1;
	_ =	sdelay $0x1  }
0x1e9: {  	[tilespmem:s10+$0xC810] =	vst v1;
	v1 =	vld [tilespmem:s10+$0xC820]  }
0x1ea: {  	v2 =	vld [tilespmem:s8+$0xFFFFFFE0];
	_ =	sdelay $0x4  }
0x1eb: {  	v1 =	vadd.f32 v2, v1;
	_ =	sdelay $0x1  }
0x1ec: {  	[tilespmem:s10+$0xC820] =	vst v1;
	v1 =	vld [tilespmem:s10+$0xC830]  }
0x1ed: {  	v2 =	vld [tilespmem:s8+$0xFFFFFFF0];
	_ =	sdelay $0x4  }
0x1ee: {  	v1 =	vadd.f32 v2, v1;
	_ =	sdelay $0x1  }
0x1ef: {  	[tilespmem:s10+$0xC830] =	vst v1;
	v1 =	vld [tilespmem:s10+$0xC840]  }
0x1f0: {  	v2 =	vld [tilespmem:s8+$0x0];
	_ =	sdelay $0x4  }
0x1f1: {  	v1 =	vadd.f32 v2, v1;
	_ =	sdelay $0x1  }
0x1f2: {  	[tilespmem:s10+$0xC840] =	vst v1;
	v1 =	vld [tilespmem:s10+$0xC850]  }
0x1f3: {  	v2 =	vld [tilespmem:s8+$0x10];
	_ =	sdelay $0x4  }
0x1f4: {  	v1 =	vadd.f32 v2, v1;
	_ =	sdelay $0x1  }
0x1f5: {  	[tilespmem:s10+$0xC850] =	vst v1;
	v1 =	vld [tilespmem:s10+$0xC860]  }
0x1f6: {  	v2 =	vld [tilespmem:s8+$0x20];
	_ =	sdelay $0x4  }
0x1f7: {  	v1 =	vadd.f32 v2, v1;
	_ =	sdelay $0x1  }
0x1f8: {  	[tilespmem:s10+$0xC860] =	vst v1;
	v1 =	vld [tilespmem:s10+$0xC870]  }
0x1f9: {  	v2 =	vld [tilespmem:s8+$0x30];
	_ =	sdelay $0x4  }
0x1fa: {  	v1 =	vadd.f32 v2, v1;
	_ =	sdelay $0x1  }
0x1fb: {  	s9 =	simm.s32 $0x0;
	[tilespmem:s10+$0xC870] =	vst v1  }
0x1fc: {  	[tilespmem:s9], [sflag:$0x3] =	stream.linear.gather [hbm4b:s18+s9], $0x3200, $0x38;
	[tilespmem:$0x1FC28] =	vst v63  }
0x1fd: {  	_ =	swait.ge [sflag:s0], $0x3200  }
0x1fe: {  	[sflag:s0] =	ssyncset.done $0x0  }
0x1ff: {  	[sflag:s0] =	ssyncadd.s32 $0xFFFFCE00  }
0x200: {  	[tilespmem:s2], [sflag:$0x1] =	stream.indirect.gather [spmem:s1], $0x1, s9, s2, $0xb8;
	[tilespmem:$0x1FC28] =	vst v63  }
0x201: {  	s10 =	sadd.s32 $0x0, s28;
	_ =	swait.ge [sflag:s6], $0x3200  }
0x202: {  	s8 =	sand.u32 $0xFE00, s10;
	[sflag:s6] =	ssyncset.done $0x0  }
0x203: {  	s9 =	sshrl.u32 s8, $0x2;
	[sflag:s6] =	ssyncadd.s32 $0xFFFFCE00  }
0x204: {  	s8 =	simm.s32 $0x9640;
	v1 =	vld [tilespmem:s9+$0xC800]  }
0x205: {  	v2 =	vld [tilespmem:s8+$0xFFFFFFC0];
	_ =	sdelay $0x4  }
0x206: {  	v1 =	vadd.f32 v2, v1;
	_ =	sdelay $0x1  }
0x207: {  	[tilespmem:s9+$0xC800] =	vst v1;
	v1 =	vld [tilespmem:s9+$0xC810]  }
0x208: {  	v2 =	vld [tilespmem:s8+$0xFFFFFFD0];
	_ =	sdelay $0x4  }
0x209: {  	v1 =	vadd.f32 v2, v1;
	_ =	sdelay $0x1  }
0x20a: {  	[tilespmem:s9+$0xC810] =	vst v1;
	v1 =	vld [tilespmem:s9+$0xC820]  }
0x20b: {  	v2 =	vld [tilespmem:s8+$0xFFFFFFE0];
	_ =	sdelay $0x4  }
0x20c: {  	v1 =	vadd.f32 v2, v1;
	_ =	sdelay $0x1  }
0x20d: {  	[tilespmem:s9+$0xC820] =	vst v1;
	v1 =	vld [tilespmem:s9+$0xC830]  }
0x20e: {  	v2 =	vld [tilespmem:s8+$0xFFFFFFF0];
	_ =	sdelay $0x4  }
0x20f: {  	v1 =	vadd.f32 v2, v1;
	_ =	sdelay $0x1  }
0x210: {  	[tilespmem:s9+$0xC830] =	vst v1;
	v1 =	vld [tilespmem:s9+$0xC840]  }
0x211: {  	v2 =	vld [tilespmem:s8+$0x0];
	_ =	sdelay $0x4  }
0x212: {  	v1 =	vadd.f32 v2, v1;
	_ =	sdelay $0x1  }
0x213: {  	[tilespmem:s9+$0xC840] =	vst v1;
	v1 =	vld [tilespmem:s9+$0xC850]  }
0x214: {  	v2 =	vld [tilespmem:s8+$0x10];
	_ =	sdelay $0x4  }
0x215: {  	v1 =	vadd.f32 v2, v1;
	_ =	sdelay $0x1  }
0x216: {  	[tilespmem:s9+$0xC850] =	vst v1;
	v1 =	vld [tilespmem:s9+$0xC860]  }
0x217: {  	v2 =	vld [tilespmem:s8+$0x20];
	_ =	sdelay $0x4  }
0x218: {  	v1 =	vadd.f32 v2, v1;
	_ =	sdelay $0x1  }
0x219: {  	[tilespmem:s9+$0xC860] =	vst v1;
	v1 =	vld [tilespmem:s9+$0xC870]  }
0x21a: {  	v2 =	vld [tilespmem:s8+$0x30];
	_ =	sdelay $0x3  }
0x21b: {  	s11 =	sadd.s32 $0x40, s28  }
0x21c: {  	s11 =	sand.u32 $0xFE00, s11;
	s10 =	simm.s32 $0x80;
	v1 =	vadd.f32 v2, v1  }
.LBB2_14:
0x21d: {  	p1 =	sne.s32 s10, $0x18C0;
	s11 =	sshrl.u32 s11, $0x2  }
0x21e: {  	s8 =	sadd.s32 $0x80, s8;
	v2 =	vld [tilespmem:s11+$0xC800];
	[tilespmem:s9+$0xC870] =	vst v1;
	s9 =	smov.u32 s11  }
0x21f: {  	v1 =	vld [tilespmem:s8+$0xFFFFFFC0];
	_ =	sdelay $0x4  }
0x220: {  	v1 =	vadd.f32 v1, v2;
	_ =	sdelay $0x1  }
0x221: {  	[tilespmem:s9+$0xC800] =	vst v1;
	v1 =	vld [tilespmem:s9+$0xC810]  }
0x222: {  	v2 =	vld [tilespmem:s8+$0xFFFFFFD0];
	_ =	sdelay $0x4  }
0x223: {  	v1 =	vadd.f32 v2, v1;
	_ =	sdelay $0x1  }
0x224: {  	[tilespmem:s9+$0xC810] =	vst v1;
	v1 =	vld [tilespmem:s9+$0xC820]  }
0x225: {  	v2 =	vld [tilespmem:s8+$0xFFFFFFE0];
	_ =	sdelay $0x4  }
0x226: {  	v1 =	vadd.f32 v2, v1;
	_ =	sdelay $0x1  }
0x227: {  	[tilespmem:s9+$0xC820] =	vst v1;
	v1 =	vld [tilespmem:s9+$0xC830]  }
0x228: {  	v2 =	vld [tilespmem:s8+$0xFFFFFFF0];
	_ =	sdelay $0x4  }
0x229: {  	v1 =	vadd.f32 v2, v1;
	_ =	sdelay $0x1  }
0x22a: {  	[tilespmem:s9+$0xC830] =	vst v1;
	v1 =	vld [tilespmem:s9+$0xC840]  }
0x22b: {  	v2 =	vld [tilespmem:s8+$0x0];
	_ =	sdelay $0x4  }
0x22c: {  	v1 =	vadd.f32 v2, v1;
	_ =	sdelay $0x1  }
0x22d: {  	[tilespmem:s9+$0xC840] =	vst v1;
	v1 =	vld [tilespmem:s9+$0xC850]  }
0x22e: {  	v2 =	vld [tilespmem:s8+$0x10];
	_ =	sdelay $0x4  }
0x22f: {  	v1 =	vadd.f32 v2, v1;
	_ =	sdelay $0x1  }
0x230: {  	[tilespmem:s9+$0xC850] =	vst v1;
	v1 =	vld [tilespmem:s9+$0xC860]  }
0x231: {  	v2 =	vld [tilespmem:s8+$0x20];
	_ =	sdelay $0x4  }
0x232: {  	v1 =	vadd.f32 v2, v1;
	_ =	sdelay $0x1  }
0x233: {  	[tilespmem:s9+$0xC860] =	vst v1;
	v1 =	vld [tilespmem:s9+$0xC870]  }
0x234: {  	v2 =	vld [tilespmem:s8+$0x30]  }
.Ltmp6:
0x235: {  	(pc) =	sbr.rel @p1 .LBB2_14-.Ltmp6, $3  }
0x236: {  	_ =	sdelay $0x1  }
0x237: {  	s11 =	sadd.s32 s10, s28  }
0x238: {  	s10 =	sadd.s32 $0x40, s10;
	s11 =	sand.u32 $0xFE00, s11;
	v1 =	vadd.f32 v2, v1  }
0x239: {  	s10 =	sshrl.u32 s11, $0x2  }
0x23a: {  	s8 =	sadd.s32 $0x80, s8;
	v2 =	vld [tilespmem:s10+$0xC800];
	[tilespmem:s9+$0xC870] =	vst v1  }
0x23b: {  	v1 =	vld [tilespmem:s8+$0xFFFFFFC0];
	_ =	sdelay $0x4  }
0x23c: {  	v1 =	vadd.f32 v1, v2;
	_ =	sdelay $0x1  }
0x23d: {  	[tilespmem:s10+$0xC800] =	vst v1;
	v1 =	vld [tilespmem:s10+$0xC810]  }
0x23e: {  	v2 =	vld [tilespmem:s8+$0xFFFFFFD0];
	_ =	sdelay $0x4  }
0x23f: {  	v1 =	vadd.f32 v2, v1;
	_ =	sdelay $0x1  }
0x240: {  	[tilespmem:s10+$0xC810] =	vst v1;
	v1 =	vld [tilespmem:s10+$0xC820]  }
0x241: {  	v2 =	vld [tilespmem:s8+$0xFFFFFFE0];
	_ =	sdelay $0x4  }
0x242: {  	v1 =	vadd.f32 v2, v1;
	_ =	sdelay $0x1  }
0x243: {  	[tilespmem:s10+$0xC820] =	vst v1;
	v1 =	vld [tilespmem:s10+$0xC830]  }
0x244: {  	v2 =	vld [tilespmem:s8+$0xFFFFFFF0];
	_ =	sdelay $0x4  }
0x245: {  	v1 =	vadd.f32 v2, v1;
	_ =	sdelay $0x1  }
0x246: {  	[tilespmem:s10+$0xC830] =	vst v1;
	v1 =	vld [tilespmem:s10+$0xC840]  }
0x247: {  	v2 =	vld [tilespmem:s8+$0x0];
	_ =	sdelay $0x4  }
0x248: {  	v1 =	vadd.f32 v2, v1;
	_ =	sdelay $0x1  }
0x249: {  	[tilespmem:s10+$0xC840] =	vst v1;
	v1 =	vld [tilespmem:s10+$0xC850]  }
0x24a: {  	v2 =	vld [tilespmem:s8+$0x10];
	_ =	sdelay $0x4  }
0x24b: {  	v1 =	vadd.f32 v2, v1;
	_ =	sdelay $0x1  }
0x24c: {  	[tilespmem:s10+$0xC850] =	vst v1;
	v1 =	vld [tilespmem:s10+$0xC860]  }
0x24d: {  	v2 =	vld [tilespmem:s8+$0x20];
	_ =	sdelay $0x4  }
0x24e: {  	v1 =	vadd.f32 v2, v1;
	_ =	sdelay $0x1  }
0x24f: {  	[tilespmem:s10+$0xC860] =	vst v1;
	v1 =	vld [tilespmem:s10+$0xC870]  }
0x250: {  	v2 =	vld [tilespmem:s8+$0x30];
	_ =	sdelay $0x4  }
0x251: {  	v1 =	vadd.f32 v2, v1;
	_ =	sdelay $0x1  }
0x252: {  	s9 =	simm.s32 $0x0;
	[tilespmem:s10+$0xC870] =	vst v1  }
0x253: {  	[tilespmem:s4], [sflag:$0x3] =	stream.linear.gather [hbm4b:s19+s9], $0x3200, $0x38;
	[tilespmem:$0x1FC28] =	vst v63  }
0x254: {  	_ =	swait.ge [sflag:s0], $0x3200  }
0x255: {  	[sflag:s0] =	ssyncset.done $0x0  }
0x256: {  	[sflag:s0] =	ssyncadd.s32 $0xFFFFCE00  }
0x257: {  	[tilespmem:s31], [sflag:$0x2] =	stream.indirect.gather [spmem:s1], $0x1, s4, s2, $0xb8;
	[tilespmem:$0x1FC28] =	vst v63  }
0x258: {  	s10 =	sadd.s32 $0x0, s29;
	_ =	swait.ge [sflag:s5], $0x3200  }
0x259: {  	s8 =	sand.u32 $0xFE00, s10;
	[sflag:s5] =	ssyncset.done $0x0  }
0x25a: {  	s9 =	sshrl.u32 s8, $0x2;
	[sflag:s5] =	ssyncadd.s32 $0xFFFFCE00  }
0x25b: {  	s8 =	simm.s32 $0x3240;
	v1 =	vld [tilespmem:s9+$0xC800]  }
0x25c: {  	v2 =	vld [tilespmem:s8+$0xFFFFFFC0];
	_ =	sdelay $0x4  }
0x25d: {  	v1 =	vadd.f32 v2, v1;
	_ =	sdelay $0x1  }
0x25e: {  	[tilespmem:s9+$0xC800] =	vst v1;
	v1 =	vld [tilespmem:s9+$0xC810]  }
0x25f: {  	v2 =	vld [tilespmem:s8+$0xFFFFFFD0];
	_ =	sdelay $0x4  }
0x260: {  	v1 =	vadd.f32 v2, v1;
	_ =	sdelay $0x1  }
0x261: {  	[tilespmem:s9+$0xC810] =	vst v1;
	v1 =	vld [tilespmem:s9+$0xC820]  }
0x262: {  	v2 =	vld [tilespmem:s8+$0xFFFFFFE0];
	_ =	sdelay $0x4  }
0x263: {  	v1 =	vadd.f32 v2, v1;
	_ =	sdelay $0x1  }
0x264: {  	[tilespmem:s9+$0xC820] =	vst v1;
	v1 =	vld [tilespmem:s9+$0xC830]  }
0x265: {  	v2 =	vld [tilespmem:s8+$0xFFFFFFF0];
	_ =	sdelay $0x4  }
0x266: {  	v1 =	vadd.f32 v2, v1;
	_ =	sdelay $0x1  }
0x267: {  	[tilespmem:s9+$0xC830] =	vst v1;
	v1 =	vld [tilespmem:s9+$0xC840]  }
0x268: {  	v2 =	vld [tilespmem:s8+$0x0];
	_ =	sdelay $0x4  }
0x269: {  	v1 =	vadd.f32 v2, v1;
	_ =	sdelay $0x1  }
0x26a: {  	[tilespmem:s9+$0xC840] =	vst v1;
	v1 =	vld [tilespmem:s9+$0xC850]  }
0x26b: {  	v2 =	vld [tilespmem:s8+$0x10];
	_ =	sdelay $0x4  }
0x26c: {  	v1 =	vadd.f32 v2, v1;
	_ =	sdelay $0x1  }
0x26d: {  	[tilespmem:s9+$0xC850] =	vst v1;
	v1 =	vld [tilespmem:s9+$0xC860]  }
0x26e: {  	v2 =	vld [tilespmem:s8+$0x20];
	_ =	sdelay $0x4  }
0x26f: {  	v1 =	vadd.f32 v2, v1;
	_ =	sdelay $0x1  }
0x270: {  	[tilespmem:s9+$0xC860] =	vst v1;
	v1 =	vld [tilespmem:s9+$0xC870]  }
0x271: {  	v2 =	vld [tilespmem:s8+$0x30];
	_ =	sdelay $0x3  }
0x272: {  	s11 =	sadd.s32 $0x40, s29  }
0x273: {  	s11 =	sand.u32 $0xFE00, s11;
	s10 =	simm.s32 $0x80;
	v1 =	vadd.f32 v2, v1  }
.LBB2_16:
0x274: {  	p1 =	sne.s32 s10, $0x18C0;
	s11 =	sshrl.u32 s11, $0x2  }
0x275: {  	s8 =	sadd.s32 $0x80, s8;
	v2 =	vld [tilespmem:s11+$0xC800];
	[tilespmem:s9+$0xC870] =	vst v1;
	s9 =	smov.u32 s11  }
0x276: {  	v1 =	vld [tilespmem:s8+$0xFFFFFFC0];
	_ =	sdelay $0x4  }
0x277: {  	v1 =	vadd.f32 v1, v2;
	_ =	sdelay $0x1  }
0x278: {  	[tilespmem:s9+$0xC800] =	vst v1;
	v1 =	vld [tilespmem:s9+$0xC810]  }
0x279: {  	v2 =	vld [tilespmem:s8+$0xFFFFFFD0];
	_ =	sdelay $0x4  }
0x27a: {  	v1 =	vadd.f32 v2, v1;
	_ =	sdelay $0x1  }
0x27b: {  	[tilespmem:s9+$0xC810] =	vst v1;
	v1 =	vld [tilespmem:s9+$0xC820]  }
0x27c: {  	v2 =	vld [tilespmem:s8+$0xFFFFFFE0];
	_ =	sdelay $0x4  }
0x27d: {  	v1 =	vadd.f32 v2, v1;
	_ =	sdelay $0x1  }
0x27e: {  	[tilespmem:s9+$0xC820] =	vst v1;
	v1 =	vld [tilespmem:s9+$0xC830]  }
0x27f: {  	v2 =	vld [tilespmem:s8+$0xFFFFFFF0];
	_ =	sdelay $0x4  }
0x280: {  	v1 =	vadd.f32 v2, v1;
	_ =	sdelay $0x1  }
0x281: {  	[tilespmem:s9+$0xC830] =	vst v1;
	v1 =	vld [tilespmem:s9+$0xC840]  }
0x282: {  	v2 =	vld [tilespmem:s8+$0x0];
	_ =	sdelay $0x4  }
0x283: {  	v1 =	vadd.f32 v2, v1;
	_ =	sdelay $0x1  }
0x284: {  	[tilespmem:s9+$0xC840] =	vst v1;
	v1 =	vld [tilespmem:s9+$0xC850]  }
0x285: {  	v2 =	vld [tilespmem:s8+$0x10];
	_ =	sdelay $0x4  }
0x286: {  	v1 =	vadd.f32 v2, v1;
	_ =	sdelay $0x1  }
0x287: {  	[tilespmem:s9+$0xC850] =	vst v1;
	v1 =	vld [tilespmem:s9+$0xC860]  }
0x288: {  	v2 =	vld [tilespmem:s8+$0x20];
	_ =	sdelay $0x4  }
0x289: {  	v1 =	vadd.f32 v2, v1;
	_ =	sdelay $0x1  }
0x28a: {  	[tilespmem:s9+$0xC860] =	vst v1;
	v1 =	vld [tilespmem:s9+$0xC870]  }
0x28b: {  	v2 =	vld [tilespmem:s8+$0x30]  }
.Ltmp7:
0x28c: {  	(pc) =	sbr.rel @p1 .LBB2_16-.Ltmp7, $3  }
0x28d: {  	_ =	sdelay $0x1  }
0x28e: {  	s11 =	sadd.s32 s10, s29  }
0x28f: {  	s10 =	sadd.s32 $0x40, s10;
	s11 =	sand.u32 $0xFE00, s11;
	v1 =	vadd.f32 v2, v1  }
0x290: {  	s10 =	sshrl.u32 s11, $0x2  }
0x291: {  	s8 =	sadd.s32 $0x80, s8;
	v2 =	vld [tilespmem:s10+$0xC800];
	[tilespmem:s9+$0xC870] =	vst v1  }
0x292: {  	v1 =	vld [tilespmem:s8+$0xFFFFFFC0];
	_ =	sdelay $0x4  }
0x293: {  	v1 =	vadd.f32 v1, v2;
	_ =	sdelay $0x1  }
0x294: {  	[tilespmem:s10+$0xC800] =	vst v1;
	v1 =	vld [tilespmem:s10+$0xC810]  }
0x295: {  	v2 =	vld [tilespmem:s8+$0xFFFFFFD0];
	_ =	sdelay $0x4  }
0x296: {  	v1 =	vadd.f32 v2, v1;
	_ =	sdelay $0x1  }
0x297: {  	[tilespmem:s10+$0xC810] =	vst v1;
	v1 =	vld [tilespmem:s10+$0xC820]  }
0x298: {  	v2 =	vld [tilespmem:s8+$0xFFFFFFE0];
	_ =	sdelay $0x4  }
0x299: {  	v1 =	vadd.f32 v2, v1;
	_ =	sdelay $0x1  }
0x29a: {  	[tilespmem:s10+$0xC820] =	vst v1;
	v1 =	vld [tilespmem:s10+$0xC830]  }
0x29b: {  	v2 =	vld [tilespmem:s8+$0xFFFFFFF0];
	_ =	sdelay $0x4  }
0x29c: {  	v1 =	vadd.f32 v2, v1;
	_ =	sdelay $0x1  }
0x29d: {  	[tilespmem:s10+$0xC830] =	vst v1;
	v1 =	vld [tilespmem:s10+$0xC840]  }
0x29e: {  	v2 =	vld [tilespmem:s8+$0x0];
	_ =	sdelay $0x4  }
0x29f: {  	v1 =	vadd.f32 v2, v1;
	_ =	sdelay $0x1  }
0x2a0: {  	[tilespmem:s10+$0xC840] =	vst v1;
	v1 =	vld [tilespmem:s10+$0xC850]  }
0x2a1: {  	v2 =	vld [tilespmem:s8+$0x10];
	_ =	sdelay $0x4  }
0x2a2: {  	v1 =	vadd.f32 v2, v1;
	_ =	sdelay $0x1  }
0x2a3: {  	[tilespmem:s10+$0xC850] =	vst v1;
	v1 =	vld [tilespmem:s10+$0xC860]  }
0x2a4: {  	v2 =	vld [tilespmem:s8+$0x20];
	_ =	sdelay $0x4  }
0x2a5: {  	v1 =	vadd.f32 v2, v1;
	_ =	sdelay $0x1  }
0x2a6: {  	[tilespmem:s10+$0xC860] =	vst v1;
	v1 =	vld [tilespmem:s10+$0xC870]  }
0x2a7: {  	v2 =	vld [tilespmem:s8+$0x30];
	_ =	sdelay $0x4  }
0x2a8: {  	v1 =	vadd.f32 v2, v1;
	_ =	sdelay $0x1  }
0x2a9: {  	[tilespmem:s10+$0xC870] =	vst v1  }
0x2aa: {  	s10 =	sadd.s32 $0x0, s30;
	_ =	swait.ge [sflag:s6], $0x3200  }
0x2ab: {  	s8 =	sand.u32 $0xFE00, s10;
	[sflag:s6] =	ssyncset.done $0x0  }
0x2ac: {  	s9 =	sshrl.u32 s8, $0x2;
	[sflag:s6] =	ssyncadd.s32 $0xFFFFCE00  }
0x2ad: {  	s8 =	simm.s32 $0x9640;
	v1 =	vld [tilespmem:s9+$0xC800]  }
0x2ae: {  	v2 =	vld [tilespmem:s8+$0xFFFFFFC0];
	_ =	sdelay $0x4  }
0x2af: {  	v1 =	vadd.f32 v2, v1;
	_ =	sdelay $0x1  }
0x2b0: {  	[tilespmem:s9+$0xC800] =	vst v1;
	v1 =	vld [tilespmem:s9+$0xC810]  }
0x2b1: {  	v2 =	vld [tilespmem:s8+$0xFFFFFFD0];
	_ =	sdelay $0x4  }
0x2b2: {  	v1 =	vadd.f32 v2, v1;
	_ =	sdelay $0x1  }
0x2b3: {  	[tilespmem:s9+$0xC810] =	vst v1;
	v1 =	vld [tilespmem:s9+$0xC820]  }
0x2b4: {  	v2 =	vld [tilespmem:s8+$0xFFFFFFE0];
	_ =	sdelay $0x4  }
0x2b5: {  	v1 =	vadd.f32 v2, v1;
	_ =	sdelay $0x1  }
0x2b6: {  	[tilespmem:s9+$0xC820] =	vst v1;
	v1 =	vld [tilespmem:s9+$0xC830]  }
0x2b7: {  	v2 =	vld [tilespmem:s8+$0xFFFFFFF0];
	_ =	sdelay $0x4  }
0x2b8: {  	v1 =	vadd.f32 v2, v1;
	_ =	sdelay $0x1  }
0x2b9: {  	[tilespmem:s9+$0xC830] =	vst v1;
	v1 =	vld [tilespmem:s9+$0xC840]  }
0x2ba: {  	v2 =	vld [tilespmem:s8+$0x0];
	_ =	sdelay $0x4  }
0x2bb: {  	v1 =	vadd.f32 v2, v1;
	_ =	sdelay $0x1  }
0x2bc: {  	[tilespmem:s9+$0xC840] =	vst v1;
	v1 =	vld [tilespmem:s9+$0xC850]  }
0x2bd: {  	v2 =	vld [tilespmem:s8+$0x10];
	_ =	sdelay $0x4  }
0x2be: {  	v1 =	vadd.f32 v2, v1;
	_ =	sdelay $0x1  }
0x2bf: {  	[tilespmem:s9+$0xC850] =	vst v1;
	v1 =	vld [tilespmem:s9+$0xC860]  }
0x2c0: {  	v2 =	vld [tilespmem:s8+$0x20];
	_ =	sdelay $0x4  }
0x2c1: {  	v1 =	vadd.f32 v2, v1;
	_ =	sdelay $0x1  }
0x2c2: {  	[tilespmem:s9+$0xC860] =	vst v1;
	v1 =	vld [tilespmem:s9+$0xC870]  }
0x2c3: {  	v2 =	vld [tilespmem:s8+$0x30];
	_ =	sdelay $0x3  }
0x2c4: {  	s11 =	sadd.s32 $0x40, s30  }
0x2c5: {  	s11 =	sand.u32 $0xFE00, s11;
	s10 =	simm.s32 $0x80;
	v1 =	vadd.f32 v2, v1  }
.LBB2_18:
0x2c6: {  	p1 =	sne.s32 s10, $0x18C0;
	s11 =	sshrl.u32 s11, $0x2  }
0x2c7: {  	s8 =	sadd.s32 $0x80, s8;
	v2 =	vld [tilespmem:s11+$0xC800];
	[tilespmem:s9+$0xC870] =	vst v1;
	s9 =	smov.u32 s11  }
0x2c8: {  	v1 =	vld [tilespmem:s8+$0xFFFFFFC0];
	_ =	sdelay $0x4  }
0x2c9: {  	v1 =	vadd.f32 v1, v2;
	_ =	sdelay $0x1  }
0x2ca: {  	[tilespmem:s9+$0xC800] =	vst v1;
	v1 =	vld [tilespmem:s9+$0xC810]  }
0x2cb: {  	v2 =	vld [tilespmem:s8+$0xFFFFFFD0];
	_ =	sdelay $0x4  }
0x2cc: {  	v1 =	vadd.f32 v2, v1;
	_ =	sdelay $0x1  }
0x2cd: {  	[tilespmem:s9+$0xC810] =	vst v1;
	v1 =	vld [tilespmem:s9+$0xC820]  }
0x2ce: {  	v2 =	vld [tilespmem:s8+$0xFFFFFFE0];
	_ =	sdelay $0x4  }
0x2cf: {  	v1 =	vadd.f32 v2, v1;
	_ =	sdelay $0x1  }
0x2d0: {  	[tilespmem:s9+$0xC820] =	vst v1;
	v1 =	vld [tilespmem:s9+$0xC830]  }
0x2d1: {  	v2 =	vld [tilespmem:s8+$0xFFFFFFF0];
	_ =	sdelay $0x4  }
0x2d2: {  	v1 =	vadd.f32 v2, v1;
	_ =	sdelay $0x1  }
0x2d3: {  	[tilespmem:s9+$0xC830] =	vst v1;
	v1 =	vld [tilespmem:s9+$0xC840]  }
0x2d4: {  	v2 =	vld [tilespmem:s8+$0x0];
	_ =	sdelay $0x4  }
0x2d5: {  	v1 =	vadd.f32 v2, v1;
	_ =	sdelay $0x1  }
0x2d6: {  	[tilespmem:s9+$0xC840] =	vst v1;
	v1 =	vld [tilespmem:s9+$0xC850]  }
0x2d7: {  	v2 =	vld [tilespmem:s8+$0x10];
	_ =	sdelay $0x4  }
0x2d8: {  	v1 =	vadd.f32 v2, v1;
	_ =	sdelay $0x1  }
0x2d9: {  	[tilespmem:s9+$0xC850] =	vst v1;
	v1 =	vld [tilespmem:s9+$0xC860]  }
0x2da: {  	v2 =	vld [tilespmem:s8+$0x20];
	_ =	sdelay $0x4  }
0x2db: {  	v1 =	vadd.f32 v2, v1;
	_ =	sdelay $0x1  }
0x2dc: {  	[tilespmem:s9+$0xC860] =	vst v1;
	v1 =	vld [tilespmem:s9+$0xC870]  }
0x2dd: {  	v2 =	vld [tilespmem:s8+$0x30]  }
.Ltmp8:
0x2de: {  	(pc) =	sbr.rel @p1 .LBB2_18-.Ltmp8, $3  }
0x2df: {  	_ =	sdelay $0x1  }
0x2e0: {  	s11 =	sadd.s32 s10, s30  }
0x2e1: {  	s10 =	sadd.s32 $0x40, s10;
	s11 =	sand.u32 $0xFE00, s11;
	v1 =	vadd.f32 v2, v1  }
0x2e2: {  	s10 =	sshrl.u32 s11, $0x2  }
0x2e3: {  	s8 =	sadd.s32 $0x80, s8;
	v2 =	vld [tilespmem:s10+$0xC800];
	[tilespmem:s9+$0xC870] =	vst v1  }
0x2e4: {  	v1 =	vld [tilespmem:s8+$0xFFFFFFC0];
	_ =	sdelay $0x4  }
0x2e5: {  	v1 =	vadd.f32 v1, v2;
	_ =	sdelay $0x1  }
0x2e6: {  	[tilespmem:s10+$0xC800] =	vst v1;
	v1 =	vld [tilespmem:s10+$0xC810]  }
0x2e7: {  	v2 =	vld [tilespmem:s8+$0xFFFFFFD0];
	_ =	sdelay $0x4  }
0x2e8: {  	v1 =	vadd.f32 v2, v1;
	_ =	sdelay $0x1  }
0x2e9: {  	[tilespmem:s10+$0xC810] =	vst v1;
	v1 =	vld [tilespmem:s10+$0xC820]  }
0x2ea: {  	v2 =	vld [tilespmem:s8+$0xFFFFFFE0];
	_ =	sdelay $0x4  }
0x2eb: {  	v1 =	vadd.f32 v2, v1;
	_ =	sdelay $0x1  }
0x2ec: {  	[tilespmem:s10+$0xC820] =	vst v1;
	v1 =	vld [tilespmem:s10+$0xC830]  }
0x2ed: {  	v2 =	vld [tilespmem:s8+$0xFFFFFFF0];
	_ =	sdelay $0x4  }
0x2ee: {  	v1 =	vadd.f32 v2, v1;
	_ =	sdelay $0x1  }
0x2ef: {  	[tilespmem:s10+$0xC830] =	vst v1;
	v1 =	vld [tilespmem:s10+$0xC840]  }
0x2f0: {  	v2 =	vld [tilespmem:s8+$0x0];
	_ =	sdelay $0x4  }
0x2f1: {  	v1 =	vadd.f32 v2, v1;
	_ =	sdelay $0x1  }
0x2f2: {  	[tilespmem:s10+$0xC840] =	vst v1;
	v1 =	vld [tilespmem:s10+$0xC850]  }
0x2f3: {  	v2 =	vld [tilespmem:s8+$0x10];
	_ =	sdelay $0x4  }
0x2f4: {  	v1 =	vadd.f32 v2, v1;
	_ =	sdelay $0x1  }
0x2f5: {  	[tilespmem:s10+$0xC850] =	vst v1;
	v1 =	vld [tilespmem:s10+$0xC860]  }
0x2f6: {  	v2 =	vld [tilespmem:s8+$0x20];
	_ =	sdelay $0x4  }
0x2f7: {  	v1 =	vadd.f32 v2, v1;
	_ =	sdelay $0x1  }
0x2f8: {  	[tilespmem:s10+$0xC860] =	vst v1;
	v1 =	vld [tilespmem:s10+$0xC870]  }
0x2f9: {  	v2 =	vld [tilespmem:s8+$0x30];
	_ =	sdelay $0x4  }
0x2fa: {  	s7 =	sadd.s32 $0x1, s7;
	v1 =	vadd.f32 v2, v1  }
0x2fb: {  	s11 =	simm.s32 $0xC800;
	p1 =	sne.s32 s7, s21  }
.Ltmp9:
0x2fc: {  	s9 =	simm.s32 $0x80;
	[tilespmem:s10+$0xC870] =	vst v1;
	s10 =	simm.s32 $0x400;
	(pc) =	sbr.rel @p1 .LBB2_1-.Ltmp9, $4  }
0x2fd: {  	[hbm4b:s20+s9] =	stream.strided.scatter [tilespmem:s11], [sflag:$0x3], $0x4000, s10, s9, $0x38;
	[tilespmem:$0x1FC28] =	vst v63  }
0x2fe: {  	_ =	swait.ge [sflag:s0], $0x4000  }
0x2ff: {  	[sflag:s0] =	ssyncset.done $0x0  }
0x300: {  	[sflag:s0] =	ssyncadd.s32 $0xFFFFC000  }
0x301: {  	_ =	sfence.sel $0x180000  }
0x302: {  	[bflag:$0x0] =	sbarrier.arrive $0xFFFF  }
0x303: {  	_ =	strace $0x90000047  }
0x304: {  	s0 =	stileid.u32;
	[bflag:$0x2] =	sbarrier.arrive $0xFFFF  }
0x305: {  	p0 =	sne.s32 s0, $0x0;
	s0 =	rddreg [dreg:$0x3]  }
0x306: {  	s0 =	sadd.s32 @!p0 $0x100000, s0  }
0x307: {  	[sflag:s0] =	ssyncadd.tile.s32 @!p0 $0x1;
	_ =	shalt  }
.Lfunc_end2:
_tile_overlayer_lowered:
.L_overlay_start_2:
0x308: {  	(tag) =	ssettag $0x2  }
0x309: {  	s0 =	rddreg [dreg:$0x0];
	s2 =	stileid.u32  }
0x30a: {  	s1 =	rddreg [dreg:$0x1];
	p0 =	sne.s32 s2, $0x0  }
0x30b: {  	s3 =	rddreg [dreg:$0x2];
	[bflag:$0x3] =	sbarrier.arrive $0xFFFF;
	s2 =	simm.s32 @!p0 $0x1C03  }
0x30c: {  	[timem:s3], [sflag:s2] =	dma.local @!p0 [hbm:s0], s1  }
0x30d: {  	s0 =	simm.s32 @!p0 $0x3  }
0x30e: {  	_ =	swait.ge @!p0 [sflag:s0], s1  }
0x30f: {  	s1 =	ssub.s32 @!p0 $0x0, s1;
	[sflag:s0] =	ssyncset.done @!p0 $0x0  }
0x310: {  	[sflag:s0] =	ssyncadd.s32 @!p0 s1  }
0x311: {  	[bflag:$0x3] =	sbarrier.arrive $0xFFFF  }
0x312: {  	_ =	shalt  }

</sc_bundles>
